<compile_context>
chip_gen: v7x
topology: tpu7x:2x2x1
jax: 0.10.2.dev20260603
libtpu: 0.0.44.dev20260713+nightly
codegen_flags: <defaults>
</compile_context>

<pallas_src>
import jax
import jax.numpy as jnp
from jax import lax
from jax.experimental import pallas as pl
from jax.experimental.pallas import tpu as pltpu
from jax.experimental.pallas import tpu_sc as plsc

_N = 100
_HALF = 50
_NPAD = 112
_NCHUNK = 7
_B = 64
_NW = 32
_LN2 = 0.6931471805599453
_SQRT2 = 1.4142135623730951
_I32MIN = -2147483648


def _log16(x):
    bits = plsc.bitcast(x, jnp.int32)
    e = lax.shift_right_arithmetic(bits, 23) - 127
    m = plsc.bitcast((bits & 0x007FFFFF) | 0x3F800000, jnp.float32)
    big = m > _SQRT2
    m = jnp.where(big, m * 0.5, m)
    e = jnp.where(big, e + 1, e)
    t = (m - 1.0) / (m + 1.0)
    t2 = t * t
    p = 1.0 + t2 * (1.0 / 3.0 + t2 * (0.2 + t2 * (1.0 / 7.0 + t2 * (1.0 / 9.0))))
    return e.astype(jnp.float32) * _LN2 + 2.0 * t * p


def _load_row_chunks(stage_v, off, fill):
    chunks = [stage_v[pl.ds(off + 16 * c, 16)] for c in range(6)]
    tail_src = stage_v[pl.ds(off + 84, 16)]
    tail = tail_src.at[jnp.minimum(lax.iota(jnp.int32, 16) + 12, 15)].get(
        mode="promise_in_bounds")
    lane = lax.iota(jnp.int32, 16)
    chunks.append(jnp.where(lane < 4, tail, fill))
    return chunks


def _row_term(lab_chunks, s_chunks, key_v, sorted_v, p_v, q_v):
    iotas = [lax.iota(jnp.int32, 16) + 16 * a for a in range(_NCHUNK)]

    keys = []
    for c, ch in enumerate(lab_chunks):
        b = plsc.bitcast(ch, jnp.int32)
        b = jnp.where(b == _I32MIN, 0, b)
        k = b ^ (lax.shift_right_arithmetic(b, 31) & 0x7FFFFFFF)
        keys.append(k)
        key_v[pl.ds(16 * c, 16)] = k

    def body_j(i, rk):
        jg0 = 2 * i
        jg1 = jg0 + 1
        bc0 = plsc.load_gather(key_v, [jnp.full((16,), jg0, jnp.int32)])
        bc1 = plsc.load_gather(key_v, [jnp.full((16,), jg1, jnp.int32)])
        out = []
        for a in range(_NCHUNK):
            thr0 = keys[a] - jnp.where(jg0 < iotas[a], 1, 0)
            thr1 = keys[a] - jnp.where(jg1 < iotas[a], 1, 0)
            out.append(rk[a] + jnp.where(bc0 > thr0, 1, 0)
                       + jnp.where(bc1 > thr1, 1, 0))
        return tuple(out)

    init = tuple(jnp.zeros((16,), jnp.int32) for _ in range(_NCHUNK))
    ranks = lax.fori_loop(0, _N // 2, body_j, init)

    for a in range(_NCHUNK):
        plsc.store_scatter(sorted_v, [ranks[a]], s_chunks[a])

    carry_p = jnp.float32(0.0)
    carry_q = jnp.float32(0.0)
    for c in range(_NCHUNK):
        v = sorted_v[pl.ds(16 * c, 16)]
        e = jnp.exp(v)
        einv = jnp.exp(-v)
        p_v[pl.ds(16 * c, 16)] = plsc.cumsum(e) + carry_p
        q_v[pl.ds(16 * c, 16)] = plsc.cumsum(einv) + carry_q
        if c < _NCHUNK - 1:
            carry_p = carry_p + jnp.sum(e)
            carry_q = carry_q + jnp.sum(einv)

    pvec = plsc.load_gather(p_v, [jnp.full((16,), _HALF, jnp.int32)])
    qvec = plsc.load_gather(q_v, [jnp.full((16,), _N - 1, jnp.int32)])

    logden = jnp.float32(0.0)
    for c in range(4):
        jv = lax.iota(jnp.int32, 16) + 16 * c
        valid = jv < _HALF
        ga = plsc.load_gather(p_v, [jnp.maximum(jv - 1, 0)])
        a_suf = pvec - jnp.where(jv > 0, ga, 0.0)
        c_suf = qvec - plsc.load_gather(q_v, [jv + (_HALF - 2)])
        cnt = jnp.maximum(0.0, 2.0 - jv.astype(jnp.float32))
        den = jnp.where(valid, a_suf * c_suf - cnt, 1.0)
        logden = logden + jnp.sum(jnp.where(valid, _log16(den), 0.0))

    sgn = jnp.float32(0.0)
    for a in range(_NCHUNK):
        sgn = sgn + jnp.sum(jnp.where(ranks[a] < _HALF, s_chunks[a], -s_chunks[a]))

    return sgn - logden


def _sc_body(s_hbm, lab_hbm, out_hbm, lab_v, s_v, key_v, sorted_v, p_v, q_v,
             out_v):
    wid = lax.axis_index("s") * 2 + lax.axis_index("c")
    pltpu.sync_copy(lab_hbm.at[pl.ds(wid * 2 * _N, 2 * _N)], lab_v)
    pltpu.sync_copy(s_hbm.at[pl.ds(wid * 2 * _N, 2 * _N)], s_v)
    neg = jnp.float32(-3.0e38)
    term = jnp.float32(0.0)
    for r in range(2):
        l = _load_row_chunks(lab_v, r * _N, neg)
        s_chunks = _load_row_chunks(s_v, r * _N, jnp.float32(0.0))
        term = term + _row_term(l, s_chunks, key_v, sorted_v, p_v, q_v)
    out_v[...] = jnp.where(lax.iota(jnp.int32, 16) == 0, term, 0.0)
    pltpu.sync_copy(out_v, out_hbm.at[pl.ds(wid * 16, 16)])


_sc_call = pl.kernel(
    _sc_body,
    out_type=jax.ShapeDtypeStruct((_NW * 16,), jnp.float32),
    mesh=plsc.VectorSubcoreMesh(core_axis_name="c", subcore_axis_name="s"),
    scratch_types=[
        pltpu.VMEM((2 * _N,), jnp.float32),
        pltpu.VMEM((2 * _N,), jnp.float32),
        pltpu.VMEM((_NPAD,), jnp.int32),
        pltpu.VMEM((_NPAD,), jnp.float32),
        pltpu.VMEM((_NPAD,), jnp.float32),
        pltpu.VMEM((_NPAD,), jnp.float32),
        pltpu.VMEM((16,), jnp.float32),
    ],
    compiler_params=pltpu.CompilerParams(needs_layout_passes=False),
)


def _finish_body(x_ref, out_ref):
    out_ref[...] = jnp.reshape(-jnp.sum(x_ref[:]) / _B, (1, 1))


@jax.jit
def kernel(scores, labels):
    B, n, _ = scores.shape
    s = scores[..., 0]
    if n % 2 != 0:
        s = s[:, :-1]
        labels = labels[:, :-1]
        n -= 1
    partials = _sc_call(s.reshape(-1), labels.reshape(-1))
    out = pl.pallas_call(
        _finish_body,
        out_shape=jax.ShapeDtypeStruct((1, 1), jnp.float32),
    )(partials.reshape(8, _NW * 2))
    return out[0, 0]

# --- scband reference (transcript-rebuilt; emitter-appended) ---
"""Pipeline reference for scband-list-fold-loss-84112639525734 (READ-ONLY COPY).

The authoritative reference and input builder live on the scoring server;
editing this copy changes nothing except your own understanding.
"""

import jax, jax.numpy as jnp
import numpy as np

TRANSFORM = 'exp'

def setup_inputs(seed: int = 0) -> dict:
    key = jax.random.key(seed)
    k1, k2 = jax.random.split(key)
    scores = jax.random.normal(k1, (64, 100, 1), dtype=jnp.float32)
    labels = jax.random.normal(k2, (64, 100), dtype=jnp.float32)
    return {"scores": scores, "labels": labels}


def reference(scores, labels):
    B, n, _ = scores.shape
    s = scores[..., 0]
    if n % 2 != 0:
        s = s[:, :-1]
        labels = labels[:, :-1]
        n -= 1
    # torch.sort(labels, dim=1, descending=True) -> indices = ground_truth
    order = jnp.argsort(-labels, axis=1)
    os_ = jnp.take_along_axis(s, order, axis=1)  # ordered_scores per batch row
    half = n // 2
    # Vectorized faithful translation of the triple loop:
    # denom[b, j] = sum_{u in [j, half]} sum_{v in [n-half+j-1, n-1], u != v} f(os[b,u]-os[b,v])
    jj = jnp.arange(half)[:, None, None]
    u = jnp.arange(n)[None, :, None]
    v = jnp.arange(n)[None, None, :]
    mask = (u >= jj) & (u <= half) & (v >= (n - half + jj - 1)) & (u != v)
    pair = os_[:, :, None] - os_[:, None, :]
    if TRANSFORM == 'exp':
        E = jnp.exp(pair)
    elif TRANSFORM == 'sigmoid':
        E = jax.nn.sigmoid(pair)
    else:
        E = pair
    denom = jnp.einsum('juv,buv->bj', mask.astype(jnp.float32), E)
    # numer: top_j - bottom_{n-1-j}
    score_diff = os_[:, :half] - os_[:, ::-1][:, :half]
    if TRANSFORM == 'exp':
        numer = jnp.exp(score_diff)
    elif TRANSFORM == 'sigmoid':
        numer = jax.nn.sigmoid(score_diff)
    else:
        numer = score_diff
    loss = -jnp.sum(jnp.log(numer / denom))
    return loss / B

if __name__ == "__main__":
    import jax
    _d = setup_inputs()
    print(jax.jit(kernel)(*tuple(_d.values())))

</pallas_src>

<mosaic_0001>
#map = affine_map<(d0, d1) -> (0)>
module attributes {stable_mosaic.version = 14 : i64} {
  func.func @_sc_body(%arg0: i32, %arg1: i32, %arg2: memref<6400xf32, #tpu.memory_space<hbm>>, %arg3: memref<6400xf32, #tpu.memory_space<hbm>>, %arg4: memref<512xf32, #tpu.memory_space<hbm>>, %arg5: memref<200xf32, #tpu.memory_space<vmem>>, %arg6: memref<200xf32, #tpu.memory_space<vmem>>, %arg7: memref<112xi32, #tpu.memory_space<vmem>>, %arg8: memref<112xf32, #tpu.memory_space<vmem>>, %arg9: memref<112xf32, #tpu.memory_space<vmem>>, %arg10: memref<112xf32, #tpu.memory_space<vmem>>, %arg11: memref<16xf32, #tpu.memory_space<vmem>>) attributes {dimension_semantics = [#tpu.dimension_semantics<core_parallel>, #tpu.dimension_semantics<subcore_parallel>], iteration_bounds = array<i64: 2, 16>, scalar_prefetch = 0 : i64, scratch_operands = 7 : i64, tpu.core_type = #tpu.core_type<sc_vector_subcore>, window_params = [{transform_indices = #map}, {transform_indices = #map}, {transform_indices = #map}]} {
    %mul3A = arith.constant 2 : i32
    %mul3A_0 = arith.muli %arg1, %mul3A : i32
    %add3A = arith.addi %mul3A_0, %arg0 : i32
    %mul3A_1 = arith.constant 2 : i32
    %mul3A_2 = arith.muli %add3A, %mul3A_1 : i32
    %mul3A_3 = arith.constant 100 : i32
    %mul3A_4 = arith.muli %mul3A_2, %mul3A_3 : i32
    "tpu.region"() ({
      %run_scoped3A = tpu.sem_alloc : memref<!tpu.dma_semaphore, #tpu.memory_space<semaphore_mem>>
      %dma_start3A = tpu.memref_slice %arg3[%mul3A_4] : memref<6400xf32, #tpu.memory_space<hbm>> -> memref<200xf32, #tpu.memory_space<hbm>>
      %dma_start3A_1927 = tpu.memref_slice %arg3[%mul3A_4] : memref<6400xf32, #tpu.memory_space<hbm>> -> memref<200xf32, #tpu.memory_space<hbm>>
      tpu.enqueue_dma source(%dma_start3A_1927 : memref<200xf32, #tpu.memory_space<hbm>>) target(%arg5 : memref<200xf32, #tpu.memory_space<vmem>>) target_semaphore(%run_scoped3A : memref<!tpu.dma_semaphore, #tpu.memory_space<semaphore_mem>>)
      %dma_wait3A = tpu.memref_slice %arg3[%mul3A_4] : memref<6400xf32, #tpu.memory_space<hbm>> -> memref<200xf32, #tpu.memory_space<hbm>>
      %dma_wait3A_1928 = tpu.memref_slice %arg3[%mul3A_4] : memref<6400xf32, #tpu.memory_space<hbm>> -> memref<200xf32, #tpu.memory_space<hbm>>
      tpu.wait_dma2 semaphore(%run_scoped3A : memref<!tpu.dma_semaphore, #tpu.memory_space<semaphore_mem>>) src(%dma_wait3A_1928 : memref<200xf32, #tpu.memory_space<hbm>>) dst(%arg5 : memref<200xf32, #tpu.memory_space<vmem>>)
      tpu.yield
    }) : () -> ()
    %mul3A_5 = arith.constant 2 : i32
    %mul3A_6 = arith.muli %add3A, %mul3A_5 : i32
    %mul3A_7 = arith.constant 100 : i32
    %mul3A_8 = arith.muli %mul3A_6, %mul3A_7 : i32
    "tpu.region"() ({
      %run_scoped3A = tpu.sem_alloc : memref<!tpu.dma_semaphore, #tpu.memory_space<semaphore_mem>>
      %dma_start3A = tpu.memref_slice %arg2[%mul3A_8] : memref<6400xf32, #tpu.memory_space<hbm>> -> memref<200xf32, #tpu.memory_space<hbm>>
      %dma_start3A_1927 = tpu.memref_slice %arg2[%mul3A_8] : memref<6400xf32, #tpu.memory_space<hbm>> -> memref<200xf32, #tpu.memory_space<hbm>>
      tpu.enqueue_dma source(%dma_start3A_1927 : memref<200xf32, #tpu.memory_space<hbm>>) target(%arg6 : memref<200xf32, #tpu.memory_space<vmem>>) target_semaphore(%run_scoped3A : memref<!tpu.dma_semaphore, #tpu.memory_space<semaphore_mem>>)
      %dma_wait3A = tpu.memref_slice %arg2[%mul3A_8] : memref<6400xf32, #tpu.memory_space<hbm>> -> memref<200xf32, #tpu.memory_space<hbm>>
      %dma_wait3A_1928 = tpu.memref_slice %arg2[%mul3A_8] : memref<6400xf32, #tpu.memory_space<hbm>> -> memref<200xf32, #tpu.memory_space<hbm>>
      tpu.wait_dma2 semaphore(%run_scoped3A : memref<!tpu.dma_semaphore, #tpu.memory_space<semaphore_mem>>) src(%dma_wait3A_1928 : memref<200xf32, #tpu.memory_space<hbm>>) dst(%arg6 : memref<200xf32, #tpu.memory_space<vmem>>)
      tpu.yield
    }) : () -> ()
    %get3A = arith.constant 0 : index
    %get3A_9 = tpu.vector_load %arg5[%get3A] {strides = array<i32>} : memref<200xf32, #tpu.memory_space<vmem>>, vector<16xf32>,
    %get3A_10 = arith.constant 16 : index
    %get3A_11 = tpu.vector_load %arg5[%get3A_10] {strides = array<i32>} : memref<200xf32, #tpu.memory_space<vmem>>, vector<16xf32>,
    %get3A_12 = arith.constant 32 : index
    %get3A_13 = tpu.vector_load %arg5[%get3A_12] {strides = array<i32>} : memref<200xf32, #tpu.memory_space<vmem>>, vector<16xf32>,
    %get3A_14 = arith.constant 48 : index
    %get3A_15 = tpu.vector_load %arg5[%get3A_14] {strides = array<i32>} : memref<200xf32, #tpu.memory_space<vmem>>, vector<16xf32>,
    %get3A_16 = arith.constant 64 : index
    %get3A_17 = tpu.vector_load %arg5[%get3A_16] {strides = array<i32>} : memref<200xf32, #tpu.memory_space<vmem>>, vector<16xf32>,
    %get3A_18 = arith.constant 80 : index
    %get3A_19 = tpu.vector_load %arg5[%get3A_18] {strides = array<i32>} : memref<200xf32, #tpu.memory_space<vmem>>, vector<16xf32>,
    %get3A_20 = arith.constant 84 : index
    %get3A_21 = tpu.vector_load %arg5[%get3A_20] {strides = array<i32>} : memref<200xf32, #tpu.memory_space<vmem>>, vector<16xf32>,
    %iota3A = tpu.iota {dimensions = array<i32: 0>} : vector<16xi32>
    %add3A_22 = arith.constant 12 : i32
    %add3A_23 = vector.broadcast %add3A_22 : i32 to vector<16xi32>
    %add3A_24 = arith.addi %iota3A, %add3A_23 : vector<16xi32>
    %min3A = arith.constant 15 : i32
    %min3A_25 = vector.broadcast %min3A : i32 to vector<16xi32>
    %min3A_26 = arith.minsi %add3A_24, %min3A_25 : vector<16xi32>
    %lt3A = arith.constant 0 : i32
    %lt3A_27 = vector.broadcast %lt3A : i32 to vector<16xi32>
    %lt3A_28 = arith.cmpi slt, %min3A_26, %lt3A_27 : vector<16xi32>
    %add3A_29 = arith.constant 16 : i32
    %add3A_30 = vector.broadcast %add3A_29 : i32 to vector<16xi32>
    %add3A_31 = arith.addi %min3A_26, %add3A_30 : vector<16xi32>
    %select_n3A = arith.select %lt3A_28, %add3A_31, %min3A_26 : vector<16xi1>, vector<16xi32>
    %broadcast_in_dim3A = vector.shape_cast %select_n3A : vector<16xi32> to vector<16x1xi32>
    %gather3A = vector.shape_cast %broadcast_in_dim3A : vector<16x1xi32> to vector<16xi32>
    %gather3A_32 = tpu.dynamic_gather %get3A_21[%gather3A] in [0] : vector<16xf32>, vector<16xi32> -> vector<16xf32>
    %iota3A_33 = tpu.iota {dimensions = array<i32: 0>} : vector<16xi32>
    %lt3A_34 = arith.constant 4 : i32
    %lt3A_35 = vector.broadcast %lt3A_34 : i32 to vector<16xi32>
    %lt3A_36 = arith.cmpi slt, %iota3A_33, %lt3A_35 : vector<16xi32>
    %jit3A = arith.constant -3.000000e+38 : f32
    %broadcast_in_dim3A_37 = vector.broadcast %jit3A : f32 to vector<16xf32>
    %select_n3A_38 = arith.select %lt3A_36, %gather3A_32, %broadcast_in_dim3A_37 : vector<16xi1>, vector<16xf32>
    %get3A_39 = arith.constant 0 : index
    %get3A_40 = tpu.vector_load %arg6[%get3A_39] {strides = array<i32>} : memref<200xf32, #tpu.memory_space<vmem>>, vector<16xf32>,
    %get3A_41 = arith.constant 16 : index
    %get3A_42 = tpu.vector_load %arg6[%get3A_41] {strides = array<i32>} : memref<200xf32, #tpu.memory_space<vmem>>, vector<16xf32>,
    %get3A_43 = arith.constant 32 : index
    %get3A_44 = tpu.vector_load %arg6[%get3A_43] {strides = array<i32>} : memref<200xf32, #tpu.memory_space<vmem>>, vector<16xf32>,
    %get3A_45 = arith.constant 48 : index
    %get3A_46 = tpu.vector_load %arg6[%get3A_45] {strides = array<i32>} : memref<200xf32, #tpu.memory_space<vmem>>, vector<16xf32>,
    %get3A_47 = arith.constant 64 : index
    %get3A_48 = tpu.vector_load %arg6[%get3A_47] {strides = array<i32>} : memref<200xf32, #tpu.memory_space<vmem>>, vector<16xf32>,
    %get3A_49 = arith.constant 80 : index
    %get3A_50 = tpu.vector_load %arg6[%get3A_49] {strides = array<i32>} : memref<200xf32, #tpu.memory_space<vmem>>, vector<16xf32>,
    %get3A_51 = arith.constant 84 : index
    %get3A_52 = tpu.vector_load %arg6[%get3A_51] {strides = array<i32>} : memref<200xf32, #tpu.memory_space<vmem>>, vector<16xf32>,
    %iota3A_53 = tpu.iota {dimensions = array<i32: 0>} : vector<16xi32>
    %add3A_54 = arith.constant 12 : i32
    %add3A_55 = vector.broadcast %add3A_54 : i32 to vector<16xi32>
    %add3A_56 = arith.addi %iota3A_53, %add3A_55 : vector<16xi32>
    %min3A_57 = arith.constant 15 : i32
    %min3A_58 = vector.broadcast %min3A_57 : i32 to vector<16xi32>
    %min3A_59 = arith.minsi %add3A_56, %min3A_58 : vector<16xi32>
    %lt3A_60 = arith.constant 0 : i32
    %lt3A_61 = vector.broadcast %lt3A_60 : i32 to vector<16xi32>
    %lt3A_62 = arith.cmpi slt, %min3A_59, %lt3A_61 : vector<16xi32>
    %add3A_63 = arith.constant 16 : i32
    %add3A_64 = vector.broadcast %add3A_63 : i32 to vector<16xi32>
    %add3A_65 = arith.addi %min3A_59, %add3A_64 : vector<16xi32>
    %select_n3A_66 = arith.select %lt3A_62, %add3A_65, %min3A_59 : vector<16xi1>, vector<16xi32>
    %broadcast_in_dim3A_67 = vector.shape_cast %select_n3A_66 : vector<16xi32> to vector<16x1xi32>
    %gather3A_68 = vector.shape_cast %broadcast_in_dim3A_67 : vector<16x1xi32> to vector<16xi32>
    %gather3A_69 = tpu.dynamic_gather %get3A_52[%gather3A_68] in [0] : vector<16xf32>, vector<16xi32> -> vector<16xf32>
    %iota3A_70 = tpu.iota {dimensions = array<i32: 0>} : vector<16xi32>
    %lt3A_71 = arith.constant 4 : i32
    %lt3A_72 = vector.broadcast %lt3A_71 : i32 to vector<16xi32>
    %lt3A_73 = arith.cmpi slt, %iota3A_70, %lt3A_72 : vector<16xi32>
    %jit3A_74 = arith.constant 0.000000e+00 : f32
    %broadcast_in_dim3A_75 = vector.broadcast %jit3A_74 : f32 to vector<16xf32>
    %select_n3A_76 = arith.select %lt3A_73, %gather3A_69, %broadcast_in_dim3A_75 : vector<16xi1>, vector<16xf32>
    %iota3A_77 = tpu.iota {dimensions = array<i32: 0>} : vector<16xi32>
    %add3A_78 = arith.constant 0 : i32
    %add3A_79 = vector.broadcast %add3A_78 : i32 to vector<16xi32>
    %add3A_80 = arith.addi %iota3A_77, %add3A_79 : vector<16xi32>
    %iota3A_81 = tpu.iota {dimensions = array<i32: 0>} : vector<16xi32>
    %add3A_82 = arith.constant 16 : i32
    %add3A_83 = vector.broadcast %add3A_82 : i32 to vector<16xi32>
    %add3A_84 = arith.addi %iota3A_81, %add3A_83 : vector<16xi32>
    %iota3A_85 = tpu.iota {dimensions = array<i32: 0>} : vector<16xi32>
    %add3A_86 = arith.constant 32 : i32
    %add3A_87 = vector.broadcast %add3A_86 : i32 to vector<16xi32>
    %add3A_88 = arith.addi %iota3A_85, %add3A_87 : vector<16xi32>
    %iota3A_89 = tpu.iota {dimensions = array<i32: 0>} : vector<16xi32>
    %add3A_90 = arith.constant 48 : i32
    %add3A_91 = vector.broadcast %add3A_90 : i32 to vector<16xi32>
    %add3A_92 = arith.addi %iota3A_89, %add3A_91 : vector<16xi32>
    %iota3A_93 = tpu.iota {dimensions = array<i32: 0>} : vector<16xi32>
    %add3A_94 = arith.constant 64 : i32
    %add3A_95 = vector.broadcast %add3A_94 : i32 to vector<16xi32>
    %add3A_96 = arith.addi %iota3A_93, %add3A_95 : vector<16xi32>
    %iota3A_97 = tpu.iota {dimensions = array<i32: 0>} : vector<16xi32>
    %add3A_98 = arith.constant 80 : i32
    %add3A_99 = vector.broadcast %add3A_98 : i32 to vector<16xi32>
    %add3A_100 = arith.addi %iota3A_97, %add3A_99 : vector<16xi32>
    %iota3A_101 = tpu.iota {dimensions = array<i32: 0>} : vector<16xi32>
    %add3A_102 = arith.constant 96 : i32
    %add3A_103 = vector.broadcast %add3A_102 : i32 to vector<16xi32>
    %add3A_104 = arith.addi %iota3A_101, %add3A_103 : vector<16xi32>
    %bitcast3A = vector.bitcast %get3A_9 : vector<16xf32> to vector<16xi32>
    %eq3A = arith.constant -2147483648 : i32
    %eq3A_105 = vector.broadcast %eq3A : i32 to vector<16xi32>
    %eq3A_106 = arith.cmpi eq, %bitcast3A, %eq3A_105 : vector<16xi32>
    %jit3A_107 = arith.constant 0 : i32
    %broadcast_in_dim3A_108 = vector.broadcast %jit3A_107 : i32 to vector<16xi32>
    %select_n3A_109 = arith.select %eq3A_106, %broadcast_in_dim3A_108, %bitcast3A : vector<16xi1>, vector<16xi32>
    %shift_right_arithmetic3A = arith.constant 31 : i32
    %shift_right_arithmetic3A_110 = vector.broadcast %shift_right_arithmetic3A : i32 to vector<16xi32>
    %shift_right_arithmetic3A_111 = arith.shrsi %select_n3A_109, %shift_right_arithmetic3A_110 : vector<16xi32>
    %and3A = arith.constant 2147483647 : i32
    %and3A_112 = vector.broadcast %and3A : i32 to vector<16xi32>
    %and3A_113 = arith.andi %shift_right_arithmetic3A_111, %and3A_112 : vector<16xi32>
    %xor3A = arith.xori %select_n3A_109, %and3A_113 : vector<16xi32>
    %swap3A = arith.constant 0 : index
    %swap3A_114 = tpu.vector_load %arg7[%swap3A] {strides = array<i32>} : memref<112xi32, #tpu.memory_space<vmem>>, vector<16xi32>,
    tpu.vector_store %arg7[%swap3A], %xor3A {strides = array<i32>} : memref<112xi32, #tpu.memory_space<vmem>>, vector<16xi32>,
    %bitcast3A_115 = vector.bitcast %get3A_11 : vector<16xf32> to vector<16xi32>
    %eq3A_116 = arith.constant -2147483648 : i32
    %eq3A_117 = vector.broadcast %eq3A_116 : i32 to vector<16xi32>
    %eq3A_118 = arith.cmpi eq, %bitcast3A_115, %eq3A_117 : vector<16xi32>
    %jit3A_119 = arith.constant 0 : i32
    %broadcast_in_dim3A_120 = vector.broadcast %jit3A_119 : i32 to vector<16xi32>
    %select_n3A_121 = arith.select %eq3A_118, %broadcast_in_dim3A_120, %bitcast3A_115 : vector<16xi1>, vector<16xi32>
    %shift_right_arithmetic3A_122 = arith.constant 31 : i32
    %shift_right_arithmetic3A_123 = vector.broadcast %shift_right_arithmetic3A_122 : i32 to vector<16xi32>
    %shift_right_arithmetic3A_124 = arith.shrsi %select_n3A_121, %shift_right_arithmetic3A_123 : vector<16xi32>
    %and3A_125 = arith.constant 2147483647 : i32
    %and3A_126 = vector.broadcast %and3A_125 : i32 to vector<16xi32>
    %and3A_127 = arith.andi %shift_right_arithmetic3A_124, %and3A_126 : vector<16xi32>
    %xor3A_128 = arith.xori %select_n3A_121, %and3A_127 : vector<16xi32>
    %swap3A_129 = arith.constant 16 : index
    %swap3A_130 = tpu.vector_load %arg7[%swap3A_129] {strides = array<i32>} : memref<112xi32, #tpu.memory_space<vmem>>, vector<16xi32>,
    tpu.vector_store %arg7[%swap3A_129], %xor3A_128 {strides = array<i32>} : memref<112xi32, #tpu.memory_space<vmem>>, vector<16xi32>,
    %bitcast3A_131 = vector.bitcast %get3A_13 : vector<16xf32> to vector<16xi32>
    %eq3A_132 = arith.constant -2147483648 : i32
    %eq3A_133 = vector.broadcast %eq3A_132 : i32 to vector<16xi32>
    %eq3A_134 = arith.cmpi eq, %bitcast3A_131, %eq3A_133 : vector<16xi32>
    %jit3A_135 = arith.constant 0 : i32
    %broadcast_in_dim3A_136 = vector.broadcast %jit3A_135 : i32 to vector<16xi32>
    %select_n3A_137 = arith.select %eq3A_134, %broadcast_in_dim3A_136, %bitcast3A_131 : vector<16xi1>, vector<16xi32>
    %shift_right_arithmetic3A_138 = arith.constant 31 : i32
    %shift_right_arithmetic3A_139 = vector.broadcast %shift_right_arithmetic3A_138 : i32 to vector<16xi32>
    %shift_right_arithmetic3A_140 = arith.shrsi %select_n3A_137, %shift_right_arithmetic3A_139 : vector<16xi32>
    %and3A_141 = arith.constant 2147483647 : i32
    %and3A_142 = vector.broadcast %and3A_141 : i32 to vector<16xi32>
    %and3A_143 = arith.andi %shift_right_arithmetic3A_140, %and3A_142 : vector<16xi32>
    %xor3A_144 = arith.xori %select_n3A_137, %and3A_143 : vector<16xi32>
    %swap3A_145 = arith.constant 32 : index
    %swap3A_146 = tpu.vector_load %arg7[%swap3A_145] {strides = array<i32>} : memref<112xi32, #tpu.memory_space<vmem>>, vector<16xi32>,
    tpu.vector_store %arg7[%swap3A_145], %xor3A_144 {strides = array<i32>} : memref<112xi32, #tpu.memory_space<vmem>>, vector<16xi32>,
    %bitcast3A_147 = vector.bitcast %get3A_15 : vector<16xf32> to vector<16xi32>
    %eq3A_148 = arith.constant -2147483648 : i32
    %eq3A_149 = vector.broadcast %eq3A_148 : i32 to vector<16xi32>
    %eq3A_150 = arith.cmpi eq, %bitcast3A_147, %eq3A_149 : vector<16xi32>
    %jit3A_151 = arith.constant 0 : i32
    %broadcast_in_dim3A_152 = vector.broadcast %jit3A_151 : i32 to vector<16xi32>
    %select_n3A_153 = arith.select %eq3A_150, %broadcast_in_dim3A_152, %bitcast3A_147 : vector<16xi1>, vector<16xi32>
    %shift_right_arithmetic3A_154 = arith.constant 31 : i32
    %shift_right_arithmetic3A_155 = vector.broadcast %shift_right_arithmetic3A_154 : i32 to vector<16xi32>
    %shift_right_arithmetic3A_156 = arith.shrsi %select_n3A_153, %shift_right_arithmetic3A_155 : vector<16xi32>
    %and3A_157 = arith.constant 2147483647 : i32
    %and3A_158 = vector.broadcast %and3A_157 : i32 to vector<16xi32>
    %and3A_159 = arith.andi %shift_right_arithmetic3A_156, %and3A_158 : vector<16xi32>
    %xor3A_160 = arith.xori %select_n3A_153, %and3A_159 : vector<16xi32>
    %swap3A_161 = arith.constant 48 : index
    %swap3A_162 = tpu.vector_load %arg7[%swap3A_161] {strides = array<i32>} : memref<112xi32, #tpu.memory_space<vmem>>, vector<16xi32>,
    tpu.vector_store %arg7[%swap3A_161], %xor3A_160 {strides = array<i32>} : memref<112xi32, #tpu.memory_space<vmem>>, vector<16xi32>,
    %bitcast3A_163 = vector.bitcast %get3A_17 : vector<16xf32> to vector<16xi32>
    %eq3A_164 = arith.constant -2147483648 : i32
    %eq3A_165 = vector.broadcast %eq3A_164 : i32 to vector<16xi32>
    %eq3A_166 = arith.cmpi eq, %bitcast3A_163, %eq3A_165 : vector<16xi32>
    %jit3A_167 = arith.constant 0 : i32
    %broadcast_in_dim3A_168 = vector.broadcast %jit3A_167 : i32 to vector<16xi32>
    %select_n3A_169 = arith.select %eq3A_166, %broadcast_in_dim3A_168, %bitcast3A_163 : vector<16xi1>, vector<16xi32>
    %shift_right_arithmetic3A_170 = arith.constant 31 : i32
    %shift_right_arithmetic3A_171 = vector.broadcast %shift_right_arithmetic3A_170 : i32 to vector<16xi32>
    %shift_right_arithmetic3A_172 = arith.shrsi %select_n3A_169, %shift_right_arithmetic3A_171 : vector<16xi32>
    %and3A_173 = arith.constant 2147483647 : i32
    %and3A_174 = vector.broadcast %and3A_173 : i32 to vector<16xi32>
    %and3A_175 = arith.andi %shift_right_arithmetic3A_172, %and3A_174 : vector<16xi32>
    %xor3A_176 = arith.xori %select_n3A_169, %and3A_175 : vector<16xi32>
    %swap3A_177 = arith.constant 64 : index
    %swap3A_178 = tpu.vector_load %arg7[%swap3A_177] {strides = array<i32>} : memref<112xi32, #tpu.memory_space<vmem>>, vector<16xi32>,
    tpu.vector_store %arg7[%swap3A_177], %xor3A_176 {strides = array<i32>} : memref<112xi32, #tpu.memory_space<vmem>>, vector<16xi32>,
    %bitcast3A_179 = vector.bitcast %get3A_19 : vector<16xf32> to vector<16xi32>
    %eq3A_180 = arith.constant -2147483648 : i32
    %eq3A_181 = vector.broadcast %eq3A_180 : i32 to vector<16xi32>
    %eq3A_182 = arith.cmpi eq, %bitcast3A_179, %eq3A_181 : vector<16xi32>
    %jit3A_183 = arith.constant 0 : i32
    %broadcast_in_dim3A_184 = vector.broadcast %jit3A_183 : i32 to vector<16xi32>
    %select_n3A_185 = arith.select %eq3A_182, %broadcast_in_dim3A_184, %bitcast3A_179 : vector<16xi1>, vector<16xi32>
    %shift_right_arithmetic3A_186 = arith.constant 31 : i32
    %shift_right_arithmetic3A_187 = vector.broadcast %shift_right_arithmetic3A_186 : i32 to vector<16xi32>
    %shift_right_arithmetic3A_188 = arith.shrsi %select_n3A_185, %shift_right_arithmetic3A_187 : vector<16xi32>
    %and3A_189 = arith.constant 2147483647 : i32
    %and3A_190 = vector.broadcast %and3A_189 : i32 to vector<16xi32>
    %and3A_191 = arith.andi %shift_right_arithmetic3A_188, %and3A_190 : vector<16xi32>
    %xor3A_192 = arith.xori %select_n3A_185, %and3A_191 : vector<16xi32>
    %swap3A_193 = arith.constant 80 : index
    %swap3A_194 = tpu.vector_load %arg7[%swap3A_193] {strides = array<i32>} : memref<112xi32, #tpu.memory_space<vmem>>, vector<16xi32>,
    tpu.vector_store %arg7[%swap3A_193], %xor3A_192 {strides = array<i32>} : memref<112xi32, #tpu.memory_space<vmem>>, vector<16xi32>,
    %bitcast3A_195 = vector.bitcast %select_n3A_38 : vector<16xf32> to vector<16xi32>
    %eq3A_196 = arith.constant -2147483648 : i32
    %eq3A_197 = vector.broadcast %eq3A_196 : i32 to vector<16xi32>
    %eq3A_198 = arith.cmpi eq, %bitcast3A_195, %eq3A_197 : vector<16xi32>
    %jit3A_199 = arith.constant 0 : i32
    %broadcast_in_dim3A_200 = vector.broadcast %jit3A_199 : i32 to vector<16xi32>
    %select_n3A_201 = arith.select %eq3A_198, %broadcast_in_dim3A_200, %bitcast3A_195 : vector<16xi1>, vector<16xi32>
    %shift_right_arithmetic3A_202 = arith.constant 31 : i32
    %shift_right_arithmetic3A_203 = vector.broadcast %shift_right_arithmetic3A_202 : i32 to vector<16xi32>
    %shift_right_arithmetic3A_204 = arith.shrsi %select_n3A_201, %shift_right_arithmetic3A_203 : vector<16xi32>
    %and3A_205 = arith.constant 2147483647 : i32
    %and3A_206 = vector.broadcast %and3A_205 : i32 to vector<16xi32>
    %and3A_207 = arith.andi %shift_right_arithmetic3A_204, %and3A_206 : vector<16xi32>
    %xor3A_208 = arith.xori %select_n3A_201, %and3A_207 : vector<16xi32>
    %swap3A_209 = arith.constant 96 : index
    %swap3A_210 = tpu.vector_load %arg7[%swap3A_209] {strides = array<i32>} : memref<112xi32, #tpu.memory_space<vmem>>, vector<16xi32>,
    tpu.vector_store %arg7[%swap3A_209], %xor3A_208 {strides = array<i32>} : memref<112xi32, #tpu.memory_space<vmem>>, vector<16xi32>,
    %broadcast_in_dim3A_211 = arith.constant 0 : i32
    %broadcast_in_dim3A_212 = vector.broadcast %broadcast_in_dim3A_211 : i32 to vector<16xi32>
    %broadcast_in_dim3A_213 = arith.constant 0 : i32
    %broadcast_in_dim3A_214 = vector.broadcast %broadcast_in_dim3A_213 : i32 to vector<16xi32>
    %broadcast_in_dim3A_215 = arith.constant 0 : i32
    %broadcast_in_dim3A_216 = vector.broadcast %broadcast_in_dim3A_215 : i32 to vector<16xi32>
    %broadcast_in_dim3A_217 = arith.constant 0 : i32
    %broadcast_in_dim3A_218 = vector.broadcast %broadcast_in_dim3A_217 : i32 to vector<16xi32>
    %broadcast_in_dim3A_219 = arith.constant 0 : i32
    %broadcast_in_dim3A_220 = vector.broadcast %broadcast_in_dim3A_219 : i32 to vector<16xi32>
    %broadcast_in_dim3A_221 = arith.constant 0 : i32
    %broadcast_in_dim3A_222 = vector.broadcast %broadcast_in_dim3A_221 : i32 to vector<16xi32>
    %broadcast_in_dim3A_223 = arith.constant 0 : i32
    %broadcast_in_dim3A_224 = vector.broadcast %broadcast_in_dim3A_223 : i32 to vector<16xi32>
    %scan3A = arith.constant 0 : i32
    %scan3A_225 = arith.constant 50 : i32
    %scan3A_226 = arith.addi %scan3A, %scan3A_225 : i32
    %scan3A_227 = arith.constant 1 : i32
    %scan3A_228:7 = scf.for %scan3A_1927 = %scan3A to %scan3A_226 step %scan3A_227 iter_args(%scan3A_1928 = %broadcast_in_dim3A_212, %scan3A_1929 = %broadcast_in_dim3A_214, %scan3A_1930 = %broadcast_in_dim3A_216, %scan3A_1931 = %broadcast_in_dim3A_218, %scan3A_1932 = %broadcast_in_dim3A_220, %scan3A_1933 = %broadcast_in_dim3A_222, %scan3A_1934 = %broadcast_in_dim3A_224) -> (vector<16xi32>, vector<16xi32>, vector<16xi32>, vector<16xi32>, vector<16xi32>, vector<16xi32>, vector<16xi32>)  : i32 {
      %mul3A_1935 = arith.constant 2 : i32
      %mul3A_1936 = arith.muli %mul3A_1935, %scan3A_1927 : i32
      %add3A_1937 = arith.constant 1 : i32
      %add3A_1938 = arith.addi %mul3A_1936, %add3A_1937 : i32
      %broadcast_in_dim3A_1939 = vector.broadcast %mul3A_1936 : i32 to vector<16xi32>
      %gather3A_1940 = tpu.vector_load_idx %arg7[%broadcast_in_dim3A_1939] : memref<112xi32, #tpu.memory_space<vmem>>[vector<16xi32>], vector<16xi32>,
      %broadcast_in_dim3A_1941 = vector.broadcast %add3A_1938 : i32 to vector<16xi32>
      %gather3A_1942 = tpu.vector_load_idx %arg7[%broadcast_in_dim3A_1941] : memref<112xi32, #tpu.memory_space<vmem>>[vector<16xi32>], vector<16xi32>,
      %lt3A_1943 = vector.broadcast %mul3A_1936 : i32 to vector<16xi32>
      %lt3A_1944 = arith.cmpi slt, %lt3A_1943, %add3A_80 : vector<16xi32>
      %jit3A_1945 = arith.constant 1 : i32
      %jit3A_1946 = arith.constant 0 : i32
      %broadcast_in_dim3A_1947 = vector.broadcast %jit3A_1945 : i32 to vector<16xi32>
      %broadcast_in_dim3A_1948 = vector.broadcast %jit3A_1946 : i32 to vector<16xi32>
      %select_n3A_1949 = arith.select %lt3A_1944, %broadcast_in_dim3A_1947, %broadcast_in_dim3A_1948 : vector<16xi1>, vector<16xi32>
      %sub3A_1950 = arith.subi %xor3A, %select_n3A_1949 : vector<16xi32>
      %lt3A_1951 = vector.broadcast %add3A_1938 : i32 to vector<16xi32>
      %lt3A_1952 = arith.cmpi slt, %lt3A_1951, %add3A_80 : vector<16xi32>
      %jit3A_1953 = arith.constant 1 : i32
      %jit3A_1954 = arith.constant 0 : i32
      %broadcast_in_dim3A_1955 = vector.broadcast %jit3A_1953 : i32 to vector<16xi32>
      %broadcast_in_dim3A_1956 = vector.broadcast %jit3A_1954 : i32 to vector<16xi32>
      %select_n3A_1957 = arith.select %lt3A_1952, %broadcast_in_dim3A_1955, %broadcast_in_dim3A_1956 : vector<16xi1>, vector<16xi32>
      %sub3A_1958 = arith.subi %xor3A, %select_n3A_1957 : vector<16xi32>
      %gt3A_1959 = arith.cmpi sgt, %gather3A_1940, %sub3A_1950 : vector<16xi32>
      %jit3A_1960 = arith.constant 1 : i32
      %jit3A_1961 = arith.constant 0 : i32
      %broadcast_in_dim3A_1962 = vector.broadcast %jit3A_1960 : i32 to vector<16xi32>
      %broadcast_in_dim3A_1963 = vector.broadcast %jit3A_1961 : i32 to vector<16xi32>
      %select_n3A_1964 = arith.select %gt3A_1959, %broadcast_in_dim3A_1962, %broadcast_in_dim3A_1963 : vector<16xi1>, vector<16xi32>
      %add3A_1965 = arith.addi %scan3A_1928, %select_n3A_1964 : vector<16xi32>
      %gt3A_1966 = arith.cmpi sgt, %gather3A_1942, %sub3A_1958 : vector<16xi32>
      %jit3A_1967 = arith.constant 1 : i32
      %jit3A_1968 = arith.constant 0 : i32
      %broadcast_in_dim3A_1969 = vector.broadcast %jit3A_1967 : i32 to vector<16xi32>
      %broadcast_in_dim3A_1970 = vector.broadcast %jit3A_1968 : i32 to vector<16xi32>
      %select_n3A_1971 = arith.select %gt3A_1966, %broadcast_in_dim3A_1969, %broadcast_in_dim3A_1970 : vector<16xi1>, vector<16xi32>
      %add3A_1972 = arith.addi %add3A_1965, %select_n3A_1971 : vector<16xi32>
      %lt3A_1973 = vector.broadcast %mul3A_1936 : i32 to vector<16xi32>
      %lt3A_1974 = arith.cmpi slt, %lt3A_1973, %add3A_84 : vector<16xi32>
      %jit3A_1975 = arith.constant 1 : i32
      %jit3A_1976 = arith.constant 0 : i32
      %broadcast_in_dim3A_1977 = vector.broadcast %jit3A_1975 : i32 to vector<16xi32>
      %broadcast_in_dim3A_1978 = vector.broadcast %jit3A_1976 : i32 to vector<16xi32>
      %select_n3A_1979 = arith.select %lt3A_1974, %broadcast_in_dim3A_1977, %broadcast_in_dim3A_1978 : vector<16xi1>, vector<16xi32>
      %sub3A_1980 = arith.subi %xor3A_128, %select_n3A_1979 : vector<16xi32>
      %lt3A_1981 = vector.broadcast %add3A_1938 : i32 to vector<16xi32>
      %lt3A_1982 = arith.cmpi slt, %lt3A_1981, %add3A_84 : vector<16xi32>
      %jit3A_1983 = arith.constant 1 : i32
      %jit3A_1984 = arith.constant 0 : i32
      %broadcast_in_dim3A_1985 = vector.broadcast %jit3A_1983 : i32 to vector<16xi32>
      %broadcast_in_dim3A_1986 = vector.broadcast %jit3A_1984 : i32 to vector<16xi32>
      %select_n3A_1987 = arith.select %lt3A_1982, %broadcast_in_dim3A_1985, %broadcast_in_dim3A_1986 : vector<16xi1>, vector<16xi32>
      %sub3A_1988 = arith.subi %xor3A_128, %select_n3A_1987 : vector<16xi32>
      %gt3A_1989 = arith.cmpi sgt, %gather3A_1940, %sub3A_1980 : vector<16xi32>
      %jit3A_1990 = arith.constant 1 : i32
      %jit3A_1991 = arith.constant 0 : i32
      %broadcast_in_dim3A_1992 = vector.broadcast %jit3A_1990 : i32 to vector<16xi32>
      %broadcast_in_dim3A_1993 = vector.broadcast %jit3A_1991 : i32 to vector<16xi32>
      %select_n3A_1994 = arith.select %gt3A_1989, %broadcast_in_dim3A_1992, %broadcast_in_dim3A_1993 : vector<16xi1>, vector<16xi32>
      %add3A_1995 = arith.addi %scan3A_1929, %select_n3A_1994 : vector<16xi32>
      %gt3A_1996 = arith.cmpi sgt, %gather3A_1942, %sub3A_1988 : vector<16xi32>
      %jit3A_1997 = arith.constant 1 : i32
      %jit3A_1998 = arith.constant 0 : i32
      %broadcast_in_dim3A_1999 = vector.broadcast %jit3A_1997 : i32 to vector<16xi32>
      %broadcast_in_dim3A_2000 = vector.broadcast %jit3A_1998 : i32 to vector<16xi32>
      %select_n3A_2001 = arith.select %gt3A_1996, %broadcast_in_dim3A_1999, %broadcast_in_dim3A_2000 : vector<16xi1>, vector<16xi32>
      %add3A_2002 = arith.addi %add3A_1995, %select_n3A_2001 : vector<16xi32>
      %lt3A_2003 = vector.broadcast %mul3A_1936 : i32 to vector<16xi32>
      %lt3A_2004 = arith.cmpi slt, %lt3A_2003, %add3A_88 : vector<16xi32>
      %jit3A_2005 = arith.constant 1 : i32
      %jit3A_2006 = arith.constant 0 : i32
      %broadcast_in_dim3A_2007 = vector.broadcast %jit3A_2005 : i32 to vector<16xi32>
      %broadcast_in_dim3A_2008 = vector.broadcast %jit3A_2006 : i32 to vector<16xi32>
      %select_n3A_2009 = arith.select %lt3A_2004, %broadcast_in_dim3A_2007, %broadcast_in_dim3A_2008 : vector<16xi1>, vector<16xi32>
      %sub3A_2010 = arith.subi %xor3A_144, %select_n3A_2009 : vector<16xi32>
      %lt3A_2011 = vector.broadcast %add3A_1938 : i32 to vector<16xi32>
      %lt3A_2012 = arith.cmpi slt, %lt3A_2011, %add3A_88 : vector<16xi32>
      %jit3A_2013 = arith.constant 1 : i32
      %jit3A_2014 = arith.constant 0 : i32
      %broadcast_in_dim3A_2015 = vector.broadcast %jit3A_2013 : i32 to vector<16xi32>
      %broadcast_in_dim3A_2016 = vector.broadcast %jit3A_2014 : i32 to vector<16xi32>
      %select_n3A_2017 = arith.select %lt3A_2012, %broadcast_in_dim3A_2015, %broadcast_in_dim3A_2016 : vector<16xi1>, vector<16xi32>
      %sub3A_2018 = arith.subi %xor3A_144, %select_n3A_2017 : vector<16xi32>
      %gt3A_2019 = arith.cmpi sgt, %gather3A_1940, %sub3A_2010 : vector<16xi32>
      %jit3A_2020 = arith.constant 1 : i32
      %jit3A_2021 = arith.constant 0 : i32
      %broadcast_in_dim3A_2022 = vector.broadcast %jit3A_2020 : i32 to vector<16xi32>
      %broadcast_in_dim3A_2023 = vector.broadcast %jit3A_2021 : i32 to vector<16xi32>
      %select_n3A_2024 = arith.select %gt3A_2019, %broadcast_in_dim3A_2022, %broadcast_in_dim3A_2023 : vector<16xi1>, vector<16xi32>
      %add3A_2025 = arith.addi %scan3A_1930, %select_n3A_2024 : vector<16xi32>
      %gt3A_2026 = arith.cmpi sgt, %gather3A_1942, %sub3A_2018 : vector<16xi32>
      %jit3A_2027 = arith.constant 1 : i32
      %jit3A_2028 = arith.constant 0 : i32
      %broadcast_in_dim3A_2029 = vector.broadcast %jit3A_2027 : i32 to vector<16xi32>
      %broadcast_in_dim3A_2030 = vector.broadcast %jit3A_2028 : i32 to vector<16xi32>
      %select_n3A_2031 = arith.select %gt3A_2026, %broadcast_in_dim3A_2029, %broadcast_in_dim3A_2030 : vector<16xi1>, vector<16xi32>
      %add3A_2032 = arith.addi %add3A_2025, %select_n3A_2031 : vector<16xi32>
      %lt3A_2033 = vector.broadcast %mul3A_1936 : i32 to vector<16xi32>
      %lt3A_2034 = arith.cmpi slt, %lt3A_2033, %add3A_92 : vector<16xi32>
      %jit3A_2035 = arith.constant 1 : i32
      %jit3A_2036 = arith.constant 0 : i32
      %broadcast_in_dim3A_2037 = vector.broadcast %jit3A_2035 : i32 to vector<16xi32>
      %broadcast_in_dim3A_2038 = vector.broadcast %jit3A_2036 : i32 to vector<16xi32>
      %select_n3A_2039 = arith.select %lt3A_2034, %broadcast_in_dim3A_2037, %broadcast_in_dim3A_2038 : vector<16xi1>, vector<16xi32>
      %sub3A_2040 = arith.subi %xor3A_160, %select_n3A_2039 : vector<16xi32>
      %lt3A_2041 = vector.broadcast %add3A_1938 : i32 to vector<16xi32>
      %lt3A_2042 = arith.cmpi slt, %lt3A_2041, %add3A_92 : vector<16xi32>
      %jit3A_2043 = arith.constant 1 : i32
      %jit3A_2044 = arith.constant 0 : i32
      %broadcast_in_dim3A_2045 = vector.broadcast %jit3A_2043 : i32 to vector<16xi32>
      %broadcast_in_dim3A_2046 = vector.broadcast %jit3A_2044 : i32 to vector<16xi32>
      %select_n3A_2047 = arith.select %lt3A_2042, %broadcast_in_dim3A_2045, %broadcast_in_dim3A_2046 : vector<16xi1>, vector<16xi32>
      %sub3A_2048 = arith.subi %xor3A_160, %select_n3A_2047 : vector<16xi32>
      %gt3A_2049 = arith.cmpi sgt, %gather3A_1940, %sub3A_2040 : vector<16xi32>
      %jit3A_2050 = arith.constant 1 : i32
      %jit3A_2051 = arith.constant 0 : i32
      %broadcast_in_dim3A_2052 = vector.broadcast %jit3A_2050 : i32 to vector<16xi32>
      %broadcast_in_dim3A_2053 = vector.broadcast %jit3A_2051 : i32 to vector<16xi32>
      %select_n3A_2054 = arith.select %gt3A_2049, %broadcast_in_dim3A_2052, %broadcast_in_dim3A_2053 : vector<16xi1>, vector<16xi32>
      %add3A_2055 = arith.addi %scan3A_1931, %select_n3A_2054 : vector<16xi32>
      %gt3A_2056 = arith.cmpi sgt, %gather3A_1942, %sub3A_2048 : vector<16xi32>
      %jit3A_2057 = arith.constant 1 : i32
      %jit3A_2058 = arith.constant 0 : i32
      %broadcast_in_dim3A_2059 = vector.broadcast %jit3A_2057 : i32 to vector<16xi32>
      %broadcast_in_dim3A_2060 = vector.broadcast %jit3A_2058 : i32 to vector<16xi32>
      %select_n3A_2061 = arith.select %gt3A_2056, %broadcast_in_dim3A_2059, %broadcast_in_dim3A_2060 : vector<16xi1>, vector<16xi32>
      %add3A_2062 = arith.addi %add3A_2055, %select_n3A_2061 : vector<16xi32>
      %lt3A_2063 = vector.broadcast %mul3A_1936 : i32 to vector<16xi32>
      %lt3A_2064 = arith.cmpi slt, %lt3A_2063, %add3A_96 : vector<16xi32>
      %jit3A_2065 = arith.constant 1 : i32
      %jit3A_2066 = arith.constant 0 : i32
      %broadcast_in_dim3A_2067 = vector.broadcast %jit3A_2065 : i32 to vector<16xi32>
      %broadcast_in_dim3A_2068 = vector.broadcast %jit3A_2066 : i32 to vector<16xi32>
      %select_n3A_2069 = arith.select %lt3A_2064, %broadcast_in_dim3A_2067, %broadcast_in_dim3A_2068 : vector<16xi1>, vector<16xi32>
      %sub3A_2070 = arith.subi %xor3A_176, %select_n3A_2069 : vector<16xi32>
      %lt3A_2071 = vector.broadcast %add3A_1938 : i32 to vector<16xi32>
      %lt3A_2072 = arith.cmpi slt, %lt3A_2071, %add3A_96 : vector<16xi32>
      %jit3A_2073 = arith.constant 1 : i32
      %jit3A_2074 = arith.constant 0 : i32
      %broadcast_in_dim3A_2075 = vector.broadcast %jit3A_2073 : i32 to vector<16xi32>
      %broadcast_in_dim3A_2076 = vector.broadcast %jit3A_2074 : i32 to vector<16xi32>
      %select_n3A_2077 = arith.select %lt3A_2072, %broadcast_in_dim3A_2075, %broadcast_in_dim3A_2076 : vector<16xi1>, vector<16xi32>
      %sub3A_2078 = arith.subi %xor3A_176, %select_n3A_2077 : vector<16xi32>
      %gt3A_2079 = arith.cmpi sgt, %gather3A_1940, %sub3A_2070 : vector<16xi32>
      %jit3A_2080 = arith.constant 1 : i32
      %jit3A_2081 = arith.constant 0 : i32
      %broadcast_in_dim3A_2082 = vector.broadcast %jit3A_2080 : i32 to vector<16xi32>
      %broadcast_in_dim3A_2083 = vector.broadcast %jit3A_2081 : i32 to vector<16xi32>
      %select_n3A_2084 = arith.select %gt3A_2079, %broadcast_in_dim3A_2082, %broadcast_in_dim3A_2083 : vector<16xi1>, vector<16xi32>
      %add3A_2085 = arith.addi %scan3A_1932, %select_n3A_2084 : vector<16xi32>
      %gt3A_2086 = arith.cmpi sgt, %gather3A_1942, %sub3A_2078 : vector<16xi32>
      %jit3A_2087 = arith.constant 1 : i32
      %jit3A_2088 = arith.constant 0 : i32
      %broadcast_in_dim3A_2089 = vector.broadcast %jit3A_2087 : i32 to vector<16xi32>
      %broadcast_in_dim3A_2090 = vector.broadcast %jit3A_2088 : i32 to vector<16xi32>
      %select_n3A_2091 = arith.select %gt3A_2086, %broadcast_in_dim3A_2089, %broadcast_in_dim3A_2090 : vector<16xi1>, vector<16xi32>
      %add3A_2092 = arith.addi %add3A_2085, %select_n3A_2091 : vector<16xi32>
      %lt3A_2093 = vector.broadcast %mul3A_1936 : i32 to vector<16xi32>
      %lt3A_2094 = arith.cmpi slt, %lt3A_2093, %add3A_100 : vector<16xi32>
      %jit3A_2095 = arith.constant 1 : i32
      %jit3A_2096 = arith.constant 0 : i32
      %broadcast_in_dim3A_2097 = vector.broadcast %jit3A_2095 : i32 to vector<16xi32>
      %broadcast_in_dim3A_2098 = vector.broadcast %jit3A_2096 : i32 to vector<16xi32>
      %select_n3A_2099 = arith.select %lt3A_2094, %broadcast_in_dim3A_2097, %broadcast_in_dim3A_2098 : vector<16xi1>, vector<16xi32>
      %sub3A_2100 = arith.subi %xor3A_192, %select_n3A_2099 : vector<16xi32>
      %lt3A_2101 = vector.broadcast %add3A_1938 : i32 to vector<16xi32>
      %lt3A_2102 = arith.cmpi slt, %lt3A_2101, %add3A_100 : vector<16xi32>
      %jit3A_2103 = arith.constant 1 : i32
      %jit3A_2104 = arith.constant 0 : i32
      %broadcast_in_dim3A_2105 = vector.broadcast %jit3A_2103 : i32 to vector<16xi32>
      %broadcast_in_dim3A_2106 = vector.broadcast %jit3A_2104 : i32 to vector<16xi32>
      %select_n3A_2107 = arith.select %lt3A_2102, %broadcast_in_dim3A_2105, %broadcast_in_dim3A_2106 : vector<16xi1>, vector<16xi32>
      %sub3A_2108 = arith.subi %xor3A_192, %select_n3A_2107 : vector<16xi32>
      %gt3A_2109 = arith.cmpi sgt, %gather3A_1940, %sub3A_2100 : vector<16xi32>
      %jit3A_2110 = arith.constant 1 : i32
      %jit3A_2111 = arith.constant 0 : i32
      %broadcast_in_dim3A_2112 = vector.broadcast %jit3A_2110 : i32 to vector<16xi32>
      %broadcast_in_dim3A_2113 = vector.broadcast %jit3A_2111 : i32 to vector<16xi32>
      %select_n3A_2114 = arith.select %gt3A_2109, %broadcast_in_dim3A_2112, %broadcast_in_dim3A_2113 : vector<16xi1>, vector<16xi32>
      %add3A_2115 = arith.addi %scan3A_1933, %select_n3A_2114 : vector<16xi32>
      %gt3A_2116 = arith.cmpi sgt, %gather3A_1942, %sub3A_2108 : vector<16xi32>
      %jit3A_2117 = arith.constant 1 : i32
      %jit3A_2118 = arith.constant 0 : i32
      %broadcast_in_dim3A_2119 = vector.broadcast %jit3A_2117 : i32 to vector<16xi32>
      %broadcast_in_dim3A_2120 = vector.broadcast %jit3A_2118 : i32 to vector<16xi32>
      %select_n3A_2121 = arith.select %gt3A_2116, %broadcast_in_dim3A_2119, %broadcast_in_dim3A_2120 : vector<16xi1>, vector<16xi32>
      %add3A_2122 = arith.addi %add3A_2115, %select_n3A_2121 : vector<16xi32>
      %lt3A_2123 = vector.broadcast %mul3A_1936 : i32 to vector<16xi32>
      %lt3A_2124 = arith.cmpi slt, %lt3A_2123, %add3A_104 : vector<16xi32>
      %jit3A_2125 = arith.constant 1 : i32
      %jit3A_2126 = arith.constant 0 : i32
      %broadcast_in_dim3A_2127 = vector.broadcast %jit3A_2125 : i32 to vector<16xi32>
      %broadcast_in_dim3A_2128 = vector.broadcast %jit3A_2126 : i32 to vector<16xi32>
      %select_n3A_2129 = arith.select %lt3A_2124, %broadcast_in_dim3A_2127, %broadcast_in_dim3A_2128 : vector<16xi1>, vector<16xi32>
      %sub3A_2130 = arith.subi %xor3A_208, %select_n3A_2129 : vector<16xi32>
      %lt3A_2131 = vector.broadcast %add3A_1938 : i32 to vector<16xi32>
      %lt3A_2132 = arith.cmpi slt, %lt3A_2131, %add3A_104 : vector<16xi32>
      %jit3A_2133 = arith.constant 1 : i32
      %jit3A_2134 = arith.constant 0 : i32
      %broadcast_in_dim3A_2135 = vector.broadcast %jit3A_2133 : i32 to vector<16xi32>
      %broadcast_in_dim3A_2136 = vector.broadcast %jit3A_2134 : i32 to vector<16xi32>
      %select_n3A_2137 = arith.select %lt3A_2132, %broadcast_in_dim3A_2135, %broadcast_in_dim3A_2136 : vector<16xi1>, vector<16xi32>
      %sub3A_2138 = arith.subi %xor3A_208, %select_n3A_2137 : vector<16xi32>
      %gt3A_2139 = arith.cmpi sgt, %gather3A_1940, %sub3A_2130 : vector<16xi32>
      %jit3A_2140 = arith.constant 1 : i32
      %jit3A_2141 = arith.constant 0 : i32
      %broadcast_in_dim3A_2142 = vector.broadcast %jit3A_2140 : i32 to vector<16xi32>
      %broadcast_in_dim3A_2143 = vector.broadcast %jit3A_2141 : i32 to vector<16xi32>
      %select_n3A_2144 = arith.select %gt3A_2139, %broadcast_in_dim3A_2142, %broadcast_in_dim3A_2143 : vector<16xi1>, vector<16xi32>
      %add3A_2145 = arith.addi %scan3A_1934, %select_n3A_2144 : vector<16xi32>
      %gt3A_2146 = arith.cmpi sgt, %gather3A_1942, %sub3A_2138 : vector<16xi32>
      %jit3A_2147 = arith.constant 1 : i32
      %jit3A_2148 = arith.constant 0 : i32
      %broadcast_in_dim3A_2149 = vector.broadcast %jit3A_2147 : i32 to vector<16xi32>
      %broadcast_in_dim3A_2150 = vector.broadcast %jit3A_2148 : i32 to vector<16xi32>
      %select_n3A_2151 = arith.select %gt3A_2146, %broadcast_in_dim3A_2149, %broadcast_in_dim3A_2150 : vector<16xi1>, vector<16xi32>
      %add3A_2152 = arith.addi %add3A_2145, %select_n3A_2151 : vector<16xi32>
      scf.yield %add3A_1972, %add3A_2002, %add3A_2032, %add3A_2062, %add3A_2092, %add3A_2122, %add3A_2152 : vector<16xi32>, vector<16xi32>, vector<16xi32>, vector<16xi32>, vector<16xi32>, vector<16xi32>, vector<16xi32>
    }
    %scan3A_229 = arith.constant 50 : i32
    tpu.vector_store_idx %arg8[%scan3A_228#0], %get3A_40 : memref<112xf32, #tpu.memory_space<vmem>>[vector<16xi32>], vector<16xf32>,
    tpu.vector_store_idx %arg8[%scan3A_228#1], %get3A_42 : memref<112xf32, #tpu.memory_space<vmem>>[vector<16xi32>], vector<16xf32>,
    tpu.vector_store_idx %arg8[%scan3A_228#2], %get3A_44 : memref<112xf32, #tpu.memory_space<vmem>>[vector<16xi32>], vector<16xf32>,
    tpu.vector_store_idx %arg8[%scan3A_228#3], %get3A_46 : memref<112xf32, #tpu.memory_space<vmem>>[vector<16xi32>], vector<16xf32>,
    tpu.vector_store_idx %arg8[%scan3A_228#4], %get3A_48 : memref<112xf32, #tpu.memory_space<vmem>>[vector<16xi32>], vector<16xf32>,
    tpu.vector_store_idx %arg8[%scan3A_228#5], %get3A_50 : memref<112xf32, #tpu.memory_space<vmem>>[vector<16xi32>], vector<16xf32>,
    tpu.vector_store_idx %arg8[%scan3A_228#6], %select_n3A_76 : memref<112xf32, #tpu.memory_space<vmem>>[vector<16xi32>], vector<16xf32>,
    %get3A_230 = arith.constant 0 : index
    %get3A_231 = tpu.vector_load %arg8[%get3A_230] {strides = array<i32>} : memref<112xf32, #tpu.memory_space<vmem>>, vector<16xf32>,
    %exp3A = math.exp %get3A_231 : vector<16xf32>
    %neg3A = arith.constant 0.000000e+00 : f32
    %neg3A_232 = vector.broadcast %neg3A : f32 to vector<16xf32>
    %neg3A_233 = arith.subf %neg3A_232, %get3A_231 : vector<16xf32>
    %exp3A_234 = math.exp %neg3A_233 : vector<16xf32>
    %broadcast_in_dim3A_235 = arith.constant true
    %broadcast_in_dim3A_236 = vector.broadcast %broadcast_in_dim3A_235 : i1 to vector<16xi1>
    %masked_cumsum3A = tpu.scan <sum>, %exp3A masked %broadcast_in_dim3A_236 : vector<16xf32>, vector<16xi1> -> vector<16xf32>
    %add3A_237 = arith.constant 0.000000e+00 : f32
    %add3A_238 = vector.broadcast %add3A_237 : f32 to vector<16xf32>
    %add3A_239 = arith.addf %masked_cumsum3A, %add3A_238 : vector<16xf32>
    %swap3A_240 = arith.constant 0 : index
    %swap3A_241 = tpu.vector_load %arg9[%swap3A_240] {strides = array<i32>} : memref<112xf32, #tpu.memory_space<vmem>>, vector<16xf32>,
    tpu.vector_store %arg9[%swap3A_240], %add3A_239 {strides = array<i32>} : memref<112xf32, #tpu.memory_space<vmem>>, vector<16xf32>,
    %broadcast_in_dim3A_242 = arith.constant true
    %broadcast_in_dim3A_243 = vector.broadcast %broadcast_in_dim3A_242 : i1 to vector<16xi1>
    %masked_cumsum3A_244 = tpu.scan <sum>, %exp3A_234 masked %broadcast_in_dim3A_243 : vector<16xf32>, vector<16xi1> -> vector<16xf32>
    %add3A_245 = arith.constant 0.000000e+00 : f32
    %add3A_246 = vector.broadcast %add3A_245 : f32 to vector<16xf32>
    %add3A_247 = arith.addf %masked_cumsum3A_244, %add3A_246 : vector<16xf32>
    %swap3A_248 = arith.constant 0 : index
    %swap3A_249 = tpu.vector_load %arg10[%swap3A_248] {strides = array<i32>} : memref<112xf32, #tpu.memory_space<vmem>>, vector<16xf32>,
    tpu.vector_store %arg10[%swap3A_248], %add3A_247 {strides = array<i32>} : memref<112xf32, #tpu.memory_space<vmem>>, vector<16xf32>,
    %reduce_sum3A = arith.constant true
    %reduce_sum3A_250 = vector.broadcast %reduce_sum3A : i1 to vector<16xi1>
    %reduce_sum3A_251 = tpu.scan <sum>, %exp3A masked %reduce_sum3A_250 : vector<16xf32>, vector<16xi1> -> vector<16xf32>
    %reduce_sum3A_252 = vector.extract %reduce_sum3A_251[15] : f32 from vector<16xf32>
    %add3A_253 = arith.constant 0.000000e+00 : f32
    %add3A_254 = arith.addf %add3A_253, %reduce_sum3A_252 : f32
    %reduce_sum3A_255 = arith.constant true
    %reduce_sum3A_256 = vector.broadcast %reduce_sum3A_255 : i1 to vector<16xi1>
    %reduce_sum3A_257 = tpu.scan <sum>, %exp3A_234 masked %reduce_sum3A_256 : vector<16xf32>, vector<16xi1> -> vector<16xf32>
    %reduce_sum3A_258 = vector.extract %reduce_sum3A_257[15] : f32 from vector<16xf32>
    %add3A_259 = arith.constant 0.000000e+00 : f32
    %add3A_260 = arith.addf %add3A_259, %reduce_sum3A_258 : f32
    %get3A_261 = arith.constant 16 : index
    %get3A_262 = tpu.vector_load %arg8[%get3A_261] {strides = array<i32>} : memref<112xf32, #tpu.memory_space<vmem>>, vector<16xf32>,
    %exp3A_263 = math.exp %get3A_262 : vector<16xf32>
    %neg3A_264 = arith.constant 0.000000e+00 : f32
    %neg3A_265 = vector.broadcast %neg3A_264 : f32 to vector<16xf32>
    %neg3A_266 = arith.subf %neg3A_265, %get3A_262 : vector<16xf32>
    %exp3A_267 = math.exp %neg3A_266 : vector<16xf32>
    %broadcast_in_dim3A_268 = arith.constant true
    %broadcast_in_dim3A_269 = vector.broadcast %broadcast_in_dim3A_268 : i1 to vector<16xi1>
    %masked_cumsum3A_270 = tpu.scan <sum>, %exp3A_263 masked %broadcast_in_dim3A_269 : vector<16xf32>, vector<16xi1> -> vector<16xf32>
    %add3A_271 = vector.broadcast %add3A_254 : f32 to vector<16xf32>
    %add3A_272 = arith.addf %masked_cumsum3A_270, %add3A_271 : vector<16xf32>
    %swap3A_273 = arith.constant 16 : index
    %swap3A_274 = tpu.vector_load %arg9[%swap3A_273] {strides = array<i32>} : memref<112xf32, #tpu.memory_space<vmem>>, vector<16xf32>,
    tpu.vector_store %arg9[%swap3A_273], %add3A_272 {strides = array<i32>} : memref<112xf32, #tpu.memory_space<vmem>>, vector<16xf32>,
    %broadcast_in_dim3A_275 = arith.constant true
    %broadcast_in_dim3A_276 = vector.broadcast %broadcast_in_dim3A_275 : i1 to vector<16xi1>
    %masked_cumsum3A_277 = tpu.scan <sum>, %exp3A_267 masked %broadcast_in_dim3A_276 : vector<16xf32>, vector<16xi1> -> vector<16xf32>
    %add3A_278 = vector.broadcast %add3A_260 : f32 to vector<16xf32>
    %add3A_279 = arith.addf %masked_cumsum3A_277, %add3A_278 : vector<16xf32>
    %swap3A_280 = arith.constant 16 : index
    %swap3A_281 = tpu.vector_load %arg10[%swap3A_280] {strides = array<i32>} : memref<112xf32, #tpu.memory_space<vmem>>, vector<16xf32>,
    tpu.vector_store %arg10[%swap3A_280], %add3A_279 {strides = array<i32>} : memref<112xf32, #tpu.memory_space<vmem>>, vector<16xf32>,
    %reduce_sum3A_282 = arith.constant true
    %reduce_sum3A_283 = vector.broadcast %reduce_sum3A_282 : i1 to vector<16xi1>
    %reduce_sum3A_284 = tpu.scan <sum>, %exp3A_263 masked %reduce_sum3A_283 : vector<16xf32>, vector<16xi1> -> vector<16xf32>
    %reduce_sum3A_285 = vector.extract %reduce_sum3A_284[15] : f32 from vector<16xf32>
    %add3A_286 = arith.addf %add3A_254, %reduce_sum3A_285 : f32
    %reduce_sum3A_287 = arith.constant true
    %reduce_sum3A_288 = vector.broadcast %reduce_sum3A_287 : i1 to vector<16xi1>
    %reduce_sum3A_289 = tpu.scan <sum>, %exp3A_267 masked %reduce_sum3A_288 : vector<16xf32>, vector<16xi1> -> vector<16xf32>
    %reduce_sum3A_290 = vector.extract %reduce_sum3A_289[15] : f32 from vector<16xf32>
    %add3A_291 = arith.addf %add3A_260, %reduce_sum3A_290 : f32
    %get3A_292 = arith.constant 32 : index
    %get3A_293 = tpu.vector_load %arg8[%get3A_292] {strides = array<i32>} : memref<112xf32, #tpu.memory_space<vmem>>, vector<16xf32>,
    %exp3A_294 = math.exp %get3A_293 : vector<16xf32>
    %neg3A_295 = arith.constant 0.000000e+00 : f32
    %neg3A_296 = vector.broadcast %neg3A_295 : f32 to vector<16xf32>
    %neg3A_297 = arith.subf %neg3A_296, %get3A_293 : vector<16xf32>
    %exp3A_298 = math.exp %neg3A_297 : vector<16xf32>
    %broadcast_in_dim3A_299 = arith.constant true
    %broadcast_in_dim3A_300 = vector.broadcast %broadcast_in_dim3A_299 : i1 to vector<16xi1>
    %masked_cumsum3A_301 = tpu.scan <sum>, %exp3A_294 masked %broadcast_in_dim3A_300 : vector<16xf32>, vector<16xi1> -> vector<16xf32>
    %add3A_302 = vector.broadcast %add3A_286 : f32 to vector<16xf32>
    %add3A_303 = arith.addf %masked_cumsum3A_301, %add3A_302 : vector<16xf32>
    %swap3A_304 = arith.constant 32 : index
    %swap3A_305 = tpu.vector_load %arg9[%swap3A_304] {strides = array<i32>} : memref<112xf32, #tpu.memory_space<vmem>>, vector<16xf32>,
    tpu.vector_store %arg9[%swap3A_304], %add3A_303 {strides = array<i32>} : memref<112xf32, #tpu.memory_space<vmem>>, vector<16xf32>,
    %broadcast_in_dim3A_306 = arith.constant true
    %broadcast_in_dim3A_307 = vector.broadcast %broadcast_in_dim3A_306 : i1 to vector<16xi1>
    %masked_cumsum3A_308 = tpu.scan <sum>, %exp3A_298 masked %broadcast_in_dim3A_307 : vector<16xf32>, vector<16xi1> -> vector<16xf32>
    %add3A_309 = vector.broadcast %add3A_291 : f32 to vector<16xf32>
    %add3A_310 = arith.addf %masked_cumsum3A_308, %add3A_309 : vector<16xf32>
    %swap3A_311 = arith.constant 32 : index
    %swap3A_312 = tpu.vector_load %arg10[%swap3A_311] {strides = array<i32>} : memref<112xf32, #tpu.memory_space<vmem>>, vector<16xf32>,
    tpu.vector_store %arg10[%swap3A_311], %add3A_310 {strides = array<i32>} : memref<112xf32, #tpu.memory_space<vmem>>, vector<16xf32>,
    %reduce_sum3A_313 = arith.constant true
    %reduce_sum3A_314 = vector.broadcast %reduce_sum3A_313 : i1 to vector<16xi1>
    %reduce_sum3A_315 = tpu.scan <sum>, %exp3A_294 masked %reduce_sum3A_314 : vector<16xf32>, vector<16xi1> -> vector<16xf32>
    %reduce_sum3A_316 = vector.extract %reduce_sum3A_315[15] : f32 from vector<16xf32>
    %add3A_317 = arith.addf %add3A_286, %reduce_sum3A_316 : f32
    %reduce_sum3A_318 = arith.constant true
    %reduce_sum3A_319 = vector.broadcast %reduce_sum3A_318 : i1 to vector<16xi1>
    %reduce_sum3A_320 = tpu.scan <sum>, %exp3A_298 masked %reduce_sum3A_319 : vector<16xf32>, vector<16xi1> -> vector<16xf32>
    %reduce_sum3A_321 = vector.extract %reduce_sum3A_320[15] : f32 from vector<16xf32>
    %add3A_322 = arith.addf %add3A_291, %reduce_sum3A_321 : f32
    %get3A_323 = arith.constant 48 : index
    %get3A_324 = tpu.vector_load %arg8[%get3A_323] {strides = array<i32>} : memref<112xf32, #tpu.memory_space<vmem>>, vector<16xf32>,
    %exp3A_325 = math.exp %get3A_324 : vector<16xf32>
    %neg3A_326 = arith.constant 0.000000e+00 : f32
    %neg3A_327 = vector.broadcast %neg3A_326 : f32 to vector<16xf32>
    %neg3A_328 = arith.subf %neg3A_327, %get3A_324 : vector<16xf32>
    %exp3A_329 = math.exp %neg3A_328 : vector<16xf32>
    %broadcast_in_dim3A_330 = arith.constant true
    %broadcast_in_dim3A_331 = vector.broadcast %broadcast_in_dim3A_330 : i1 to vector<16xi1>
    %masked_cumsum3A_332 = tpu.scan <sum>, %exp3A_325 masked %broadcast_in_dim3A_331 : vector<16xf32>, vector<16xi1> -> vector<16xf32>
    %add3A_333 = vector.broadcast %add3A_317 : f32 to vector<16xf32>
    %add3A_334 = arith.addf %masked_cumsum3A_332, %add3A_333 : vector<16xf32>
    %swap3A_335 = arith.constant 48 : index
    %swap3A_336 = tpu.vector_load %arg9[%swap3A_335] {strides = array<i32>} : memref<112xf32, #tpu.memory_space<vmem>>, vector<16xf32>,
    tpu.vector_store %arg9[%swap3A_335], %add3A_334 {strides = array<i32>} : memref<112xf32, #tpu.memory_space<vmem>>, vector<16xf32>,
    %broadcast_in_dim3A_337 = arith.constant true
    %broadcast_in_dim3A_338 = vector.broadcast %broadcast_in_dim3A_337 : i1 to vector<16xi1>
    %masked_cumsum3A_339 = tpu.scan <sum>, %exp3A_329 masked %broadcast_in_dim3A_338 : vector<16xf32>, vector<16xi1> -> vector<16xf32>
    %add3A_340 = vector.broadcast %add3A_322 : f32 to vector<16xf32>
    %add3A_341 = arith.addf %masked_cumsum3A_339, %add3A_340 : vector<16xf32>
    %swap3A_342 = arith.constant 48 : index
    %swap3A_343 = tpu.vector_load %arg10[%swap3A_342] {strides = array<i32>} : memref<112xf32, #tpu.memory_space<vmem>>, vector<16xf32>,
    tpu.vector_store %arg10[%swap3A_342], %add3A_341 {strides = array<i32>} : memref<112xf32, #tpu.memory_space<vmem>>, vector<16xf32>,
    %reduce_sum3A_344 = arith.constant true
    %reduce_sum3A_345 = vector.broadcast %reduce_sum3A_344 : i1 to vector<16xi1>
    %reduce_sum3A_346 = tpu.scan <sum>, %exp3A_325 masked %reduce_sum3A_345 : vector<16xf32>, vector<16xi1> -> vector<16xf32>
    %reduce_sum3A_347 = vector.extract %reduce_sum3A_346[15] : f32 from vector<16xf32>
    %add3A_348 = arith.addf %add3A_317, %reduce_sum3A_347 : f32
    %reduce_sum3A_349 = arith.constant true
    %reduce_sum3A_350 = vector.broadcast %reduce_sum3A_349 : i1 to vector<16xi1>
    %reduce_sum3A_351 = tpu.scan <sum>, %exp3A_329 masked %reduce_sum3A_350 : vector<16xf32>, vector<16xi1> -> vector<16xf32>
    %reduce_sum3A_352 = vector.extract %reduce_sum3A_351[15] : f32 from vector<16xf32>
    %add3A_353 = arith.addf %add3A_322, %reduce_sum3A_352 : f32
    %get3A_354 = arith.constant 64 : index
    %get3A_355 = tpu.vector_load %arg8[%get3A_354] {strides = array<i32>} : memref<112xf32, #tpu.memory_space<vmem>>, vector<16xf32>,
    %exp3A_356 = math.exp %get3A_355 : vector<16xf32>
    %neg3A_357 = arith.constant 0.000000e+00 : f32
    %neg3A_358 = vector.broadcast %neg3A_357 : f32 to vector<16xf32>
    %neg3A_359 = arith.subf %neg3A_358, %get3A_355 : vector<16xf32>
    %exp3A_360 = math.exp %neg3A_359 : vector<16xf32>
    %broadcast_in_dim3A_361 = arith.constant true
    %broadcast_in_dim3A_362 = vector.broadcast %broadcast_in_dim3A_361 : i1 to vector<16xi1>
    %masked_cumsum3A_363 = tpu.scan <sum>, %exp3A_356 masked %broadcast_in_dim3A_362 : vector<16xf32>, vector<16xi1> -> vector<16xf32>
    %add3A_364 = vector.broadcast %add3A_348 : f32 to vector<16xf32>
    %add3A_365 = arith.addf %masked_cumsum3A_363, %add3A_364 : vector<16xf32>
    %swap3A_366 = arith.constant 64 : index
    %swap3A_367 = tpu.vector_load %arg9[%swap3A_366] {strides = array<i32>} : memref<112xf32, #tpu.memory_space<vmem>>, vector<16xf32>,
    tpu.vector_store %arg9[%swap3A_366], %add3A_365 {strides = array<i32>} : memref<112xf32, #tpu.memory_space<vmem>>, vector<16xf32>,
    %broadcast_in_dim3A_368 = arith.constant true
    %broadcast_in_dim3A_369 = vector.broadcast %broadcast_in_dim3A_368 : i1 to vector<16xi1>
    %masked_cumsum3A_370 = tpu.scan <sum>, %exp3A_360 masked %broadcast_in_dim3A_369 : vector<16xf32>, vector<16xi1> -> vector<16xf32>
    %add3A_371 = vector.broadcast %add3A_353 : f32 to vector<16xf32>
    %add3A_372 = arith.addf %masked_cumsum3A_370, %add3A_371 : vector<16xf32>
    %swap3A_373 = arith.constant 64 : index
    %swap3A_374 = tpu.vector_load %arg10[%swap3A_373] {strides = array<i32>} : memref<112xf32, #tpu.memory_space<vmem>>, vector<16xf32>,
    tpu.vector_store %arg10[%swap3A_373], %add3A_372 {strides = array<i32>} : memref<112xf32, #tpu.memory_space<vmem>>, vector<16xf32>,
    %reduce_sum3A_375 = arith.constant true
    %reduce_sum3A_376 = vector.broadcast %reduce_sum3A_375 : i1 to vector<16xi1>
    %reduce_sum3A_377 = tpu.scan <sum>, %exp3A_356 masked %reduce_sum3A_376 : vector<16xf32>, vector<16xi1> -> vector<16xf32>
    %reduce_sum3A_378 = vector.extract %reduce_sum3A_377[15] : f32 from vector<16xf32>
    %add3A_379 = arith.addf %add3A_348, %reduce_sum3A_378 : f32
    %reduce_sum3A_380 = arith.constant true
    %reduce_sum3A_381 = vector.broadcast %reduce_sum3A_380 : i1 to vector<16xi1>
    %reduce_sum3A_382 = tpu.scan <sum>, %exp3A_360 masked %reduce_sum3A_381 : vector<16xf32>, vector<16xi1> -> vector<16xf32>
    %reduce_sum3A_383 = vector.extract %reduce_sum3A_382[15] : f32 from vector<16xf32>
    %add3A_384 = arith.addf %add3A_353, %reduce_sum3A_383 : f32
    %get3A_385 = arith.constant 80 : index
    %get3A_386 = tpu.vector_load %arg8[%get3A_385] {strides = array<i32>} : memref<112xf32, #tpu.memory_space<vmem>>, vector<16xf32>,
    %exp3A_387 = math.exp %get3A_386 : vector<16xf32>
    %neg3A_388 = arith.constant 0.000000e+00 : f32
    %neg3A_389 = vector.broadcast %neg3A_388 : f32 to vector<16xf32>
    %neg3A_390 = arith.subf %neg3A_389, %get3A_386 : vector<16xf32>
    %exp3A_391 = math.exp %neg3A_390 : vector<16xf32>
    %broadcast_in_dim3A_392 = arith.constant true
    %broadcast_in_dim3A_393 = vector.broadcast %broadcast_in_dim3A_392 : i1 to vector<16xi1>
    %masked_cumsum3A_394 = tpu.scan <sum>, %exp3A_387 masked %broadcast_in_dim3A_393 : vector<16xf32>, vector<16xi1> -> vector<16xf32>
    %add3A_395 = vector.broadcast %add3A_379 : f32 to vector<16xf32>
    %add3A_396 = arith.addf %masked_cumsum3A_394, %add3A_395 : vector<16xf32>
    %swap3A_397 = arith.constant 80 : index
    %swap3A_398 = tpu.vector_load %arg9[%swap3A_397] {strides = array<i32>} : memref<112xf32, #tpu.memory_space<vmem>>, vector<16xf32>,
    tpu.vector_store %arg9[%swap3A_397], %add3A_396 {strides = array<i32>} : memref<112xf32, #tpu.memory_space<vmem>>, vector<16xf32>,
    %broadcast_in_dim3A_399 = arith.constant true
    %broadcast_in_dim3A_400 = vector.broadcast %broadcast_in_dim3A_399 : i1 to vector<16xi1>
    %masked_cumsum3A_401 = tpu.scan <sum>, %exp3A_391 masked %broadcast_in_dim3A_400 : vector<16xf32>, vector<16xi1> -> vector<16xf32>
    %add3A_402 = vector.broadcast %add3A_384 : f32 to vector<16xf32>
    %add3A_403 = arith.addf %masked_cumsum3A_401, %add3A_402 : vector<16xf32>
    %swap3A_404 = arith.constant 80 : index
    %swap3A_405 = tpu.vector_load %arg10[%swap3A_404] {strides = array<i32>} : memref<112xf32, #tpu.memory_space<vmem>>, vector<16xf32>,
    tpu.vector_store %arg10[%swap3A_404], %add3A_403 {strides = array<i32>} : memref<112xf32, #tpu.memory_space<vmem>>, vector<16xf32>,
    %reduce_sum3A_406 = arith.constant true
    %reduce_sum3A_407 = vector.broadcast %reduce_sum3A_406 : i1 to vector<16xi1>
    %reduce_sum3A_408 = tpu.scan <sum>, %exp3A_387 masked %reduce_sum3A_407 : vector<16xf32>, vector<16xi1> -> vector<16xf32>
    %reduce_sum3A_409 = vector.extract %reduce_sum3A_408[15] : f32 from vector<16xf32>
    %add3A_410 = arith.addf %add3A_379, %reduce_sum3A_409 : f32
    %reduce_sum3A_411 = arith.constant true
    %reduce_sum3A_412 = vector.broadcast %reduce_sum3A_411 : i1 to vector<16xi1>
    %reduce_sum3A_413 = tpu.scan <sum>, %exp3A_391 masked %reduce_sum3A_412 : vector<16xf32>, vector<16xi1> -> vector<16xf32>
    %reduce_sum3A_414 = vector.extract %reduce_sum3A_413[15] : f32 from vector<16xf32>
    %add3A_415 = arith.addf %add3A_384, %reduce_sum3A_414 : f32
    %get3A_416 = arith.constant 96 : index
    %get3A_417 = tpu.vector_load %arg8[%get3A_416] {strides = array<i32>} : memref<112xf32, #tpu.memory_space<vmem>>, vector<16xf32>,
    %exp3A_418 = math.exp %get3A_417 : vector<16xf32>
    %neg3A_419 = arith.constant 0.000000e+00 : f32
    %neg3A_420 = vector.broadcast %neg3A_419 : f32 to vector<16xf32>
    %neg3A_421 = arith.subf %neg3A_420, %get3A_417 : vector<16xf32>
    %exp3A_422 = math.exp %neg3A_421 : vector<16xf32>
    %broadcast_in_dim3A_423 = arith.constant true
    %broadcast_in_dim3A_424 = vector.broadcast %broadcast_in_dim3A_423 : i1 to vector<16xi1>
    %masked_cumsum3A_425 = tpu.scan <sum>, %exp3A_418 masked %broadcast_in_dim3A_424 : vector<16xf32>, vector<16xi1> -> vector<16xf32>
    %add3A_426 = vector.broadcast %add3A_410 : f32 to vector<16xf32>
    %add3A_427 = arith.addf %masked_cumsum3A_425, %add3A_426 : vector<16xf32>
    %swap3A_428 = arith.constant 96 : index
    %swap3A_429 = tpu.vector_load %arg9[%swap3A_428] {strides = array<i32>} : memref<112xf32, #tpu.memory_space<vmem>>, vector<16xf32>,
    tpu.vector_store %arg9[%swap3A_428], %add3A_427 {strides = array<i32>} : memref<112xf32, #tpu.memory_space<vmem>>, vector<16xf32>,
    %broadcast_in_dim3A_430 = arith.constant true
    %broadcast_in_dim3A_431 = vector.broadcast %broadcast_in_dim3A_430 : i1 to vector<16xi1>
    %masked_cumsum3A_432 = tpu.scan <sum>, %exp3A_422 masked %broadcast_in_dim3A_431 : vector<16xf32>, vector<16xi1> -> vector<16xf32>
    %add3A_433 = vector.broadcast %add3A_415 : f32 to vector<16xf32>
    %add3A_434 = arith.addf %masked_cumsum3A_432, %add3A_433 : vector<16xf32>
    %swap3A_435 = arith.constant 96 : index
    %swap3A_436 = tpu.vector_load %arg10[%swap3A_435] {strides = array<i32>} : memref<112xf32, #tpu.memory_space<vmem>>, vector<16xf32>,
    tpu.vector_store %arg10[%swap3A_435], %add3A_434 {strides = array<i32>} : memref<112xf32, #tpu.memory_space<vmem>>, vector<16xf32>,
    %broadcast_in_dim3A_437 = arith.constant 50 : i32
    %broadcast_in_dim3A_438 = vector.broadcast %broadcast_in_dim3A_437 : i32 to vector<16xi32>
    %gather3A_439 = tpu.vector_load_idx %arg9[%broadcast_in_dim3A_438] : memref<112xf32, #tpu.memory_space<vmem>>[vector<16xi32>], vector<16xf32>,
    %broadcast_in_dim3A_440 = arith.constant 99 : i32
    %broadcast_in_dim3A_441 = vector.broadcast %broadcast_in_dim3A_440 : i32 to vector<16xi32>
    %gather3A_442 = tpu.vector_load_idx %arg10[%broadcast_in_dim3A_441] : memref<112xf32, #tpu.memory_space<vmem>>[vector<16xi32>], vector<16xf32>,
    %iota3A_443 = tpu.iota {dimensions = array<i32: 0>} : vector<16xi32>
    %add3A_444 = arith.constant 0 : i32
    %add3A_445 = vector.broadcast %add3A_444 : i32 to vector<16xi32>
    %add3A_446 = arith.addi %iota3A_443, %add3A_445 : vector<16xi32>
    %lt3A_447 = arith.constant 50 : i32
    %lt3A_448 = vector.broadcast %lt3A_447 : i32 to vector<16xi32>
    %lt3A_449 = arith.cmpi slt, %add3A_446, %lt3A_448 : vector<16xi32>
    %sub3A = arith.constant 1 : i32
    %sub3A_450 = vector.broadcast %sub3A : i32 to vector<16xi32>
    %sub3A_451 = arith.subi %add3A_446, %sub3A_450 : vector<16xi32>
    %max3A = arith.constant 0 : i32
    %max3A_452 = vector.broadcast %max3A : i32 to vector<16xi32>
    %max3A_453 = arith.maxsi %sub3A_451, %max3A_452 : vector<16xi32>
    %gather3A_454 = tpu.vector_load_idx %arg9[%max3A_453] : memref<112xf32, #tpu.memory_space<vmem>>[vector<16xi32>], vector<16xf32>,
    %gt3A = arith.constant 0 : i32
    %gt3A_455 = vector.broadcast %gt3A : i32 to vector<16xi32>
    %gt3A_456 = arith.cmpi sgt, %add3A_446, %gt3A_455 : vector<16xi32>
    %jit3A_457 = arith.constant 0.000000e+00 : f32
    %broadcast_in_dim3A_458 = vector.broadcast %jit3A_457 : f32 to vector<16xf32>
    %select_n3A_459 = arith.select %gt3A_456, %gather3A_454, %broadcast_in_dim3A_458 : vector<16xi1>, vector<16xf32>
    %sub3A_460 = arith.subf %gather3A_439, %select_n3A_459 : vector<16xf32>
    %add3A_461 = arith.constant 48 : i32
    %add3A_462 = vector.broadcast %add3A_461 : i32 to vector<16xi32>
    %add3A_463 = arith.addi %add3A_446, %add3A_462 : vector<16xi32>
    %gather3A_464 = tpu.vector_load_idx %arg10[%add3A_463] : memref<112xf32, #tpu.memory_space<vmem>>[vector<16xi32>], vector<16xf32>,
    %sub3A_465 = arith.subf %gather3A_442, %gather3A_464 : vector<16xf32>
    %convert_element_type3A = arith.sitofp %add3A_446 : vector<16xi32> to vector<16xf32>
    %sub3A_466 = arith.constant 2.000000e+00 : f32
    %sub3A_467 = vector.broadcast %sub3A_466 : f32 to vector<16xf32>
    %sub3A_468 = arith.subf %sub3A_467, %convert_element_type3A : vector<16xf32>
    %max3A_469 = arith.constant 0.000000e+00 : f32
    %max3A_470 = vector.broadcast %max3A_469 : f32 to vector<16xf32>
    %max3A_471 = arith.maximumf %max3A_470, %sub3A_468 : vector<16xf32>
    %mul3A_472 = arith.mulf %sub3A_460, %sub3A_465 : vector<16xf32>
    %sub3A_473 = arith.subf %mul3A_472, %max3A_471 : vector<16xf32>
    %jit3A_474 = arith.constant 1.000000e+00 : f32
    %broadcast_in_dim3A_475 = vector.broadcast %jit3A_474 : f32 to vector<16xf32>
    %select_n3A_476 = arith.select %lt3A_449, %sub3A_473, %broadcast_in_dim3A_475 : vector<16xi1>, vector<16xf32>
    %bitcast3A_477 = vector.bitcast %select_n3A_476 : vector<16xf32> to vector<16xi32>
    %shift_right_arithmetic3A_478 = arith.constant 23 : i32
    %shift_right_arithmetic3A_479 = vector.broadcast %shift_right_arithmetic3A_478 : i32 to vector<16xi32>
    %shift_right_arithmetic3A_480 = arith.shrsi %bitcast3A_477, %shift_right_arithmetic3A_479 : vector<16xi32>
    %sub3A_481 = arith.constant 127 : i32
    %sub3A_482 = vector.broadcast %sub3A_481 : i32 to vector<16xi32>
    %sub3A_483 = arith.subi %shift_right_arithmetic3A_480, %sub3A_482 : vector<16xi32>
    %and3A_484 = arith.constant 8388607 : i32
    %and3A_485 = vector.broadcast %and3A_484 : i32 to vector<16xi32>
    %and3A_486 = arith.andi %bitcast3A_477, %and3A_485 : vector<16xi32>
    %or3A = arith.constant 1065353216 : i32
    %or3A_487 = vector.broadcast %or3A : i32 to vector<16xi32>
    %or3A_488 = arith.ori %and3A_486, %or3A_487 : vector<16xi32>
    %bitcast3A_489 = vector.bitcast %or3A_488 : vector<16xi32> to vector<16xf32>
    %gt3A_490 = arith.constant 1.41421354 : f32
    %gt3A_491 = vector.broadcast %gt3A_490 : f32 to vector<16xf32>
    %gt3A_492 = arith.cmpf ogt, %bitcast3A_489, %gt3A_491 : vector<16xf32>
    %mul3A_493 = arith.constant 5.000000e-01 : f32
    %mul3A_494 = vector.broadcast %mul3A_493 : f32 to vector<16xf32>
    %mul3A_495 = arith.mulf %bitcast3A_489, %mul3A_494 : vector<16xf32>
    %select_n3A_496 = arith.select %gt3A_492, %mul3A_495, %bitcast3A_489 : vector<16xi1>, vector<16xf32>
    %add3A_497 = arith.constant 1 : i32
    %add3A_498 = vector.broadcast %add3A_497 : i32 to vector<16xi32>
    %add3A_499 = arith.addi %sub3A_483, %add3A_498 : vector<16xi32>
    %select_n3A_500 = arith.select %gt3A_492, %add3A_499, %sub3A_483 : vector<16xi1>, vector<16xi32>
    %sub3A_501 = arith.constant 1.000000e+00 : f32
    %sub3A_502 = vector.broadcast %sub3A_501 : f32 to vector<16xf32>
    %sub3A_503 = arith.subf %select_n3A_496, %sub3A_502 : vector<16xf32>
    %add3A_504 = arith.constant 1.000000e+00 : f32
    %add3A_505 = vector.broadcast %add3A_504 : f32 to vector<16xf32>
    %add3A_506 = arith.addf %select_n3A_496, %add3A_505 : vector<16xf32>
    %div3A = arith.divf %sub3A_503, %add3A_506 : vector<16xf32>
    %mul3A_507 = arith.mulf %div3A, %div3A : vector<16xf32>
    %mul3A_508 = arith.constant 0.111111112 : f32
    %mul3A_509 = vector.broadcast %mul3A_508 : f32 to vector<16xf32>
    %mul3A_510 = arith.mulf %mul3A_507, %mul3A_509 : vector<16xf32>
    %add3A_511 = arith.constant 0.142857149 : f32
    %add3A_512 = vector.broadcast %add3A_511 : f32 to vector<16xf32>
    %add3A_513 = arith.addf %add3A_512, %mul3A_510 : vector<16xf32>
    %mul3A_514 = arith.mulf %mul3A_507, %add3A_513 : vector<16xf32>
    %add3A_515 = arith.constant 2.000000e-01 : f32
    %add3A_516 = vector.broadcast %add3A_515 : f32 to vector<16xf32>
    %add3A_517 = arith.addf %add3A_516, %mul3A_514 : vector<16xf32>
    %mul3A_518 = arith.mulf %mul3A_507, %add3A_517 : vector<16xf32>
    %add3A_519 = arith.constant 0.333333343 : f32
    %add3A_520 = vector.broadcast %add3A_519 : f32 to vector<16xf32>
    %add3A_521 = arith.addf %add3A_520, %mul3A_518 : vector<16xf32>
    %mul3A_522 = arith.mulf %mul3A_507, %add3A_521 : vector<16xf32>
    %add3A_523 = arith.constant 1.000000e+00 : f32
    %add3A_524 = vector.broadcast %add3A_523 : f32 to vector<16xf32>
    %add3A_525 = arith.addf %add3A_524, %mul3A_522 : vector<16xf32>
    %convert_element_type3A_526 = arith.sitofp %select_n3A_500 : vector<16xi32> to vector<16xf32>
    %mul3A_527 = arith.constant 0.693147182 : f32
    %mul3A_528 = vector.broadcast %mul3A_527 : f32 to vector<16xf32>
    %mul3A_529 = arith.mulf %convert_element_type3A_526, %mul3A_528 : vector<16xf32>
    %mul3A_530 = arith.constant 2.000000e+00 : f32
    %mul3A_531 = vector.broadcast %mul3A_530 : f32 to vector<16xf32>
    %mul3A_532 = arith.mulf %mul3A_531, %div3A : vector<16xf32>
    %mul3A_533 = arith.mulf %mul3A_532, %add3A_525 : vector<16xf32>
    %add3A_534 = arith.addf %mul3A_529, %mul3A_533 : vector<16xf32>
    %jit3A_535 = arith.constant 0.000000e+00 : f32
    %broadcast_in_dim3A_536 = vector.broadcast %jit3A_535 : f32 to vector<16xf32>
    %select_n3A_537 = arith.select %lt3A_449, %add3A_534, %broadcast_in_dim3A_536 : vector<16xi1>, vector<16xf32>
    %reduce_sum3A_538 = arith.constant true
    %reduce_sum3A_539 = vector.broadcast %reduce_sum3A_538 : i1 to vector<16xi1>
    %reduce_sum3A_540 = tpu.scan <sum>, %select_n3A_537 masked %reduce_sum3A_539 : vector<16xf32>, vector<16xi1> -> vector<16xf32>
    %reduce_sum3A_541 = vector.extract %reduce_sum3A_540[15] : f32 from vector<16xf32>
    %add3A_542 = arith.constant 0.000000e+00 : f32
    %add3A_543 = arith.addf %add3A_542, %reduce_sum3A_541 : f32
    %iota3A_544 = tpu.iota {dimensions = array<i32: 0>} : vector<16xi32>
    %add3A_545 = arith.constant 16 : i32
    %add3A_546 = vector.broadcast %add3A_545 : i32 to vector<16xi32>
    %add3A_547 = arith.addi %iota3A_544, %add3A_546 : vector<16xi32>
    %lt3A_548 = arith.constant 50 : i32
    %lt3A_549 = vector.broadcast %lt3A_548 : i32 to vector<16xi32>
    %lt3A_550 = arith.cmpi slt, %add3A_547, %lt3A_549 : vector<16xi32>
    %sub3A_551 = arith.constant 1 : i32
    %sub3A_552 = vector.broadcast %sub3A_551 : i32 to vector<16xi32>
    %sub3A_553 = arith.subi %add3A_547, %sub3A_552 : vector<16xi32>
    %max3A_554 = arith.constant 0 : i32
    %max3A_555 = vector.broadcast %max3A_554 : i32 to vector<16xi32>
    %max3A_556 = arith.maxsi %sub3A_553, %max3A_555 : vector<16xi32>
    %gather3A_557 = tpu.vector_load_idx %arg9[%max3A_556] : memref<112xf32, #tpu.memory_space<vmem>>[vector<16xi32>], vector<16xf32>,
    %gt3A_558 = arith.constant 0 : i32
    %gt3A_559 = vector.broadcast %gt3A_558 : i32 to vector<16xi32>
    %gt3A_560 = arith.cmpi sgt, %add3A_547, %gt3A_559 : vector<16xi32>
    %jit3A_561 = arith.constant 0.000000e+00 : f32
    %broadcast_in_dim3A_562 = vector.broadcast %jit3A_561 : f32 to vector<16xf32>
    %select_n3A_563 = arith.select %gt3A_560, %gather3A_557, %broadcast_in_dim3A_562 : vector<16xi1>, vector<16xf32>
    %sub3A_564 = arith.subf %gather3A_439, %select_n3A_563 : vector<16xf32>
    %add3A_565 = arith.constant 48 : i32
    %add3A_566 = vector.broadcast %add3A_565 : i32 to vector<16xi32>
    %add3A_567 = arith.addi %add3A_547, %add3A_566 : vector<16xi32>
    %gather3A_568 = tpu.vector_load_idx %arg10[%add3A_567] : memref<112xf32, #tpu.memory_space<vmem>>[vector<16xi32>], vector<16xf32>,
    %sub3A_569 = arith.subf %gather3A_442, %gather3A_568 : vector<16xf32>
    %convert_element_type3A_570 = arith.sitofp %add3A_547 : vector<16xi32> to vector<16xf32>
    %sub3A_571 = arith.constant 2.000000e+00 : f32
    %sub3A_572 = vector.broadcast %sub3A_571 : f32 to vector<16xf32>
    %sub3A_573 = arith.subf %sub3A_572, %convert_element_type3A_570 : vector<16xf32>
    %max3A_574 = arith.constant 0.000000e+00 : f32
    %max3A_575 = vector.broadcast %max3A_574 : f32 to vector<16xf32>
    %max3A_576 = arith.maximumf %max3A_575, %sub3A_573 : vector<16xf32>
    %mul3A_577 = arith.mulf %sub3A_564, %sub3A_569 : vector<16xf32>
    %sub3A_578 = arith.subf %mul3A_577, %max3A_576 : vector<16xf32>
    %jit3A_579 = arith.constant 1.000000e+00 : f32
    %broadcast_in_dim3A_580 = vector.broadcast %jit3A_579 : f32 to vector<16xf32>
    %select_n3A_581 = arith.select %lt3A_550, %sub3A_578, %broadcast_in_dim3A_580 : vector<16xi1>, vector<16xf32>
    %bitcast3A_582 = vector.bitcast %select_n3A_581 : vector<16xf32> to vector<16xi32>
    %shift_right_arithmetic3A_583 = arith.constant 23 : i32
    %shift_right_arithmetic3A_584 = vector.broadcast %shift_right_arithmetic3A_583 : i32 to vector<16xi32>
    %shift_right_arithmetic3A_585 = arith.shrsi %bitcast3A_582, %shift_right_arithmetic3A_584 : vector<16xi32>
    %sub3A_586 = arith.constant 127 : i32
    %sub3A_587 = vector.broadcast %sub3A_586 : i32 to vector<16xi32>
    %sub3A_588 = arith.subi %shift_right_arithmetic3A_585, %sub3A_587 : vector<16xi32>
    %and3A_589 = arith.constant 8388607 : i32
    %and3A_590 = vector.broadcast %and3A_589 : i32 to vector<16xi32>
    %and3A_591 = arith.andi %bitcast3A_582, %and3A_590 : vector<16xi32>
    %or3A_592 = arith.constant 1065353216 : i32
    %or3A_593 = vector.broadcast %or3A_592 : i32 to vector<16xi32>
    %or3A_594 = arith.ori %and3A_591, %or3A_593 : vector<16xi32>
    %bitcast3A_595 = vector.bitcast %or3A_594 : vector<16xi32> to vector<16xf32>
    %gt3A_596 = arith.constant 1.41421354 : f32
    %gt3A_597 = vector.broadcast %gt3A_596 : f32 to vector<16xf32>
    %gt3A_598 = arith.cmpf ogt, %bitcast3A_595, %gt3A_597 : vector<16xf32>
    %mul3A_599 = arith.constant 5.000000e-01 : f32
    %mul3A_600 = vector.broadcast %mul3A_599 : f32 to vector<16xf32>
    %mul3A_601 = arith.mulf %bitcast3A_595, %mul3A_600 : vector<16xf32>
    %select_n3A_602 = arith.select %gt3A_598, %mul3A_601, %bitcast3A_595 : vector<16xi1>, vector<16xf32>
    %add3A_603 = arith.constant 1 : i32
    %add3A_604 = vector.broadcast %add3A_603 : i32 to vector<16xi32>
    %add3A_605 = arith.addi %sub3A_588, %add3A_604 : vector<16xi32>
    %select_n3A_606 = arith.select %gt3A_598, %add3A_605, %sub3A_588 : vector<16xi1>, vector<16xi32>
    %sub3A_607 = arith.constant 1.000000e+00 : f32
    %sub3A_608 = vector.broadcast %sub3A_607 : f32 to vector<16xf32>
    %sub3A_609 = arith.subf %select_n3A_602, %sub3A_608 : vector<16xf32>
    %add3A_610 = arith.constant 1.000000e+00 : f32
    %add3A_611 = vector.broadcast %add3A_610 : f32 to vector<16xf32>
    %add3A_612 = arith.addf %select_n3A_602, %add3A_611 : vector<16xf32>
    %div3A_613 = arith.divf %sub3A_609, %add3A_612 : vector<16xf32>
    %mul3A_614 = arith.mulf %div3A_613, %div3A_613 : vector<16xf32>
    %mul3A_615 = arith.constant 0.111111112 : f32
    %mul3A_616 = vector.broadcast %mul3A_615 : f32 to vector<16xf32>
    %mul3A_617 = arith.mulf %mul3A_614, %mul3A_616 : vector<16xf32>
    %add3A_618 = arith.constant 0.142857149 : f32
    %add3A_619 = vector.broadcast %add3A_618 : f32 to vector<16xf32>
    %add3A_620 = arith.addf %add3A_619, %mul3A_617 : vector<16xf32>
    %mul3A_621 = arith.mulf %mul3A_614, %add3A_620 : vector<16xf32>
    %add3A_622 = arith.constant 2.000000e-01 : f32
    %add3A_623 = vector.broadcast %add3A_622 : f32 to vector<16xf32>
    %add3A_624 = arith.addf %add3A_623, %mul3A_621 : vector<16xf32>
    %mul3A_625 = arith.mulf %mul3A_614, %add3A_624 : vector<16xf32>
    %add3A_626 = arith.constant 0.333333343 : f32
    %add3A_627 = vector.broadcast %add3A_626 : f32 to vector<16xf32>
    %add3A_628 = arith.addf %add3A_627, %mul3A_625 : vector<16xf32>
    %mul3A_629 = arith.mulf %mul3A_614, %add3A_628 : vector<16xf32>
    %add3A_630 = arith.constant 1.000000e+00 : f32
    %add3A_631 = vector.broadcast %add3A_630 : f32 to vector<16xf32>
    %add3A_632 = arith.addf %add3A_631, %mul3A_629 : vector<16xf32>
    %convert_element_type3A_633 = arith.sitofp %select_n3A_606 : vector<16xi32> to vector<16xf32>
    %mul3A_634 = arith.constant 0.693147182 : f32
    %mul3A_635 = vector.broadcast %mul3A_634 : f32 to vector<16xf32>
    %mul3A_636 = arith.mulf %convert_element_type3A_633, %mul3A_635 : vector<16xf32>
    %mul3A_637 = arith.constant 2.000000e+00 : f32
    %mul3A_638 = vector.broadcast %mul3A_637 : f32 to vector<16xf32>
    %mul3A_639 = arith.mulf %mul3A_638, %div3A_613 : vector<16xf32>
    %mul3A_640 = arith.mulf %mul3A_639, %add3A_632 : vector<16xf32>
    %add3A_641 = arith.addf %mul3A_636, %mul3A_640 : vector<16xf32>
    %jit3A_642 = arith.constant 0.000000e+00 : f32
    %broadcast_in_dim3A_643 = vector.broadcast %jit3A_642 : f32 to vector<16xf32>
    %select_n3A_644 = arith.select %lt3A_550, %add3A_641, %broadcast_in_dim3A_643 : vector<16xi1>, vector<16xf32>
    %reduce_sum3A_645 = arith.constant true
    %reduce_sum3A_646 = vector.broadcast %reduce_sum3A_645 : i1 to vector<16xi1>
    %reduce_sum3A_647 = tpu.scan <sum>, %select_n3A_644 masked %reduce_sum3A_646 : vector<16xf32>, vector<16xi1> -> vector<16xf32>
    %reduce_sum3A_648 = vector.extract %reduce_sum3A_647[15] : f32 from vector<16xf32>
    %add3A_649 = arith.addf %add3A_543, %reduce_sum3A_648 : f32
    %iota3A_650 = tpu.iota {dimensions = array<i32: 0>} : vector<16xi32>
    %add3A_651 = arith.constant 32 : i32
    %add3A_652 = vector.broadcast %add3A_651 : i32 to vector<16xi32>
    %add3A_653 = arith.addi %iota3A_650, %add3A_652 : vector<16xi32>
    %lt3A_654 = arith.constant 50 : i32
    %lt3A_655 = vector.broadcast %lt3A_654 : i32 to vector<16xi32>
    %lt3A_656 = arith.cmpi slt, %add3A_653, %lt3A_655 : vector<16xi32>
    %sub3A_657 = arith.constant 1 : i32
    %sub3A_658 = vector.broadcast %sub3A_657 : i32 to vector<16xi32>
    %sub3A_659 = arith.subi %add3A_653, %sub3A_658 : vector<16xi32>
    %max3A_660 = arith.constant 0 : i32
    %max3A_661 = vector.broadcast %max3A_660 : i32 to vector<16xi32>
    %max3A_662 = arith.maxsi %sub3A_659, %max3A_661 : vector<16xi32>
    %gather3A_663 = tpu.vector_load_idx %arg9[%max3A_662] : memref<112xf32, #tpu.memory_space<vmem>>[vector<16xi32>], vector<16xf32>,
    %gt3A_664 = arith.constant 0 : i32
    %gt3A_665 = vector.broadcast %gt3A_664 : i32 to vector<16xi32>
    %gt3A_666 = arith.cmpi sgt, %add3A_653, %gt3A_665 : vector<16xi32>
    %jit3A_667 = arith.constant 0.000000e+00 : f32
    %broadcast_in_dim3A_668 = vector.broadcast %jit3A_667 : f32 to vector<16xf32>
    %select_n3A_669 = arith.select %gt3A_666, %gather3A_663, %broadcast_in_dim3A_668 : vector<16xi1>, vector<16xf32>
    %sub3A_670 = arith.subf %gather3A_439, %select_n3A_669 : vector<16xf32>
    %add3A_671 = arith.constant 48 : i32
    %add3A_672 = vector.broadcast %add3A_671 : i32 to vector<16xi32>
    %add3A_673 = arith.addi %add3A_653, %add3A_672 : vector<16xi32>
    %gather3A_674 = tpu.vector_load_idx %arg10[%add3A_673] : memref<112xf32, #tpu.memory_space<vmem>>[vector<16xi32>], vector<16xf32>,
    %sub3A_675 = arith.subf %gather3A_442, %gather3A_674 : vector<16xf32>
    %convert_element_type3A_676 = arith.sitofp %add3A_653 : vector<16xi32> to vector<16xf32>
    %sub3A_677 = arith.constant 2.000000e+00 : f32
    %sub3A_678 = vector.broadcast %sub3A_677 : f32 to vector<16xf32>
    %sub3A_679 = arith.subf %sub3A_678, %convert_element_type3A_676 : vector<16xf32>
    %max3A_680 = arith.constant 0.000000e+00 : f32
    %max3A_681 = vector.broadcast %max3A_680 : f32 to vector<16xf32>
    %max3A_682 = arith.maximumf %max3A_681, %sub3A_679 : vector<16xf32>
    %mul3A_683 = arith.mulf %sub3A_670, %sub3A_675 : vector<16xf32>
    %sub3A_684 = arith.subf %mul3A_683, %max3A_682 : vector<16xf32>
    %jit3A_685 = arith.constant 1.000000e+00 : f32
    %broadcast_in_dim3A_686 = vector.broadcast %jit3A_685 : f32 to vector<16xf32>
    %select_n3A_687 = arith.select %lt3A_656, %sub3A_684, %broadcast_in_dim3A_686 : vector<16xi1>, vector<16xf32>
    %bitcast3A_688 = vector.bitcast %select_n3A_687 : vector<16xf32> to vector<16xi32>
    %shift_right_arithmetic3A_689 = arith.constant 23 : i32
    %shift_right_arithmetic3A_690 = vector.broadcast %shift_right_arithmetic3A_689 : i32 to vector<16xi32>
    %shift_right_arithmetic3A_691 = arith.shrsi %bitcast3A_688, %shift_right_arithmetic3A_690 : vector<16xi32>
    %sub3A_692 = arith.constant 127 : i32
    %sub3A_693 = vector.broadcast %sub3A_692 : i32 to vector<16xi32>
    %sub3A_694 = arith.subi %shift_right_arithmetic3A_691, %sub3A_693 : vector<16xi32>
    %and3A_695 = arith.constant 8388607 : i32
    %and3A_696 = vector.broadcast %and3A_695 : i32 to vector<16xi32>
    %and3A_697 = arith.andi %bitcast3A_688, %and3A_696 : vector<16xi32>
    %or3A_698 = arith.constant 1065353216 : i32
    %or3A_699 = vector.broadcast %or3A_698 : i32 to vector<16xi32>
    %or3A_700 = arith.ori %and3A_697, %or3A_699 : vector<16xi32>
    %bitcast3A_701 = vector.bitcast %or3A_700 : vector<16xi32> to vector<16xf32>
    %gt3A_702 = arith.constant 1.41421354 : f32
    %gt3A_703 = vector.broadcast %gt3A_702 : f32 to vector<16xf32>
    %gt3A_704 = arith.cmpf ogt, %bitcast3A_701, %gt3A_703 : vector<16xf32>
    %mul3A_705 = arith.constant 5.000000e-01 : f32
    %mul3A_706 = vector.broadcast %mul3A_705 : f32 to vector<16xf32>
    %mul3A_707 = arith.mulf %bitcast3A_701, %mul3A_706 : vector<16xf32>
    %select_n3A_708 = arith.select %gt3A_704, %mul3A_707, %bitcast3A_701 : vector<16xi1>, vector<16xf32>
    %add3A_709 = arith.constant 1 : i32
    %add3A_710 = vector.broadcast %add3A_709 : i32 to vector<16xi32>
    %add3A_711 = arith.addi %sub3A_694, %add3A_710 : vector<16xi32>
    %select_n3A_712 = arith.select %gt3A_704, %add3A_711, %sub3A_694 : vector<16xi1>, vector<16xi32>
    %sub3A_713 = arith.constant 1.000000e+00 : f32
    %sub3A_714 = vector.broadcast %sub3A_713 : f32 to vector<16xf32>
    %sub3A_715 = arith.subf %select_n3A_708, %sub3A_714 : vector<16xf32>
    %add3A_716 = arith.constant 1.000000e+00 : f32
    %add3A_717 = vector.broadcast %add3A_716 : f32 to vector<16xf32>
    %add3A_718 = arith.addf %select_n3A_708, %add3A_717 : vector<16xf32>
    %div3A_719 = arith.divf %sub3A_715, %add3A_718 : vector<16xf32>
    %mul3A_720 = arith.mulf %div3A_719, %div3A_719 : vector<16xf32>
    %mul3A_721 = arith.constant 0.111111112 : f32
    %mul3A_722 = vector.broadcast %mul3A_721 : f32 to vector<16xf32>
    %mul3A_723 = arith.mulf %mul3A_720, %mul3A_722 : vector<16xf32>
    %add3A_724 = arith.constant 0.142857149 : f32
    %add3A_725 = vector.broadcast %add3A_724 : f32 to vector<16xf32>
    %add3A_726 = arith.addf %add3A_725, %mul3A_723 : vector<16xf32>
    %mul3A_727 = arith.mulf %mul3A_720, %add3A_726 : vector<16xf32>
    %add3A_728 = arith.constant 2.000000e-01 : f32
    %add3A_729 = vector.broadcast %add3A_728 : f32 to vector<16xf32>
    %add3A_730 = arith.addf %add3A_729, %mul3A_727 : vector<16xf32>
    %mul3A_731 = arith.mulf %mul3A_720, %add3A_730 : vector<16xf32>
    %add3A_732 = arith.constant 0.333333343 : f32
    %add3A_733 = vector.broadcast %add3A_732 : f32 to vector<16xf32>
    %add3A_734 = arith.addf %add3A_733, %mul3A_731 : vector<16xf32>
    %mul3A_735 = arith.mulf %mul3A_720, %add3A_734 : vector<16xf32>
    %add3A_736 = arith.constant 1.000000e+00 : f32
    %add3A_737 = vector.broadcast %add3A_736 : f32 to vector<16xf32>
    %add3A_738 = arith.addf %add3A_737, %mul3A_735 : vector<16xf32>
    %convert_element_type3A_739 = arith.sitofp %select_n3A_712 : vector<16xi32> to vector<16xf32>
    %mul3A_740 = arith.constant 0.693147182 : f32
    %mul3A_741 = vector.broadcast %mul3A_740 : f32 to vector<16xf32>
    %mul3A_742 = arith.mulf %convert_element_type3A_739, %mul3A_741 : vector<16xf32>
    %mul3A_743 = arith.constant 2.000000e+00 : f32
    %mul3A_744 = vector.broadcast %mul3A_743 : f32 to vector<16xf32>
    %mul3A_745 = arith.mulf %mul3A_744, %div3A_719 : vector<16xf32>
    %mul3A_746 = arith.mulf %mul3A_745, %add3A_738 : vector<16xf32>
    %add3A_747 = arith.addf %mul3A_742, %mul3A_746 : vector<16xf32>
    %jit3A_748 = arith.constant 0.000000e+00 : f32
    %broadcast_in_dim3A_749 = vector.broadcast %jit3A_748 : f32 to vector<16xf32>
    %select_n3A_750 = arith.select %lt3A_656, %add3A_747, %broadcast_in_dim3A_749 : vector<16xi1>, vector<16xf32>
    %reduce_sum3A_751 = arith.constant true
    %reduce_sum3A_752 = vector.broadcast %reduce_sum3A_751 : i1 to vector<16xi1>
    %reduce_sum3A_753 = tpu.scan <sum>, %select_n3A_750 masked %reduce_sum3A_752 : vector<16xf32>, vector<16xi1> -> vector<16xf32>
    %reduce_sum3A_754 = vector.extract %reduce_sum3A_753[15] : f32 from vector<16xf32>
    %add3A_755 = arith.addf %add3A_649, %reduce_sum3A_754 : f32
    %iota3A_756 = tpu.iota {dimensions = array<i32: 0>} : vector<16xi32>
    %add3A_757 = arith.constant 48 : i32
    %add3A_758 = vector.broadcast %add3A_757 : i32 to vector<16xi32>
    %add3A_759 = arith.addi %iota3A_756, %add3A_758 : vector<16xi32>
    %lt3A_760 = arith.constant 50 : i32
    %lt3A_761 = vector.broadcast %lt3A_760 : i32 to vector<16xi32>
    %lt3A_762 = arith.cmpi slt, %add3A_759, %lt3A_761 : vector<16xi32>
    %sub3A_763 = arith.constant 1 : i32
    %sub3A_764 = vector.broadcast %sub3A_763 : i32 to vector<16xi32>
    %sub3A_765 = arith.subi %add3A_759, %sub3A_764 : vector<16xi32>
    %max3A_766 = arith.constant 0 : i32
    %max3A_767 = vector.broadcast %max3A_766 : i32 to vector<16xi32>
    %max3A_768 = arith.maxsi %sub3A_765, %max3A_767 : vector<16xi32>
    %gather3A_769 = tpu.vector_load_idx %arg9[%max3A_768] : memref<112xf32, #tpu.memory_space<vmem>>[vector<16xi32>], vector<16xf32>,
    %gt3A_770 = arith.constant 0 : i32
    %gt3A_771 = vector.broadcast %gt3A_770 : i32 to vector<16xi32>
    %gt3A_772 = arith.cmpi sgt, %add3A_759, %gt3A_771 : vector<16xi32>
    %jit3A_773 = arith.constant 0.000000e+00 : f32
    %broadcast_in_dim3A_774 = vector.broadcast %jit3A_773 : f32 to vector<16xf32>
    %select_n3A_775 = arith.select %gt3A_772, %gather3A_769, %broadcast_in_dim3A_774 : vector<16xi1>, vector<16xf32>
    %sub3A_776 = arith.subf %gather3A_439, %select_n3A_775 : vector<16xf32>
    %add3A_777 = arith.constant 48 : i32
    %add3A_778 = vector.broadcast %add3A_777 : i32 to vector<16xi32>
    %add3A_779 = arith.addi %add3A_759, %add3A_778 : vector<16xi32>
    %gather3A_780 = tpu.vector_load_idx %arg10[%add3A_779] : memref<112xf32, #tpu.memory_space<vmem>>[vector<16xi32>], vector<16xf32>,
    %sub3A_781 = arith.subf %gather3A_442, %gather3A_780 : vector<16xf32>
    %convert_element_type3A_782 = arith.sitofp %add3A_759 : vector<16xi32> to vector<16xf32>
    %sub3A_783 = arith.constant 2.000000e+00 : f32
    %sub3A_784 = vector.broadcast %sub3A_783 : f32 to vector<16xf32>
    %sub3A_785 = arith.subf %sub3A_784, %convert_element_type3A_782 : vector<16xf32>
    %max3A_786 = arith.constant 0.000000e+00 : f32
    %max3A_787 = vector.broadcast %max3A_786 : f32 to vector<16xf32>
    %max3A_788 = arith.maximumf %max3A_787, %sub3A_785 : vector<16xf32>
    %mul3A_789 = arith.mulf %sub3A_776, %sub3A_781 : vector<16xf32>
    %sub3A_790 = arith.subf %mul3A_789, %max3A_788 : vector<16xf32>
    %jit3A_791 = arith.constant 1.000000e+00 : f32
    %broadcast_in_dim3A_792 = vector.broadcast %jit3A_791 : f32 to vector<16xf32>
    %select_n3A_793 = arith.select %lt3A_762, %sub3A_790, %broadcast_in_dim3A_792 : vector<16xi1>, vector<16xf32>
    %bitcast3A_794 = vector.bitcast %select_n3A_793 : vector<16xf32> to vector<16xi32>
    %shift_right_arithmetic3A_795 = arith.constant 23 : i32
    %shift_right_arithmetic3A_796 = vector.broadcast %shift_right_arithmetic3A_795 : i32 to vector<16xi32>
    %shift_right_arithmetic3A_797 = arith.shrsi %bitcast3A_794, %shift_right_arithmetic3A_796 : vector<16xi32>
    %sub3A_798 = arith.constant 127 : i32
    %sub3A_799 = vector.broadcast %sub3A_798 : i32 to vector<16xi32>
    %sub3A_800 = arith.subi %shift_right_arithmetic3A_797, %sub3A_799 : vector<16xi32>
    %and3A_801 = arith.constant 8388607 : i32
    %and3A_802 = vector.broadcast %and3A_801 : i32 to vector<16xi32>
    %and3A_803 = arith.andi %bitcast3A_794, %and3A_802 : vector<16xi32>
    %or3A_804 = arith.constant 1065353216 : i32
    %or3A_805 = vector.broadcast %or3A_804 : i32 to vector<16xi32>
    %or3A_806 = arith.ori %and3A_803, %or3A_805 : vector<16xi32>
    %bitcast3A_807 = vector.bitcast %or3A_806 : vector<16xi32> to vector<16xf32>
    %gt3A_808 = arith.constant 1.41421354 : f32
    %gt3A_809 = vector.broadcast %gt3A_808 : f32 to vector<16xf32>
    %gt3A_810 = arith.cmpf ogt, %bitcast3A_807, %gt3A_809 : vector<16xf32>
    %mul3A_811 = arith.constant 5.000000e-01 : f32
    %mul3A_812 = vector.broadcast %mul3A_811 : f32 to vector<16xf32>
    %mul3A_813 = arith.mulf %bitcast3A_807, %mul3A_812 : vector<16xf32>
    %select_n3A_814 = arith.select %gt3A_810, %mul3A_813, %bitcast3A_807 : vector<16xi1>, vector<16xf32>
    %add3A_815 = arith.constant 1 : i32
    %add3A_816 = vector.broadcast %add3A_815 : i32 to vector<16xi32>
    %add3A_817 = arith.addi %sub3A_800, %add3A_816 : vector<16xi32>
    %select_n3A_818 = arith.select %gt3A_810, %add3A_817, %sub3A_800 : vector<16xi1>, vector<16xi32>
    %sub3A_819 = arith.constant 1.000000e+00 : f32
    %sub3A_820 = vector.broadcast %sub3A_819 : f32 to vector<16xf32>
    %sub3A_821 = arith.subf %select_n3A_814, %sub3A_820 : vector<16xf32>
    %add3A_822 = arith.constant 1.000000e+00 : f32
    %add3A_823 = vector.broadcast %add3A_822 : f32 to vector<16xf32>
    %add3A_824 = arith.addf %select_n3A_814, %add3A_823 : vector<16xf32>
    %div3A_825 = arith.divf %sub3A_821, %add3A_824 : vector<16xf32>
    %mul3A_826 = arith.mulf %div3A_825, %div3A_825 : vector<16xf32>
    %mul3A_827 = arith.constant 0.111111112 : f32
    %mul3A_828 = vector.broadcast %mul3A_827 : f32 to vector<16xf32>
    %mul3A_829 = arith.mulf %mul3A_826, %mul3A_828 : vector<16xf32>
    %add3A_830 = arith.constant 0.142857149 : f32
    %add3A_831 = vector.broadcast %add3A_830 : f32 to vector<16xf32>
    %add3A_832 = arith.addf %add3A_831, %mul3A_829 : vector<16xf32>
    %mul3A_833 = arith.mulf %mul3A_826, %add3A_832 : vector<16xf32>
    %add3A_834 = arith.constant 2.000000e-01 : f32
    %add3A_835 = vector.broadcast %add3A_834 : f32 to vector<16xf32>
    %add3A_836 = arith.addf %add3A_835, %mul3A_833 : vector<16xf32>
    %mul3A_837 = arith.mulf %mul3A_826, %add3A_836 : vector<16xf32>
    %add3A_838 = arith.constant 0.333333343 : f32
    %add3A_839 = vector.broadcast %add3A_838 : f32 to vector<16xf32>
    %add3A_840 = arith.addf %add3A_839, %mul3A_837 : vector<16xf32>
    %mul3A_841 = arith.mulf %mul3A_826, %add3A_840 : vector<16xf32>
    %add3A_842 = arith.constant 1.000000e+00 : f32
    %add3A_843 = vector.broadcast %add3A_842 : f32 to vector<16xf32>
    %add3A_844 = arith.addf %add3A_843, %mul3A_841 : vector<16xf32>
    %convert_element_type3A_845 = arith.sitofp %select_n3A_818 : vector<16xi32> to vector<16xf32>
    %mul3A_846 = arith.constant 0.693147182 : f32
    %mul3A_847 = vector.broadcast %mul3A_846 : f32 to vector<16xf32>
    %mul3A_848 = arith.mulf %convert_element_type3A_845, %mul3A_847 : vector<16xf32>
    %mul3A_849 = arith.constant 2.000000e+00 : f32
    %mul3A_850 = vector.broadcast %mul3A_849 : f32 to vector<16xf32>
    %mul3A_851 = arith.mulf %mul3A_850, %div3A_825 : vector<16xf32>
    %mul3A_852 = arith.mulf %mul3A_851, %add3A_844 : vector<16xf32>
    %add3A_853 = arith.addf %mul3A_848, %mul3A_852 : vector<16xf32>
    %jit3A_854 = arith.constant 0.000000e+00 : f32
    %broadcast_in_dim3A_855 = vector.broadcast %jit3A_854 : f32 to vector<16xf32>
    %select_n3A_856 = arith.select %lt3A_762, %add3A_853, %broadcast_in_dim3A_855 : vector<16xi1>, vector<16xf32>
    %reduce_sum3A_857 = arith.constant true
    %reduce_sum3A_858 = vector.broadcast %reduce_sum3A_857 : i1 to vector<16xi1>
    %reduce_sum3A_859 = tpu.scan <sum>, %select_n3A_856 masked %reduce_sum3A_858 : vector<16xf32>, vector<16xi1> -> vector<16xf32>
    %reduce_sum3A_860 = vector.extract %reduce_sum3A_859[15] : f32 from vector<16xf32>
    %add3A_861 = arith.addf %add3A_755, %reduce_sum3A_860 : f32
    %lt3A_862 = arith.constant 50 : i32
    %lt3A_863 = vector.broadcast %lt3A_862 : i32 to vector<16xi32>
    %lt3A_864 = arith.cmpi slt, %scan3A_228#0, %lt3A_863 : vector<16xi32>
    %neg3A_865 = arith.constant 0.000000e+00 : f32
    %neg3A_866 = vector.broadcast %neg3A_865 : f32 to vector<16xf32>
    %neg3A_867 = arith.subf %neg3A_866, %get3A_40 : vector<16xf32>
    %select_n3A_868 = arith.select %lt3A_864, %get3A_40, %neg3A_867 : vector<16xi1>, vector<16xf32>
    %reduce_sum3A_869 = arith.constant true
    %reduce_sum3A_870 = vector.broadcast %reduce_sum3A_869 : i1 to vector<16xi1>
    %reduce_sum3A_871 = tpu.scan <sum>, %select_n3A_868 masked %reduce_sum3A_870 : vector<16xf32>, vector<16xi1> -> vector<16xf32>
    %reduce_sum3A_872 = vector.extract %reduce_sum3A_871[15] : f32 from vector<16xf32>
    %add3A_873 = arith.constant 0.000000e+00 : f32
    %add3A_874 = arith.addf %add3A_873, %reduce_sum3A_872 : f32
    %lt3A_875 = arith.constant 50 : i32
    %lt3A_876 = vector.broadcast %lt3A_875 : i32 to vector<16xi32>
    %lt3A_877 = arith.cmpi slt, %scan3A_228#1, %lt3A_876 : vector<16xi32>
    %neg3A_878 = arith.constant 0.000000e+00 : f32
    %neg3A_879 = vector.broadcast %neg3A_878 : f32 to vector<16xf32>
    %neg3A_880 = arith.subf %neg3A_879, %get3A_42 : vector<16xf32>
    %select_n3A_881 = arith.select %lt3A_877, %get3A_42, %neg3A_880 : vector<16xi1>, vector<16xf32>
    %reduce_sum3A_882 = arith.constant true
    %reduce_sum3A_883 = vector.broadcast %reduce_sum3A_882 : i1 to vector<16xi1>
    %reduce_sum3A_884 = tpu.scan <sum>, %select_n3A_881 masked %reduce_sum3A_883 : vector<16xf32>, vector<16xi1> -> vector<16xf32>
    %reduce_sum3A_885 = vector.extract %reduce_sum3A_884[15] : f32 from vector<16xf32>
    %add3A_886 = arith.addf %add3A_874, %reduce_sum3A_885 : f32
    %lt3A_887 = arith.constant 50 : i32
    %lt3A_888 = vector.broadcast %lt3A_887 : i32 to vector<16xi32>
    %lt3A_889 = arith.cmpi slt, %scan3A_228#2, %lt3A_888 : vector<16xi32>
    %neg3A_890 = arith.constant 0.000000e+00 : f32
    %neg3A_891 = vector.broadcast %neg3A_890 : f32 to vector<16xf32>
    %neg3A_892 = arith.subf %neg3A_891, %get3A_44 : vector<16xf32>
    %select_n3A_893 = arith.select %lt3A_889, %get3A_44, %neg3A_892 : vector<16xi1>, vector<16xf32>
    %reduce_sum3A_894 = arith.constant true
    %reduce_sum3A_895 = vector.broadcast %reduce_sum3A_894 : i1 to vector<16xi1>
    %reduce_sum3A_896 = tpu.scan <sum>, %select_n3A_893 masked %reduce_sum3A_895 : vector<16xf32>, vector<16xi1> -> vector<16xf32>
    %reduce_sum3A_897 = vector.extract %reduce_sum3A_896[15] : f32 from vector<16xf32>
    %add3A_898 = arith.addf %add3A_886, %reduce_sum3A_897 : f32
    %lt3A_899 = arith.constant 50 : i32
    %lt3A_900 = vector.broadcast %lt3A_899 : i32 to vector<16xi32>
    %lt3A_901 = arith.cmpi slt, %scan3A_228#3, %lt3A_900 : vector<16xi32>
    %neg3A_902 = arith.constant 0.000000e+00 : f32
    %neg3A_903 = vector.broadcast %neg3A_902 : f32 to vector<16xf32>
    %neg3A_904 = arith.subf %neg3A_903, %get3A_46 : vector<16xf32>
    %select_n3A_905 = arith.select %lt3A_901, %get3A_46, %neg3A_904 : vector<16xi1>, vector<16xf32>
    %reduce_sum3A_906 = arith.constant true
    %reduce_sum3A_907 = vector.broadcast %reduce_sum3A_906 : i1 to vector<16xi1>
    %reduce_sum3A_908 = tpu.scan <sum>, %select_n3A_905 masked %reduce_sum3A_907 : vector<16xf32>, vector<16xi1> -> vector<16xf32>
    %reduce_sum3A_909 = vector.extract %reduce_sum3A_908[15] : f32 from vector<16xf32>
    %add3A_910 = arith.addf %add3A_898, %reduce_sum3A_909 : f32
    %lt3A_911 = arith.constant 50 : i32
    %lt3A_912 = vector.broadcast %lt3A_911 : i32 to vector<16xi32>
    %lt3A_913 = arith.cmpi slt, %scan3A_228#4, %lt3A_912 : vector<16xi32>
    %neg3A_914 = arith.constant 0.000000e+00 : f32
    %neg3A_915 = vector.broadcast %neg3A_914 : f32 to vector<16xf32>
    %neg3A_916 = arith.subf %neg3A_915, %get3A_48 : vector<16xf32>
    %select_n3A_917 = arith.select %lt3A_913, %get3A_48, %neg3A_916 : vector<16xi1>, vector<16xf32>
    %reduce_sum3A_918 = arith.constant true
    %reduce_sum3A_919 = vector.broadcast %reduce_sum3A_918 : i1 to vector<16xi1>
    %reduce_sum3A_920 = tpu.scan <sum>, %select_n3A_917 masked %reduce_sum3A_919 : vector<16xf32>, vector<16xi1> -> vector<16xf32>
    %reduce_sum3A_921 = vector.extract %reduce_sum3A_920[15] : f32 from vector<16xf32>
    %add3A_922 = arith.addf %add3A_910, %reduce_sum3A_921 : f32
    %lt3A_923 = arith.constant 50 : i32
    %lt3A_924 = vector.broadcast %lt3A_923 : i32 to vector<16xi32>
    %lt3A_925 = arith.cmpi slt, %scan3A_228#5, %lt3A_924 : vector<16xi32>
    %neg3A_926 = arith.constant 0.000000e+00 : f32
    %neg3A_927 = vector.broadcast %neg3A_926 : f32 to vector<16xf32>
    %neg3A_928 = arith.subf %neg3A_927, %get3A_50 : vector<16xf32>
    %select_n3A_929 = arith.select %lt3A_925, %get3A_50, %neg3A_928 : vector<16xi1>, vector<16xf32>
    %reduce_sum3A_930 = arith.constant true
    %reduce_sum3A_931 = vector.broadcast %reduce_sum3A_930 : i1 to vector<16xi1>
    %reduce_sum3A_932 = tpu.scan <sum>, %select_n3A_929 masked %reduce_sum3A_931 : vector<16xf32>, vector<16xi1> -> vector<16xf32>
    %reduce_sum3A_933 = vector.extract %reduce_sum3A_932[15] : f32 from vector<16xf32>
    %add3A_934 = arith.addf %add3A_922, %reduce_sum3A_933 : f32
    %lt3A_935 = arith.constant 50 : i32
    %lt3A_936 = vector.broadcast %lt3A_935 : i32 to vector<16xi32>
    %lt3A_937 = arith.cmpi slt, %scan3A_228#6, %lt3A_936 : vector<16xi32>
    %neg3A_938 = arith.constant 0.000000e+00 : f32
    %neg3A_939 = vector.broadcast %neg3A_938 : f32 to vector<16xf32>
    %neg3A_940 = arith.subf %neg3A_939, %select_n3A_76 : vector<16xf32>
    %select_n3A_941 = arith.select %lt3A_937, %select_n3A_76, %neg3A_940 : vector<16xi1>, vector<16xf32>
    %reduce_sum3A_942 = arith.constant true
    %reduce_sum3A_943 = vector.broadcast %reduce_sum3A_942 : i1 to vector<16xi1>
    %reduce_sum3A_944 = tpu.scan <sum>, %select_n3A_941 masked %reduce_sum3A_943 : vector<16xf32>, vector<16xi1> -> vector<16xf32>
    %reduce_sum3A_945 = vector.extract %reduce_sum3A_944[15] : f32 from vector<16xf32>
    %add3A_946 = arith.addf %add3A_934, %reduce_sum3A_945 : f32
    %sub3A_947 = arith.subf %add3A_946, %add3A_861 : f32
    %add3A_948 = arith.constant 0.000000e+00 : f32
    %add3A_949 = arith.addf %add3A_948, %sub3A_947 : f32
    %get3A_950 = arith.constant 100 : index
    %get3A_951 = tpu.vector_load %arg5[%get3A_950] {strides = array<i32>} : memref<200xf32, #tpu.memory_space<vmem>>, vector<16xf32>,
    %get3A_952 = arith.constant 116 : index
    %get3A_953 = tpu.vector_load %arg5[%get3A_952] {strides = array<i32>} : memref<200xf32, #tpu.memory_space<vmem>>, vector<16xf32>,
    %get3A_954 = arith.constant 132 : index
    %get3A_955 = tpu.vector_load %arg5[%get3A_954] {strides = array<i32>} : memref<200xf32, #tpu.memory_space<vmem>>, vector<16xf32>,
    %get3A_956 = arith.constant 148 : index
    %get3A_957 = tpu.vector_load %arg5[%get3A_956] {strides = array<i32>} : memref<200xf32, #tpu.memory_space<vmem>>, vector<16xf32>,
    %get3A_958 = arith.constant 164 : index
    %get3A_959 = tpu.vector_load %arg5[%get3A_958] {strides = array<i32>} : memref<200xf32, #tpu.memory_space<vmem>>, vector<16xf32>,
    %get3A_960 = arith.constant 180 : index
    %get3A_961 = tpu.vector_load %arg5[%get3A_960] {strides = array<i32>} : memref<200xf32, #tpu.memory_space<vmem>>, vector<16xf32>,
    %get3A_962 = arith.constant 184 : index
    %get3A_963 = tpu.vector_load %arg5[%get3A_962] {strides = array<i32>} : memref<200xf32, #tpu.memory_space<vmem>>, vector<16xf32>,
    %iota3A_964 = tpu.iota {dimensions = array<i32: 0>} : vector<16xi32>
    %add3A_965 = arith.constant 12 : i32
    %add3A_966 = vector.broadcast %add3A_965 : i32 to vector<16xi32>
    %add3A_967 = arith.addi %iota3A_964, %add3A_966 : vector<16xi32>
    %min3A_968 = arith.constant 15 : i32
    %min3A_969 = vector.broadcast %min3A_968 : i32 to vector<16xi32>
    %min3A_970 = arith.minsi %add3A_967, %min3A_969 : vector<16xi32>
    %lt3A_971 = arith.constant 0 : i32
    %lt3A_972 = vector.broadcast %lt3A_971 : i32 to vector<16xi32>
    %lt3A_973 = arith.cmpi slt, %min3A_970, %lt3A_972 : vector<16xi32>
    %add3A_974 = arith.constant 16 : i32
    %add3A_975 = vector.broadcast %add3A_974 : i32 to vector<16xi32>
    %add3A_976 = arith.addi %min3A_970, %add3A_975 : vector<16xi32>
    %select_n3A_977 = arith.select %lt3A_973, %add3A_976, %min3A_970 : vector<16xi1>, vector<16xi32>
    %broadcast_in_dim3A_978 = vector.shape_cast %select_n3A_977 : vector<16xi32> to vector<16x1xi32>
    %gather3A_979 = vector.shape_cast %broadcast_in_dim3A_978 : vector<16x1xi32> to vector<16xi32>
    %gather3A_980 = tpu.dynamic_gather %get3A_963[%gather3A_979] in [0] : vector<16xf32>, vector<16xi32> -> vector<16xf32>
    %iota3A_981 = tpu.iota {dimensions = array<i32: 0>} : vector<16xi32>
    %lt3A_982 = arith.constant 4 : i32
    %lt3A_983 = vector.broadcast %lt3A_982 : i32 to vector<16xi32>
    %lt3A_984 = arith.cmpi slt, %iota3A_981, %lt3A_983 : vector<16xi32>
    %jit3A_985 = arith.constant -3.000000e+38 : f32
    %broadcast_in_dim3A_986 = vector.broadcast %jit3A_985 : f32 to vector<16xf32>
    %select_n3A_987 = arith.select %lt3A_984, %gather3A_980, %broadcast_in_dim3A_986 : vector<16xi1>, vector<16xf32>
    %get3A_988 = arith.constant 100 : index
    %get3A_989 = tpu.vector_load %arg6[%get3A_988] {strides = array<i32>} : memref<200xf32, #tpu.memory_space<vmem>>, vector<16xf32>,
    %get3A_990 = arith.constant 116 : index
    %get3A_991 = tpu.vector_load %arg6[%get3A_990] {strides = array<i32>} : memref<200xf32, #tpu.memory_space<vmem>>, vector<16xf32>,
    %get3A_992 = arith.constant 132 : index
    %get3A_993 = tpu.vector_load %arg6[%get3A_992] {strides = array<i32>} : memref<200xf32, #tpu.memory_space<vmem>>, vector<16xf32>,
    %get3A_994 = arith.constant 148 : index
    %get3A_995 = tpu.vector_load %arg6[%get3A_994] {strides = array<i32>} : memref<200xf32, #tpu.memory_space<vmem>>, vector<16xf32>,
    %get3A_996 = arith.constant 164 : index
    %get3A_997 = tpu.vector_load %arg6[%get3A_996] {strides = array<i32>} : memref<200xf32, #tpu.memory_space<vmem>>, vector<16xf32>,
    %get3A_998 = arith.constant 180 : index
    %get3A_999 = tpu.vector_load %arg6[%get3A_998] {strides = array<i32>} : memref<200xf32, #tpu.memory_space<vmem>>, vector<16xf32>,
    %get3A_1000 = arith.constant 184 : index
    %get3A_1001 = tpu.vector_load %arg6[%get3A_1000] {strides = array<i32>} : memref<200xf32, #tpu.memory_space<vmem>>, vector<16xf32>,
    %iota3A_1002 = tpu.iota {dimensions = array<i32: 0>} : vector<16xi32>
    %add3A_1003 = arith.constant 12 : i32
    %add3A_1004 = vector.broadcast %add3A_1003 : i32 to vector<16xi32>
    %add3A_1005 = arith.addi %iota3A_1002, %add3A_1004 : vector<16xi32>
    %min3A_1006 = arith.constant 15 : i32
    %min3A_1007 = vector.broadcast %min3A_1006 : i32 to vector<16xi32>
    %min3A_1008 = arith.minsi %add3A_1005, %min3A_1007 : vector<16xi32>
    %lt3A_1009 = arith.constant 0 : i32
    %lt3A_1010 = vector.broadcast %lt3A_1009 : i32 to vector<16xi32>
    %lt3A_1011 = arith.cmpi slt, %min3A_1008, %lt3A_1010 : vector<16xi32>
    %add3A_1012 = arith.constant 16 : i32
    %add3A_1013 = vector.broadcast %add3A_1012 : i32 to vector<16xi32>
    %add3A_1014 = arith.addi %min3A_1008, %add3A_1013 : vector<16xi32>
    %select_n3A_1015 = arith.select %lt3A_1011, %add3A_1014, %min3A_1008 : vector<16xi1>, vector<16xi32>
    %broadcast_in_dim3A_1016 = vector.shape_cast %select_n3A_1015 : vector<16xi32> to vector<16x1xi32>
    %gather3A_1017 = vector.shape_cast %broadcast_in_dim3A_1016 : vector<16x1xi32> to vector<16xi32>
    %gather3A_1018 = tpu.dynamic_gather %get3A_1001[%gather3A_1017] in [0] : vector<16xf32>, vector<16xi32> -> vector<16xf32>
    %iota3A_1019 = tpu.iota {dimensions = array<i32: 0>} : vector<16xi32>
    %lt3A_1020 = arith.constant 4 : i32
    %lt3A_1021 = vector.broadcast %lt3A_1020 : i32 to vector<16xi32>
    %lt3A_1022 = arith.cmpi slt, %iota3A_1019, %lt3A_1021 : vector<16xi32>
    %jit3A_1023 = arith.constant 0.000000e+00 : f32
    %broadcast_in_dim3A_1024 = vector.broadcast %jit3A_1023 : f32 to vector<16xf32>
    %select_n3A_1025 = arith.select %lt3A_1022, %gather3A_1018, %broadcast_in_dim3A_1024 : vector<16xi1>, vector<16xf32>
    %iota3A_1026 = tpu.iota {dimensions = array<i32: 0>} : vector<16xi32>
    %add3A_1027 = arith.constant 0 : i32
    %add3A_1028 = vector.broadcast %add3A_1027 : i32 to vector<16xi32>
    %add3A_1029 = arith.addi %iota3A_1026, %add3A_1028 : vector<16xi32>
    %iota3A_1030 = tpu.iota {dimensions = array<i32: 0>} : vector<16xi32>
    %add3A_1031 = arith.constant 16 : i32
    %add3A_1032 = vector.broadcast %add3A_1031 : i32 to vector<16xi32>
    %add3A_1033 = arith.addi %iota3A_1030, %add3A_1032 : vector<16xi32>
    %iota3A_1034 = tpu.iota {dimensions = array<i32: 0>} : vector<16xi32>
    %add3A_1035 = arith.constant 32 : i32
    %add3A_1036 = vector.broadcast %add3A_1035 : i32 to vector<16xi32>
    %add3A_1037 = arith.addi %iota3A_1034, %add3A_1036 : vector<16xi32>
    %iota3A_1038 = tpu.iota {dimensions = array<i32: 0>} : vector<16xi32>
    %add3A_1039 = arith.constant 48 : i32
    %add3A_1040 = vector.broadcast %add3A_1039 : i32 to vector<16xi32>
    %add3A_1041 = arith.addi %iota3A_1038, %add3A_1040 : vector<16xi32>
    %iota3A_1042 = tpu.iota {dimensions = array<i32: 0>} : vector<16xi32>
    %add3A_1043 = arith.constant 64 : i32
    %add3A_1044 = vector.broadcast %add3A_1043 : i32 to vector<16xi32>
    %add3A_1045 = arith.addi %iota3A_1042, %add3A_1044 : vector<16xi32>
    %iota3A_1046 = tpu.iota {dimensions = array<i32: 0>} : vector<16xi32>
    %add3A_1047 = arith.constant 80 : i32
    %add3A_1048 = vector.broadcast %add3A_1047 : i32 to vector<16xi32>
    %add3A_1049 = arith.addi %iota3A_1046, %add3A_1048 : vector<16xi32>
    %iota3A_1050 = tpu.iota {dimensions = array<i32: 0>} : vector<16xi32>
    %add3A_1051 = arith.constant 96 : i32
    %add3A_1052 = vector.broadcast %add3A_1051 : i32 to vector<16xi32>
    %add3A_1053 = arith.addi %iota3A_1050, %add3A_1052 : vector<16xi32>
    %bitcast3A_1054 = vector.bitcast %get3A_951 : vector<16xf32> to vector<16xi32>
    %eq3A_1055 = arith.constant -2147483648 : i32
    %eq3A_1056 = vector.broadcast %eq3A_1055 : i32 to vector<16xi32>
    %eq3A_1057 = arith.cmpi eq, %bitcast3A_1054, %eq3A_1056 : vector<16xi32>
    %jit3A_1058 = arith.constant 0 : i32
    %broadcast_in_dim3A_1059 = vector.broadcast %jit3A_1058 : i32 to vector<16xi32>
    %select_n3A_1060 = arith.select %eq3A_1057, %broadcast_in_dim3A_1059, %bitcast3A_1054 : vector<16xi1>, vector<16xi32>
    %shift_right_arithmetic3A_1061 = arith.constant 31 : i32
    %shift_right_arithmetic3A_1062 = vector.broadcast %shift_right_arithmetic3A_1061 : i32 to vector<16xi32>
    %shift_right_arithmetic3A_1063 = arith.shrsi %select_n3A_1060, %shift_right_arithmetic3A_1062 : vector<16xi32>
    %and3A_1064 = arith.constant 2147483647 : i32
    %and3A_1065 = vector.broadcast %and3A_1064 : i32 to vector<16xi32>
    %and3A_1066 = arith.andi %shift_right_arithmetic3A_1063, %and3A_1065 : vector<16xi32>
    %xor3A_1067 = arith.xori %select_n3A_1060, %and3A_1066 : vector<16xi32>
    %swap3A_1068 = arith.constant 0 : index
    %swap3A_1069 = tpu.vector_load %arg7[%swap3A_1068] {strides = array<i32>} : memref<112xi32, #tpu.memory_space<vmem>>, vector<16xi32>,
    tpu.vector_store %arg7[%swap3A_1068], %xor3A_1067 {strides = array<i32>} : memref<112xi32, #tpu.memory_space<vmem>>, vector<16xi32>,
    %bitcast3A_1070 = vector.bitcast %get3A_953 : vector<16xf32> to vector<16xi32>
    %eq3A_1071 = arith.constant -2147483648 : i32
    %eq3A_1072 = vector.broadcast %eq3A_1071 : i32 to vector<16xi32>
    %eq3A_1073 = arith.cmpi eq, %bitcast3A_1070, %eq3A_1072 : vector<16xi32>
    %jit3A_1074 = arith.constant 0 : i32
    %broadcast_in_dim3A_1075 = vector.broadcast %jit3A_1074 : i32 to vector<16xi32>
    %select_n3A_1076 = arith.select %eq3A_1073, %broadcast_in_dim3A_1075, %bitcast3A_1070 : vector<16xi1>, vector<16xi32>
    %shift_right_arithmetic3A_1077 = arith.constant 31 : i32
    %shift_right_arithmetic3A_1078 = vector.broadcast %shift_right_arithmetic3A_1077 : i32 to vector<16xi32>
    %shift_right_arithmetic3A_1079 = arith.shrsi %select_n3A_1076, %shift_right_arithmetic3A_1078 : vector<16xi32>
    %and3A_1080 = arith.constant 2147483647 : i32
    %and3A_1081 = vector.broadcast %and3A_1080 : i32 to vector<16xi32>
    %and3A_1082 = arith.andi %shift_right_arithmetic3A_1079, %and3A_1081 : vector<16xi32>
    %xor3A_1083 = arith.xori %select_n3A_1076, %and3A_1082 : vector<16xi32>
    %swap3A_1084 = arith.constant 16 : index
    %swap3A_1085 = tpu.vector_load %arg7[%swap3A_1084] {strides = array<i32>} : memref<112xi32, #tpu.memory_space<vmem>>, vector<16xi32>,
    tpu.vector_store %arg7[%swap3A_1084], %xor3A_1083 {strides = array<i32>} : memref<112xi32, #tpu.memory_space<vmem>>, vector<16xi32>,
    %bitcast3A_1086 = vector.bitcast %get3A_955 : vector<16xf32> to vector<16xi32>
    %eq3A_1087 = arith.constant -2147483648 : i32
    %eq3A_1088 = vector.broadcast %eq3A_1087 : i32 to vector<16xi32>
    %eq3A_1089 = arith.cmpi eq, %bitcast3A_1086, %eq3A_1088 : vector<16xi32>
    %jit3A_1090 = arith.constant 0 : i32
    %broadcast_in_dim3A_1091 = vector.broadcast %jit3A_1090 : i32 to vector<16xi32>
    %select_n3A_1092 = arith.select %eq3A_1089, %broadcast_in_dim3A_1091, %bitcast3A_1086 : vector<16xi1>, vector<16xi32>
    %shift_right_arithmetic3A_1093 = arith.constant 31 : i32
    %shift_right_arithmetic3A_1094 = vector.broadcast %shift_right_arithmetic3A_1093 : i32 to vector<16xi32>
    %shift_right_arithmetic3A_1095 = arith.shrsi %select_n3A_1092, %shift_right_arithmetic3A_1094 : vector<16xi32>
    %and3A_1096 = arith.constant 2147483647 : i32
    %and3A_1097 = vector.broadcast %and3A_1096 : i32 to vector<16xi32>
    %and3A_1098 = arith.andi %shift_right_arithmetic3A_1095, %and3A_1097 : vector<16xi32>
    %xor3A_1099 = arith.xori %select_n3A_1092, %and3A_1098 : vector<16xi32>
    %swap3A_1100 = arith.constant 32 : index
    %swap3A_1101 = tpu.vector_load %arg7[%swap3A_1100] {strides = array<i32>} : memref<112xi32, #tpu.memory_space<vmem>>, vector<16xi32>,
    tpu.vector_store %arg7[%swap3A_1100], %xor3A_1099 {strides = array<i32>} : memref<112xi32, #tpu.memory_space<vmem>>, vector<16xi32>,
    %bitcast3A_1102 = vector.bitcast %get3A_957 : vector<16xf32> to vector<16xi32>
    %eq3A_1103 = arith.constant -2147483648 : i32
    %eq3A_1104 = vector.broadcast %eq3A_1103 : i32 to vector<16xi32>
    %eq3A_1105 = arith.cmpi eq, %bitcast3A_1102, %eq3A_1104 : vector<16xi32>
    %jit3A_1106 = arith.constant 0 : i32
    %broadcast_in_dim3A_1107 = vector.broadcast %jit3A_1106 : i32 to vector<16xi32>
    %select_n3A_1108 = arith.select %eq3A_1105, %broadcast_in_dim3A_1107, %bitcast3A_1102 : vector<16xi1>, vector<16xi32>
    %shift_right_arithmetic3A_1109 = arith.constant 31 : i32
    %shift_right_arithmetic3A_1110 = vector.broadcast %shift_right_arithmetic3A_1109 : i32 to vector<16xi32>
    %shift_right_arithmetic3A_1111 = arith.shrsi %select_n3A_1108, %shift_right_arithmetic3A_1110 : vector<16xi32>
    %and3A_1112 = arith.constant 2147483647 : i32
    %and3A_1113 = vector.broadcast %and3A_1112 : i32 to vector<16xi32>
    %and3A_1114 = arith.andi %shift_right_arithmetic3A_1111, %and3A_1113 : vector<16xi32>
    %xor3A_1115 = arith.xori %select_n3A_1108, %and3A_1114 : vector<16xi32>
    %swap3A_1116 = arith.constant 48 : index
    %swap3A_1117 = tpu.vector_load %arg7[%swap3A_1116] {strides = array<i32>} : memref<112xi32, #tpu.memory_space<vmem>>, vector<16xi32>,
    tpu.vector_store %arg7[%swap3A_1116], %xor3A_1115 {strides = array<i32>} : memref<112xi32, #tpu.memory_space<vmem>>, vector<16xi32>,
    %bitcast3A_1118 = vector.bitcast %get3A_959 : vector<16xf32> to vector<16xi32>
    %eq3A_1119 = arith.constant -2147483648 : i32
    %eq3A_1120 = vector.broadcast %eq3A_1119 : i32 to vector<16xi32>
    %eq3A_1121 = arith.cmpi eq, %bitcast3A_1118, %eq3A_1120 : vector<16xi32>
    %jit3A_1122 = arith.constant 0 : i32
    %broadcast_in_dim3A_1123 = vector.broadcast %jit3A_1122 : i32 to vector<16xi32>
    %select_n3A_1124 = arith.select %eq3A_1121, %broadcast_in_dim3A_1123, %bitcast3A_1118 : vector<16xi1>, vector<16xi32>
    %shift_right_arithmetic3A_1125 = arith.constant 31 : i32
    %shift_right_arithmetic3A_1126 = vector.broadcast %shift_right_arithmetic3A_1125 : i32 to vector<16xi32>
    %shift_right_arithmetic3A_1127 = arith.shrsi %select_n3A_1124, %shift_right_arithmetic3A_1126 : vector<16xi32>
    %and3A_1128 = arith.constant 2147483647 : i32
    %and3A_1129 = vector.broadcast %and3A_1128 : i32 to vector<16xi32>
    %and3A_1130 = arith.andi %shift_right_arithmetic3A_1127, %and3A_1129 : vector<16xi32>
    %xor3A_1131 = arith.xori %select_n3A_1124, %and3A_1130 : vector<16xi32>
    %swap3A_1132 = arith.constant 64 : index
    %swap3A_1133 = tpu.vector_load %arg7[%swap3A_1132] {strides = array<i32>} : memref<112xi32, #tpu.memory_space<vmem>>, vector<16xi32>,
    tpu.vector_store %arg7[%swap3A_1132], %xor3A_1131 {strides = array<i32>} : memref<112xi32, #tpu.memory_space<vmem>>, vector<16xi32>,
    %bitcast3A_1134 = vector.bitcast %get3A_961 : vector<16xf32> to vector<16xi32>
    %eq3A_1135 = arith.constant -2147483648 : i32
    %eq3A_1136 = vector.broadcast %eq3A_1135 : i32 to vector<16xi32>
    %eq3A_1137 = arith.cmpi eq, %bitcast3A_1134, %eq3A_1136 : vector<16xi32>
    %jit3A_1138 = arith.constant 0 : i32
    %broadcast_in_dim3A_1139 = vector.broadcast %jit3A_1138 : i32 to vector<16xi32>
    %select_n3A_1140 = arith.select %eq3A_1137, %broadcast_in_dim3A_1139, %bitcast3A_1134 : vector<16xi1>, vector<16xi32>
    %shift_right_arithmetic3A_1141 = arith.constant 31 : i32
    %shift_right_arithmetic3A_1142 = vector.broadcast %shift_right_arithmetic3A_1141 : i32 to vector<16xi32>
    %shift_right_arithmetic3A_1143 = arith.shrsi %select_n3A_1140, %shift_right_arithmetic3A_1142 : vector<16xi32>
    %and3A_1144 = arith.constant 2147483647 : i32
    %and3A_1145 = vector.broadcast %and3A_1144 : i32 to vector<16xi32>
    %and3A_1146 = arith.andi %shift_right_arithmetic3A_1143, %and3A_1145 : vector<16xi32>
    %xor3A_1147 = arith.xori %select_n3A_1140, %and3A_1146 : vector<16xi32>
    %swap3A_1148 = arith.constant 80 : index
    %swap3A_1149 = tpu.vector_load %arg7[%swap3A_1148] {strides = array<i32>} : memref<112xi32, #tpu.memory_space<vmem>>, vector<16xi32>,
    tpu.vector_store %arg7[%swap3A_1148], %xor3A_1147 {strides = array<i32>} : memref<112xi32, #tpu.memory_space<vmem>>, vector<16xi32>,
    %bitcast3A_1150 = vector.bitcast %select_n3A_987 : vector<16xf32> to vector<16xi32>
    %eq3A_1151 = arith.constant -2147483648 : i32
    %eq3A_1152 = vector.broadcast %eq3A_1151 : i32 to vector<16xi32>
    %eq3A_1153 = arith.cmpi eq, %bitcast3A_1150, %eq3A_1152 : vector<16xi32>
    %jit3A_1154 = arith.constant 0 : i32
    %broadcast_in_dim3A_1155 = vector.broadcast %jit3A_1154 : i32 to vector<16xi32>
    %select_n3A_1156 = arith.select %eq3A_1153, %broadcast_in_dim3A_1155, %bitcast3A_1150 : vector<16xi1>, vector<16xi32>
    %shift_right_arithmetic3A_1157 = arith.constant 31 : i32
    %shift_right_arithmetic3A_1158 = vector.broadcast %shift_right_arithmetic3A_1157 : i32 to vector<16xi32>
    %shift_right_arithmetic3A_1159 = arith.shrsi %select_n3A_1156, %shift_right_arithmetic3A_1158 : vector<16xi32>
    %and3A_1160 = arith.constant 2147483647 : i32
    %and3A_1161 = vector.broadcast %and3A_1160 : i32 to vector<16xi32>
    %and3A_1162 = arith.andi %shift_right_arithmetic3A_1159, %and3A_1161 : vector<16xi32>
    %xor3A_1163 = arith.xori %select_n3A_1156, %and3A_1162 : vector<16xi32>
    %swap3A_1164 = arith.constant 96 : index
    %swap3A_1165 = tpu.vector_load %arg7[%swap3A_1164] {strides = array<i32>} : memref<112xi32, #tpu.memory_space<vmem>>, vector<16xi32>,
    tpu.vector_store %arg7[%swap3A_1164], %xor3A_1163 {strides = array<i32>} : memref<112xi32, #tpu.memory_space<vmem>>, vector<16xi32>,
    %broadcast_in_dim3A_1166 = arith.constant 0 : i32
    %broadcast_in_dim3A_1167 = vector.broadcast %broadcast_in_dim3A_1166 : i32 to vector<16xi32>
    %broadcast_in_dim3A_1168 = arith.constant 0 : i32
    %broadcast_in_dim3A_1169 = vector.broadcast %broadcast_in_dim3A_1168 : i32 to vector<16xi32>
    %broadcast_in_dim3A_1170 = arith.constant 0 : i32
    %broadcast_in_dim3A_1171 = vector.broadcast %broadcast_in_dim3A_1170 : i32 to vector<16xi32>
    %broadcast_in_dim3A_1172 = arith.constant 0 : i32
    %broadcast_in_dim3A_1173 = vector.broadcast %broadcast_in_dim3A_1172 : i32 to vector<16xi32>
    %broadcast_in_dim3A_1174 = arith.constant 0 : i32
    %broadcast_in_dim3A_1175 = vector.broadcast %broadcast_in_dim3A_1174 : i32 to vector<16xi32>
    %broadcast_in_dim3A_1176 = arith.constant 0 : i32
    %broadcast_in_dim3A_1177 = vector.broadcast %broadcast_in_dim3A_1176 : i32 to vector<16xi32>
    %broadcast_in_dim3A_1178 = arith.constant 0 : i32
    %broadcast_in_dim3A_1179 = vector.broadcast %broadcast_in_dim3A_1178 : i32 to vector<16xi32>
    %scan3A_1180 = arith.constant 0 : i32
    %scan3A_1181 = arith.constant 50 : i32
    %scan3A_1182 = arith.addi %scan3A_1180, %scan3A_1181 : i32
    %scan3A_1183 = arith.constant 1 : i32
    %scan3A_1184:7 = scf.for %scan3A_1927 = %scan3A_1180 to %scan3A_1182 step %scan3A_1183 iter_args(%scan3A_1928 = %broadcast_in_dim3A_1167, %scan3A_1929 = %broadcast_in_dim3A_1169, %scan3A_1930 = %broadcast_in_dim3A_1171, %scan3A_1931 = %broadcast_in_dim3A_1173, %scan3A_1932 = %broadcast_in_dim3A_1175, %scan3A_1933 = %broadcast_in_dim3A_1177, %scan3A_1934 = %broadcast_in_dim3A_1179) -> (vector<16xi32>, vector<16xi32>, vector<16xi32>, vector<16xi32>, vector<16xi32>, vector<16xi32>, vector<16xi32>)  : i32 {
      %mul3A_1935 = arith.constant 2 : i32
      %mul3A_1936 = arith.muli %mul3A_1935, %scan3A_1927 : i32
      %add3A_1937 = arith.constant 1 : i32
      %add3A_1938 = arith.addi %mul3A_1936, %add3A_1937 : i32
      %broadcast_in_dim3A_1939 = vector.broadcast %mul3A_1936 : i32 to vector<16xi32>
      %gather3A_1940 = tpu.vector_load_idx %arg7[%broadcast_in_dim3A_1939] : memref<112xi32, #tpu.memory_space<vmem>>[vector<16xi32>], vector<16xi32>,
      %broadcast_in_dim3A_1941 = vector.broadcast %add3A_1938 : i32 to vector<16xi32>
      %gather3A_1942 = tpu.vector_load_idx %arg7[%broadcast_in_dim3A_1941] : memref<112xi32, #tpu.memory_space<vmem>>[vector<16xi32>], vector<16xi32>,
      %lt3A_1943 = vector.broadcast %mul3A_1936 : i32 to vector<16xi32>
      %lt3A_1944 = arith.cmpi slt, %lt3A_1943, %add3A_1029 : vector<16xi32>
      %jit3A_1945 = arith.constant 1 : i32
      %jit3A_1946 = arith.constant 0 : i32
      %broadcast_in_dim3A_1947 = vector.broadcast %jit3A_1945 : i32 to vector<16xi32>
      %broadcast_in_dim3A_1948 = vector.broadcast %jit3A_1946 : i32 to vector<16xi32>
      %select_n3A_1949 = arith.select %lt3A_1944, %broadcast_in_dim3A_1947, %broadcast_in_dim3A_1948 : vector<16xi1>, vector<16xi32>
      %sub3A_1950 = arith.subi %xor3A_1067, %select_n3A_1949 : vector<16xi32>
      %lt3A_1951 = vector.broadcast %add3A_1938 : i32 to vector<16xi32>
      %lt3A_1952 = arith.cmpi slt, %lt3A_1951, %add3A_1029 : vector<16xi32>
      %jit3A_1953 = arith.constant 1 : i32
      %jit3A_1954 = arith.constant 0 : i32
      %broadcast_in_dim3A_1955 = vector.broadcast %jit3A_1953 : i32 to vector<16xi32>
      %broadcast_in_dim3A_1956 = vector.broadcast %jit3A_1954 : i32 to vector<16xi32>
      %select_n3A_1957 = arith.select %lt3A_1952, %broadcast_in_dim3A_1955, %broadcast_in_dim3A_1956 : vector<16xi1>, vector<16xi32>
      %sub3A_1958 = arith.subi %xor3A_1067, %select_n3A_1957 : vector<16xi32>
      %gt3A_1959 = arith.cmpi sgt, %gather3A_1940, %sub3A_1950 : vector<16xi32>
      %jit3A_1960 = arith.constant 1 : i32
      %jit3A_1961 = arith.constant 0 : i32
      %broadcast_in_dim3A_1962 = vector.broadcast %jit3A_1960 : i32 to vector<16xi32>
      %broadcast_in_dim3A_1963 = vector.broadcast %jit3A_1961 : i32 to vector<16xi32>
      %select_n3A_1964 = arith.select %gt3A_1959, %broadcast_in_dim3A_1962, %broadcast_in_dim3A_1963 : vector<16xi1>, vector<16xi32>
      %add3A_1965 = arith.addi %scan3A_1928, %select_n3A_1964 : vector<16xi32>
      %gt3A_1966 = arith.cmpi sgt, %gather3A_1942, %sub3A_1958 : vector<16xi32>
      %jit3A_1967 = arith.constant 1 : i32
      %jit3A_1968 = arith.constant 0 : i32
      %broadcast_in_dim3A_1969 = vector.broadcast %jit3A_1967 : i32 to vector<16xi32>
      %broadcast_in_dim3A_1970 = vector.broadcast %jit3A_1968 : i32 to vector<16xi32>
      %select_n3A_1971 = arith.select %gt3A_1966, %broadcast_in_dim3A_1969, %broadcast_in_dim3A_1970 : vector<16xi1>, vector<16xi32>
      %add3A_1972 = arith.addi %add3A_1965, %select_n3A_1971 : vector<16xi32>
      %lt3A_1973 = vector.broadcast %mul3A_1936 : i32 to vector<16xi32>
      %lt3A_1974 = arith.cmpi slt, %lt3A_1973, %add3A_1033 : vector<16xi32>
      %jit3A_1975 = arith.constant 1 : i32
      %jit3A_1976 = arith.constant 0 : i32
      %broadcast_in_dim3A_1977 = vector.broadcast %jit3A_1975 : i32 to vector<16xi32>
      %broadcast_in_dim3A_1978 = vector.broadcast %jit3A_1976 : i32 to vector<16xi32>
      %select_n3A_1979 = arith.select %lt3A_1974, %broadcast_in_dim3A_1977, %broadcast_in_dim3A_1978 : vector<16xi1>, vector<16xi32>
      %sub3A_1980 = arith.subi %xor3A_1083, %select_n3A_1979 : vector<16xi32>
      %lt3A_1981 = vector.broadcast %add3A_1938 : i32 to vector<16xi32>
      %lt3A_1982 = arith.cmpi slt, %lt3A_1981, %add3A_1033 : vector<16xi32>
      %jit3A_1983 = arith.constant 1 : i32
      %jit3A_1984 = arith.constant 0 : i32
      %broadcast_in_dim3A_1985 = vector.broadcast %jit3A_1983 : i32 to vector<16xi32>
      %broadcast_in_dim3A_1986 = vector.broadcast %jit3A_1984 : i32 to vector<16xi32>
      %select_n3A_1987 = arith.select %lt3A_1982, %broadcast_in_dim3A_1985, %broadcast_in_dim3A_1986 : vector<16xi1>, vector<16xi32>
      %sub3A_1988 = arith.subi %xor3A_1083, %select_n3A_1987 : vector<16xi32>
      %gt3A_1989 = arith.cmpi sgt, %gather3A_1940, %sub3A_1980 : vector<16xi32>
      %jit3A_1990 = arith.constant 1 : i32
      %jit3A_1991 = arith.constant 0 : i32
      %broadcast_in_dim3A_1992 = vector.broadcast %jit3A_1990 : i32 to vector<16xi32>
      %broadcast_in_dim3A_1993 = vector.broadcast %jit3A_1991 : i32 to vector<16xi32>
      %select_n3A_1994 = arith.select %gt3A_1989, %broadcast_in_dim3A_1992, %broadcast_in_dim3A_1993 : vector<16xi1>, vector<16xi32>
      %add3A_1995 = arith.addi %scan3A_1929, %select_n3A_1994 : vector<16xi32>
      %gt3A_1996 = arith.cmpi sgt, %gather3A_1942, %sub3A_1988 : vector<16xi32>
      %jit3A_1997 = arith.constant 1 : i32
      %jit3A_1998 = arith.constant 0 : i32
      %broadcast_in_dim3A_1999 = vector.broadcast %jit3A_1997 : i32 to vector<16xi32>
      %broadcast_in_dim3A_2000 = vector.broadcast %jit3A_1998 : i32 to vector<16xi32>
      %select_n3A_2001 = arith.select %gt3A_1996, %broadcast_in_dim3A_1999, %broadcast_in_dim3A_2000 : vector<16xi1>, vector<16xi32>
      %add3A_2002 = arith.addi %add3A_1995, %select_n3A_2001 : vector<16xi32>
      %lt3A_2003 = vector.broadcast %mul3A_1936 : i32 to vector<16xi32>
      %lt3A_2004 = arith.cmpi slt, %lt3A_2003, %add3A_1037 : vector<16xi32>
      %jit3A_2005 = arith.constant 1 : i32
      %jit3A_2006 = arith.constant 0 : i32
      %broadcast_in_dim3A_2007 = vector.broadcast %jit3A_2005 : i32 to vector<16xi32>
      %broadcast_in_dim3A_2008 = vector.broadcast %jit3A_2006 : i32 to vector<16xi32>
      %select_n3A_2009 = arith.select %lt3A_2004, %broadcast_in_dim3A_2007, %broadcast_in_dim3A_2008 : vector<16xi1>, vector<16xi32>
      %sub3A_2010 = arith.subi %xor3A_1099, %select_n3A_2009 : vector<16xi32>
      %lt3A_2011 = vector.broadcast %add3A_1938 : i32 to vector<16xi32>
      %lt3A_2012 = arith.cmpi slt, %lt3A_2011, %add3A_1037 : vector<16xi32>
      %jit3A_2013 = arith.constant 1 : i32
      %jit3A_2014 = arith.constant 0 : i32
      %broadcast_in_dim3A_2015 = vector.broadcast %jit3A_2013 : i32 to vector<16xi32>
      %broadcast_in_dim3A_2016 = vector.broadcast %jit3A_2014 : i32 to vector<16xi32>
      %select_n3A_2017 = arith.select %lt3A_2012, %broadcast_in_dim3A_2015, %broadcast_in_dim3A_2016 : vector<16xi1>, vector<16xi32>
      %sub3A_2018 = arith.subi %xor3A_1099, %select_n3A_2017 : vector<16xi32>
      %gt3A_2019 = arith.cmpi sgt, %gather3A_1940, %sub3A_2010 : vector<16xi32>
      %jit3A_2020 = arith.constant 1 : i32
      %jit3A_2021 = arith.constant 0 : i32
      %broadcast_in_dim3A_2022 = vector.broadcast %jit3A_2020 : i32 to vector<16xi32>
      %broadcast_in_dim3A_2023 = vector.broadcast %jit3A_2021 : i32 to vector<16xi32>
      %select_n3A_2024 = arith.select %gt3A_2019, %broadcast_in_dim3A_2022, %broadcast_in_dim3A_2023 : vector<16xi1>, vector<16xi32>
      %add3A_2025 = arith.addi %scan3A_1930, %select_n3A_2024 : vector<16xi32>
      %gt3A_2026 = arith.cmpi sgt, %gather3A_1942, %sub3A_2018 : vector<16xi32>
      %jit3A_2027 = arith.constant 1 : i32
      %jit3A_2028 = arith.constant 0 : i32
      %broadcast_in_dim3A_2029 = vector.broadcast %jit3A_2027 : i32 to vector<16xi32>
      %broadcast_in_dim3A_2030 = vector.broadcast %jit3A_2028 : i32 to vector<16xi32>
      %select_n3A_2031 = arith.select %gt3A_2026, %broadcast_in_dim3A_2029, %broadcast_in_dim3A_2030 : vector<16xi1>, vector<16xi32>
      %add3A_2032 = arith.addi %add3A_2025, %select_n3A_2031 : vector<16xi32>
      %lt3A_2033 = vector.broadcast %mul3A_1936 : i32 to vector<16xi32>
      %lt3A_2034 = arith.cmpi slt, %lt3A_2033, %add3A_1041 : vector<16xi32>
      %jit3A_2035 = arith.constant 1 : i32
      %jit3A_2036 = arith.constant 0 : i32
      %broadcast_in_dim3A_2037 = vector.broadcast %jit3A_2035 : i32 to vector<16xi32>
      %broadcast_in_dim3A_2038 = vector.broadcast %jit3A_2036 : i32 to vector<16xi32>
      %select_n3A_2039 = arith.select %lt3A_2034, %broadcast_in_dim3A_2037, %broadcast_in_dim3A_2038 : vector<16xi1>, vector<16xi32>
      %sub3A_2040 = arith.subi %xor3A_1115, %select_n3A_2039 : vector<16xi32>
      %lt3A_2041 = vector.broadcast %add3A_1938 : i32 to vector<16xi32>
      %lt3A_2042 = arith.cmpi slt, %lt3A_2041, %add3A_1041 : vector<16xi32>
      %jit3A_2043 = arith.constant 1 : i32
      %jit3A_2044 = arith.constant 0 : i32
      %broadcast_in_dim3A_2045 = vector.broadcast %jit3A_2043 : i32 to vector<16xi32>
      %broadcast_in_dim3A_2046 = vector.broadcast %jit3A_2044 : i32 to vector<16xi32>
      %select_n3A_2047 = arith.select %lt3A_2042, %broadcast_in_dim3A_2045, %broadcast_in_dim3A_2046 : vector<16xi1>, vector<16xi32>
      %sub3A_2048 = arith.subi %xor3A_1115, %select_n3A_2047 : vector<16xi32>
      %gt3A_2049 = arith.cmpi sgt, %gather3A_1940, %sub3A_2040 : vector<16xi32>
      %jit3A_2050 = arith.constant 1 : i32
      %jit3A_2051 = arith.constant 0 : i32
      %broadcast_in_dim3A_2052 = vector.broadcast %jit3A_2050 : i32 to vector<16xi32>
      %broadcast_in_dim3A_2053 = vector.broadcast %jit3A_2051 : i32 to vector<16xi32>
      %select_n3A_2054 = arith.select %gt3A_2049, %broadcast_in_dim3A_2052, %broadcast_in_dim3A_2053 : vector<16xi1>, vector<16xi32>
      %add3A_2055 = arith.addi %scan3A_1931, %select_n3A_2054 : vector<16xi32>
      %gt3A_2056 = arith.cmpi sgt, %gather3A_1942, %sub3A_2048 : vector<16xi32>
      %jit3A_2057 = arith.constant 1 : i32
      %jit3A_2058 = arith.constant 0 : i32
      %broadcast_in_dim3A_2059 = vector.broadcast %jit3A_2057 : i32 to vector<16xi32>
      %broadcast_in_dim3A_2060 = vector.broadcast %jit3A_2058 : i32 to vector<16xi32>
      %select_n3A_2061 = arith.select %gt3A_2056, %broadcast_in_dim3A_2059, %broadcast_in_dim3A_2060 : vector<16xi1>, vector<16xi32>
      %add3A_2062 = arith.addi %add3A_2055, %select_n3A_2061 : vector<16xi32>
      %lt3A_2063 = vector.broadcast %mul3A_1936 : i32 to vector<16xi32>
      %lt3A_2064 = arith.cmpi slt, %lt3A_2063, %add3A_1045 : vector<16xi32>
      %jit3A_2065 = arith.constant 1 : i32
      %jit3A_2066 = arith.constant 0 : i32
      %broadcast_in_dim3A_2067 = vector.broadcast %jit3A_2065 : i32 to vector<16xi32>
      %broadcast_in_dim3A_2068 = vector.broadcast %jit3A_2066 : i32 to vector<16xi32>
      %select_n3A_2069 = arith.select %lt3A_2064, %broadcast_in_dim3A_2067, %broadcast_in_dim3A_2068 : vector<16xi1>, vector<16xi32>
      %sub3A_2070 = arith.subi %xor3A_1131, %select_n3A_2069 : vector<16xi32>
      %lt3A_2071 = vector.broadcast %add3A_1938 : i32 to vector<16xi32>
      %lt3A_2072 = arith.cmpi slt, %lt3A_2071, %add3A_1045 : vector<16xi32>
      %jit3A_2073 = arith.constant 1 : i32
      %jit3A_2074 = arith.constant 0 : i32
      %broadcast_in_dim3A_2075 = vector.broadcast %jit3A_2073 : i32 to vector<16xi32>
      %broadcast_in_dim3A_2076 = vector.broadcast %jit3A_2074 : i32 to vector<16xi32>
      %select_n3A_2077 = arith.select %lt3A_2072, %broadcast_in_dim3A_2075, %broadcast_in_dim3A_2076 : vector<16xi1>, vector<16xi32>
      %sub3A_2078 = arith.subi %xor3A_1131, %select_n3A_2077 : vector<16xi32>
      %gt3A_2079 = arith.cmpi sgt, %gather3A_1940, %sub3A_2070 : vector<16xi32>
      %jit3A_2080 = arith.constant 1 : i32
      %jit3A_2081 = arith.constant 0 : i32
      %broadcast_in_dim3A_2082 = vector.broadcast %jit3A_2080 : i32 to vector<16xi32>
      %broadcast_in_dim3A_2083 = vector.broadcast %jit3A_2081 : i32 to vector<16xi32>
      %select_n3A_2084 = arith.select %gt3A_2079, %broadcast_in_dim3A_2082, %broadcast_in_dim3A_2083 : vector<16xi1>, vector<16xi32>
      %add3A_2085 = arith.addi %scan3A_1932, %select_n3A_2084 : vector<16xi32>
      %gt3A_2086 = arith.cmpi sgt, %gather3A_1942, %sub3A_2078 : vector<16xi32>
      %jit3A_2087 = arith.constant 1 : i32
      %jit3A_2088 = arith.constant 0 : i32
      %broadcast_in_dim3A_2089 = vector.broadcast %jit3A_2087 : i32 to vector<16xi32>
      %broadcast_in_dim3A_2090 = vector.broadcast %jit3A_2088 : i32 to vector<16xi32>
      %select_n3A_2091 = arith.select %gt3A_2086, %broadcast_in_dim3A_2089, %broadcast_in_dim3A_2090 : vector<16xi1>, vector<16xi32>
      %add3A_2092 = arith.addi %add3A_2085, %select_n3A_2091 : vector<16xi32>
      %lt3A_2093 = vector.broadcast %mul3A_1936 : i32 to vector<16xi32>
      %lt3A_2094 = arith.cmpi slt, %lt3A_2093, %add3A_1049 : vector<16xi32>
      %jit3A_2095 = arith.constant 1 : i32
      %jit3A_2096 = arith.constant 0 : i32
      %broadcast_in_dim3A_2097 = vector.broadcast %jit3A_2095 : i32 to vector<16xi32>
      %broadcast_in_dim3A_2098 = vector.broadcast %jit3A_2096 : i32 to vector<16xi32>
      %select_n3A_2099 = arith.select %lt3A_2094, %broadcast_in_dim3A_2097, %broadcast_in_dim3A_2098 : vector<16xi1>, vector<16xi32>
      %sub3A_2100 = arith.subi %xor3A_1147, %select_n3A_2099 : vector<16xi32>
      %lt3A_2101 = vector.broadcast %add3A_1938 : i32 to vector<16xi32>
      %lt3A_2102 = arith.cmpi slt, %lt3A_2101, %add3A_1049 : vector<16xi32>
      %jit3A_2103 = arith.constant 1 : i32
      %jit3A_2104 = arith.constant 0 : i32
      %broadcast_in_dim3A_2105 = vector.broadcast %jit3A_2103 : i32 to vector<16xi32>
      %broadcast_in_dim3A_2106 = vector.broadcast %jit3A_2104 : i32 to vector<16xi32>
      %select_n3A_2107 = arith.select %lt3A_2102, %broadcast_in_dim3A_2105, %broadcast_in_dim3A_2106 : vector<16xi1>, vector<16xi32>
      %sub3A_2108 = arith.subi %xor3A_1147, %select_n3A_2107 : vector<16xi32>
      %gt3A_2109 = arith.cmpi sgt, %gather3A_1940, %sub3A_2100 : vector<16xi32>
      %jit3A_2110 = arith.constant 1 : i32
      %jit3A_2111 = arith.constant 0 : i32
      %broadcast_in_dim3A_2112 = vector.broadcast %jit3A_2110 : i32 to vector<16xi32>
      %broadcast_in_dim3A_2113 = vector.broadcast %jit3A_2111 : i32 to vector<16xi32>
      %select_n3A_2114 = arith.select %gt3A_2109, %broadcast_in_dim3A_2112, %broadcast_in_dim3A_2113 : vector<16xi1>, vector<16xi32>
      %add3A_2115 = arith.addi %scan3A_1933, %select_n3A_2114 : vector<16xi32>
      %gt3A_2116 = arith.cmpi sgt, %gather3A_1942, %sub3A_2108 : vector<16xi32>
      %jit3A_2117 = arith.constant 1 : i32
      %jit3A_2118 = arith.constant 0 : i32
      %broadcast_in_dim3A_2119 = vector.broadcast %jit3A_2117 : i32 to vector<16xi32>
      %broadcast_in_dim3A_2120 = vector.broadcast %jit3A_2118 : i32 to vector<16xi32>
      %select_n3A_2121 = arith.select %gt3A_2116, %broadcast_in_dim3A_2119, %broadcast_in_dim3A_2120 : vector<16xi1>, vector<16xi32>
      %add3A_2122 = arith.addi %add3A_2115, %select_n3A_2121 : vector<16xi32>
      %lt3A_2123 = vector.broadcast %mul3A_1936 : i32 to vector<16xi32>
      %lt3A_2124 = arith.cmpi slt, %lt3A_2123, %add3A_1053 : vector<16xi32>
      %jit3A_2125 = arith.constant 1 : i32
      %jit3A_2126 = arith.constant 0 : i32
      %broadcast_in_dim3A_2127 = vector.broadcast %jit3A_2125 : i32 to vector<16xi32>
      %broadcast_in_dim3A_2128 = vector.broadcast %jit3A_2126 : i32 to vector<16xi32>
      %select_n3A_2129 = arith.select %lt3A_2124, %broadcast_in_dim3A_2127, %broadcast_in_dim3A_2128 : vector<16xi1>, vector<16xi32>
      %sub3A_2130 = arith.subi %xor3A_1163, %select_n3A_2129 : vector<16xi32>
      %lt3A_2131 = vector.broadcast %add3A_1938 : i32 to vector<16xi32>
      %lt3A_2132 = arith.cmpi slt, %lt3A_2131, %add3A_1053 : vector<16xi32>
      %jit3A_2133 = arith.constant 1 : i32
      %jit3A_2134 = arith.constant 0 : i32
      %broadcast_in_dim3A_2135 = vector.broadcast %jit3A_2133 : i32 to vector<16xi32>
      %broadcast_in_dim3A_2136 = vector.broadcast %jit3A_2134 : i32 to vector<16xi32>
      %select_n3A_2137 = arith.select %lt3A_2132, %broadcast_in_dim3A_2135, %broadcast_in_dim3A_2136 : vector<16xi1>, vector<16xi32>
      %sub3A_2138 = arith.subi %xor3A_1163, %select_n3A_2137 : vector<16xi32>
      %gt3A_2139 = arith.cmpi sgt, %gather3A_1940, %sub3A_2130 : vector<16xi32>
      %jit3A_2140 = arith.constant 1 : i32
      %jit3A_2141 = arith.constant 0 : i32
      %broadcast_in_dim3A_2142 = vector.broadcast %jit3A_2140 : i32 to vector<16xi32>
      %broadcast_in_dim3A_2143 = vector.broadcast %jit3A_2141 : i32 to vector<16xi32>
      %select_n3A_2144 = arith.select %gt3A_2139, %broadcast_in_dim3A_2142, %broadcast_in_dim3A_2143 : vector<16xi1>, vector<16xi32>
      %add3A_2145 = arith.addi %scan3A_1934, %select_n3A_2144 : vector<16xi32>
      %gt3A_2146 = arith.cmpi sgt, %gather3A_1942, %sub3A_2138 : vector<16xi32>
      %jit3A_2147 = arith.constant 1 : i32
      %jit3A_2148 = arith.constant 0 : i32
      %broadcast_in_dim3A_2149 = vector.broadcast %jit3A_2147 : i32 to vector<16xi32>
      %broadcast_in_dim3A_2150 = vector.broadcast %jit3A_2148 : i32 to vector<16xi32>
      %select_n3A_2151 = arith.select %gt3A_2146, %broadcast_in_dim3A_2149, %broadcast_in_dim3A_2150 : vector<16xi1>, vector<16xi32>
      %add3A_2152 = arith.addi %add3A_2145, %select_n3A_2151 : vector<16xi32>
      scf.yield %add3A_1972, %add3A_2002, %add3A_2032, %add3A_2062, %add3A_2092, %add3A_2122, %add3A_2152 : vector<16xi32>, vector<16xi32>, vector<16xi32>, vector<16xi32>, vector<16xi32>, vector<16xi32>, vector<16xi32>
    }
    %scan3A_1185 = arith.constant 50 : i32
    tpu.vector_store_idx %arg8[%scan3A_1184#0], %get3A_989 : memref<112xf32, #tpu.memory_space<vmem>>[vector<16xi32>], vector<16xf32>,
    tpu.vector_store_idx %arg8[%scan3A_1184#1], %get3A_991 : memref<112xf32, #tpu.memory_space<vmem>>[vector<16xi32>], vector<16xf32>,
    tpu.vector_store_idx %arg8[%scan3A_1184#2], %get3A_993 : memref<112xf32, #tpu.memory_space<vmem>>[vector<16xi32>], vector<16xf32>,
    tpu.vector_store_idx %arg8[%scan3A_1184#3], %get3A_995 : memref<112xf32, #tpu.memory_space<vmem>>[vector<16xi32>], vector<16xf32>,
    tpu.vector_store_idx %arg8[%scan3A_1184#4], %get3A_997 : memref<112xf32, #tpu.memory_space<vmem>>[vector<16xi32>], vector<16xf32>,
    tpu.vector_store_idx %arg8[%scan3A_1184#5], %get3A_999 : memref<112xf32, #tpu.memory_space<vmem>>[vector<16xi32>], vector<16xf32>,
    tpu.vector_store_idx %arg8[%scan3A_1184#6], %select_n3A_1025 : memref<112xf32, #tpu.memory_space<vmem>>[vector<16xi32>], vector<16xf32>,
    %get3A_1186 = arith.constant 0 : index
    %get3A_1187 = tpu.vector_load %arg8[%get3A_1186] {strides = array<i32>} : memref<112xf32, #tpu.memory_space<vmem>>, vector<16xf32>,
    %exp3A_1188 = math.exp %get3A_1187 : vector<16xf32>
    %neg3A_1189 = arith.constant 0.000000e+00 : f32
    %neg3A_1190 = vector.broadcast %neg3A_1189 : f32 to vector<16xf32>
    %neg3A_1191 = arith.subf %neg3A_1190, %get3A_1187 : vector<16xf32>
    %exp3A_1192 = math.exp %neg3A_1191 : vector<16xf32>
    %broadcast_in_dim3A_1193 = arith.constant true
    %broadcast_in_dim3A_1194 = vector.broadcast %broadcast_in_dim3A_1193 : i1 to vector<16xi1>
    %masked_cumsum3A_1195 = tpu.scan <sum>, %exp3A_1188 masked %broadcast_in_dim3A_1194 : vector<16xf32>, vector<16xi1> -> vector<16xf32>
    %add3A_1196 = arith.constant 0.000000e+00 : f32
    %add3A_1197 = vector.broadcast %add3A_1196 : f32 to vector<16xf32>
    %add3A_1198 = arith.addf %masked_cumsum3A_1195, %add3A_1197 : vector<16xf32>
    %swap3A_1199 = arith.constant 0 : index
    %swap3A_1200 = tpu.vector_load %arg9[%swap3A_1199] {strides = array<i32>} : memref<112xf32, #tpu.memory_space<vmem>>, vector<16xf32>,
    tpu.vector_store %arg9[%swap3A_1199], %add3A_1198 {strides = array<i32>} : memref<112xf32, #tpu.memory_space<vmem>>, vector<16xf32>,
    %broadcast_in_dim3A_1201 = arith.constant true
    %broadcast_in_dim3A_1202 = vector.broadcast %broadcast_in_dim3A_1201 : i1 to vector<16xi1>
    %masked_cumsum3A_1203 = tpu.scan <sum>, %exp3A_1192 masked %broadcast_in_dim3A_1202 : vector<16xf32>, vector<16xi1> -> vector<16xf32>
    %add3A_1204 = arith.constant 0.000000e+00 : f32
    %add3A_1205 = vector.broadcast %add3A_1204 : f32 to vector<16xf32>
    %add3A_1206 = arith.addf %masked_cumsum3A_1203, %add3A_1205 : vector<16xf32>
    %swap3A_1207 = arith.constant 0 : index
    %swap3A_1208 = tpu.vector_load %arg10[%swap3A_1207] {strides = array<i32>} : memref<112xf32, #tpu.memory_space<vmem>>, vector<16xf32>,
    tpu.vector_store %arg10[%swap3A_1207], %add3A_1206 {strides = array<i32>} : memref<112xf32, #tpu.memory_space<vmem>>, vector<16xf32>,
    %reduce_sum3A_1209 = arith.constant true
    %reduce_sum3A_1210 = vector.broadcast %reduce_sum3A_1209 : i1 to vector<16xi1>
    %reduce_sum3A_1211 = tpu.scan <sum>, %exp3A_1188 masked %reduce_sum3A_1210 : vector<16xf32>, vector<16xi1> -> vector<16xf32>
    %reduce_sum3A_1212 = vector.extract %reduce_sum3A_1211[15] : f32 from vector<16xf32>
    %add3A_1213 = arith.constant 0.000000e+00 : f32
    %add3A_1214 = arith.addf %add3A_1213, %reduce_sum3A_1212 : f32
    %reduce_sum3A_1215 = arith.constant true
    %reduce_sum3A_1216 = vector.broadcast %reduce_sum3A_1215 : i1 to vector<16xi1>
    %reduce_sum3A_1217 = tpu.scan <sum>, %exp3A_1192 masked %reduce_sum3A_1216 : vector<16xf32>, vector<16xi1> -> vector<16xf32>
    %reduce_sum3A_1218 = vector.extract %reduce_sum3A_1217[15] : f32 from vector<16xf32>
    %add3A_1219 = arith.constant 0.000000e+00 : f32
    %add3A_1220 = arith.addf %add3A_1219, %reduce_sum3A_1218 : f32
    %get3A_1221 = arith.constant 16 : index
    %get3A_1222 = tpu.vector_load %arg8[%get3A_1221] {strides = array<i32>} : memref<112xf32, #tpu.memory_space<vmem>>, vector<16xf32>,
    %exp3A_1223 = math.exp %get3A_1222 : vector<16xf32>
    %neg3A_1224 = arith.constant 0.000000e+00 : f32
    %neg3A_1225 = vector.broadcast %neg3A_1224 : f32 to vector<16xf32>
    %neg3A_1226 = arith.subf %neg3A_1225, %get3A_1222 : vector<16xf32>
    %exp3A_1227 = math.exp %neg3A_1226 : vector<16xf32>
    %broadcast_in_dim3A_1228 = arith.constant true
    %broadcast_in_dim3A_1229 = vector.broadcast %broadcast_in_dim3A_1228 : i1 to vector<16xi1>
    %masked_cumsum3A_1230 = tpu.scan <sum>, %exp3A_1223 masked %broadcast_in_dim3A_1229 : vector<16xf32>, vector<16xi1> -> vector<16xf32>
    %add3A_1231 = vector.broadcast %add3A_1214 : f32 to vector<16xf32>
    %add3A_1232 = arith.addf %masked_cumsum3A_1230, %add3A_1231 : vector<16xf32>
    %swap3A_1233 = arith.constant 16 : index
    %swap3A_1234 = tpu.vector_load %arg9[%swap3A_1233] {strides = array<i32>} : memref<112xf32, #tpu.memory_space<vmem>>, vector<16xf32>,
    tpu.vector_store %arg9[%swap3A_1233], %add3A_1232 {strides = array<i32>} : memref<112xf32, #tpu.memory_space<vmem>>, vector<16xf32>,
    %broadcast_in_dim3A_1235 = arith.constant true
    %broadcast_in_dim3A_1236 = vector.broadcast %broadcast_in_dim3A_1235 : i1 to vector<16xi1>
    %masked_cumsum3A_1237 = tpu.scan <sum>, %exp3A_1227 masked %broadcast_in_dim3A_1236 : vector<16xf32>, vector<16xi1> -> vector<16xf32>
    %add3A_1238 = vector.broadcast %add3A_1220 : f32 to vector<16xf32>
    %add3A_1239 = arith.addf %masked_cumsum3A_1237, %add3A_1238 : vector<16xf32>
    %swap3A_1240 = arith.constant 16 : index
    %swap3A_1241 = tpu.vector_load %arg10[%swap3A_1240] {strides = array<i32>} : memref<112xf32, #tpu.memory_space<vmem>>, vector<16xf32>,
    tpu.vector_store %arg10[%swap3A_1240], %add3A_1239 {strides = array<i32>} : memref<112xf32, #tpu.memory_space<vmem>>, vector<16xf32>,
    %reduce_sum3A_1242 = arith.constant true
    %reduce_sum3A_1243 = vector.broadcast %reduce_sum3A_1242 : i1 to vector<16xi1>
    %reduce_sum3A_1244 = tpu.scan <sum>, %exp3A_1223 masked %reduce_sum3A_1243 : vector<16xf32>, vector<16xi1> -> vector<16xf32>
    %reduce_sum3A_1245 = vector.extract %reduce_sum3A_1244[15] : f32 from vector<16xf32>
    %add3A_1246 = arith.addf %add3A_1214, %reduce_sum3A_1245 : f32
    %reduce_sum3A_1247 = arith.constant true
    %reduce_sum3A_1248 = vector.broadcast %reduce_sum3A_1247 : i1 to vector<16xi1>
    %reduce_sum3A_1249 = tpu.scan <sum>, %exp3A_1227 masked %reduce_sum3A_1248 : vector<16xf32>, vector<16xi1> -> vector<16xf32>
    %reduce_sum3A_1250 = vector.extract %reduce_sum3A_1249[15] : f32 from vector<16xf32>
    %add3A_1251 = arith.addf %add3A_1220, %reduce_sum3A_1250 : f32
    %get3A_1252 = arith.constant 32 : index
    %get3A_1253 = tpu.vector_load %arg8[%get3A_1252] {strides = array<i32>} : memref<112xf32, #tpu.memory_space<vmem>>, vector<16xf32>,
    %exp3A_1254 = math.exp %get3A_1253 : vector<16xf32>
    %neg3A_1255 = arith.constant 0.000000e+00 : f32
    %neg3A_1256 = vector.broadcast %neg3A_1255 : f32 to vector<16xf32>
    %neg3A_1257 = arith.subf %neg3A_1256, %get3A_1253 : vector<16xf32>
    %exp3A_1258 = math.exp %neg3A_1257 : vector<16xf32>
    %broadcast_in_dim3A_1259 = arith.constant true
    %broadcast_in_dim3A_1260 = vector.broadcast %broadcast_in_dim3A_1259 : i1 to vector<16xi1>
    %masked_cumsum3A_1261 = tpu.scan <sum>, %exp3A_1254 masked %broadcast_in_dim3A_1260 : vector<16xf32>, vector<16xi1> -> vector<16xf32>
    %add3A_1262 = vector.broadcast %add3A_1246 : f32 to vector<16xf32>
    %add3A_1263 = arith.addf %masked_cumsum3A_1261, %add3A_1262 : vector<16xf32>
    %swap3A_1264 = arith.constant 32 : index
    %swap3A_1265 = tpu.vector_load %arg9[%swap3A_1264] {strides = array<i32>} : memref<112xf32, #tpu.memory_space<vmem>>, vector<16xf32>,
    tpu.vector_store %arg9[%swap3A_1264], %add3A_1263 {strides = array<i32>} : memref<112xf32, #tpu.memory_space<vmem>>, vector<16xf32>,
    %broadcast_in_dim3A_1266 = arith.constant true
    %broadcast_in_dim3A_1267 = vector.broadcast %broadcast_in_dim3A_1266 : i1 to vector<16xi1>
    %masked_cumsum3A_1268 = tpu.scan <sum>, %exp3A_1258 masked %broadcast_in_dim3A_1267 : vector<16xf32>, vector<16xi1> -> vector<16xf32>
    %add3A_1269 = vector.broadcast %add3A_1251 : f32 to vector<16xf32>
    %add3A_1270 = arith.addf %masked_cumsum3A_1268, %add3A_1269 : vector<16xf32>
    %swap3A_1271 = arith.constant 32 : index
    %swap3A_1272 = tpu.vector_load %arg10[%swap3A_1271] {strides = array<i32>} : memref<112xf32, #tpu.memory_space<vmem>>, vector<16xf32>,
    tpu.vector_store %arg10[%swap3A_1271], %add3A_1270 {strides = array<i32>} : memref<112xf32, #tpu.memory_space<vmem>>, vector<16xf32>,
    %reduce_sum3A_1273 = arith.constant true
    %reduce_sum3A_1274 = vector.broadcast %reduce_sum3A_1273 : i1 to vector<16xi1>
    %reduce_sum3A_1275 = tpu.scan <sum>, %exp3A_1254 masked %reduce_sum3A_1274 : vector<16xf32>, vector<16xi1> -> vector<16xf32>
    %reduce_sum3A_1276 = vector.extract %reduce_sum3A_1275[15] : f32 from vector<16xf32>
    %add3A_1277 = arith.addf %add3A_1246, %reduce_sum3A_1276 : f32
    %reduce_sum3A_1278 = arith.constant true
    %reduce_sum3A_1279 = vector.broadcast %reduce_sum3A_1278 : i1 to vector<16xi1>
    %reduce_sum3A_1280 = tpu.scan <sum>, %exp3A_1258 masked %reduce_sum3A_1279 : vector<16xf32>, vector<16xi1> -> vector<16xf32>
    %reduce_sum3A_1281 = vector.extract %reduce_sum3A_1280[15] : f32 from vector<16xf32>
    %add3A_1282 = arith.addf %add3A_1251, %reduce_sum3A_1281 : f32
    %get3A_1283 = arith.constant 48 : index
    %get3A_1284 = tpu.vector_load %arg8[%get3A_1283] {strides = array<i32>} : memref<112xf32, #tpu.memory_space<vmem>>, vector<16xf32>,
    %exp3A_1285 = math.exp %get3A_1284 : vector<16xf32>
    %neg3A_1286 = arith.constant 0.000000e+00 : f32
    %neg3A_1287 = vector.broadcast %neg3A_1286 : f32 to vector<16xf32>
    %neg3A_1288 = arith.subf %neg3A_1287, %get3A_1284 : vector<16xf32>
    %exp3A_1289 = math.exp %neg3A_1288 : vector<16xf32>
    %broadcast_in_dim3A_1290 = arith.constant true
    %broadcast_in_dim3A_1291 = vector.broadcast %broadcast_in_dim3A_1290 : i1 to vector<16xi1>
    %masked_cumsum3A_1292 = tpu.scan <sum>, %exp3A_1285 masked %broadcast_in_dim3A_1291 : vector<16xf32>, vector<16xi1> -> vector<16xf32>
    %add3A_1293 = vector.broadcast %add3A_1277 : f32 to vector<16xf32>
    %add3A_1294 = arith.addf %masked_cumsum3A_1292, %add3A_1293 : vector<16xf32>
    %swap3A_1295 = arith.constant 48 : index
    %swap3A_1296 = tpu.vector_load %arg9[%swap3A_1295] {strides = array<i32>} : memref<112xf32, #tpu.memory_space<vmem>>, vector<16xf32>,
    tpu.vector_store %arg9[%swap3A_1295], %add3A_1294 {strides = array<i32>} : memref<112xf32, #tpu.memory_space<vmem>>, vector<16xf32>,
    %broadcast_in_dim3A_1297 = arith.constant true
    %broadcast_in_dim3A_1298 = vector.broadcast %broadcast_in_dim3A_1297 : i1 to vector<16xi1>
    %masked_cumsum3A_1299 = tpu.scan <sum>, %exp3A_1289 masked %broadcast_in_dim3A_1298 : vector<16xf32>, vector<16xi1> -> vector<16xf32>
    %add3A_1300 = vector.broadcast %add3A_1282 : f32 to vector<16xf32>
    %add3A_1301 = arith.addf %masked_cumsum3A_1299, %add3A_1300 : vector<16xf32>
    %swap3A_1302 = arith.constant 48 : index
    %swap3A_1303 = tpu.vector_load %arg10[%swap3A_1302] {strides = array<i32>} : memref<112xf32, #tpu.memory_space<vmem>>, vector<16xf32>,
    tpu.vector_store %arg10[%swap3A_1302], %add3A_1301 {strides = array<i32>} : memref<112xf32, #tpu.memory_space<vmem>>, vector<16xf32>,
    %reduce_sum3A_1304 = arith.constant true
    %reduce_sum3A_1305 = vector.broadcast %reduce_sum3A_1304 : i1 to vector<16xi1>
    %reduce_sum3A_1306 = tpu.scan <sum>, %exp3A_1285 masked %reduce_sum3A_1305 : vector<16xf32>, vector<16xi1> -> vector<16xf32>
    %reduce_sum3A_1307 = vector.extract %reduce_sum3A_1306[15] : f32 from vector<16xf32>
    %add3A_1308 = arith.addf %add3A_1277, %reduce_sum3A_1307 : f32
    %reduce_sum3A_1309 = arith.constant true
    %reduce_sum3A_1310 = vector.broadcast %reduce_sum3A_1309 : i1 to vector<16xi1>
    %reduce_sum3A_1311 = tpu.scan <sum>, %exp3A_1289 masked %reduce_sum3A_1310 : vector<16xf32>, vector<16xi1> -> vector<16xf32>
    %reduce_sum3A_1312 = vector.extract %reduce_sum3A_1311[15] : f32 from vector<16xf32>
    %add3A_1313 = arith.addf %add3A_1282, %reduce_sum3A_1312 : f32
    %get3A_1314 = arith.constant 64 : index
    %get3A_1315 = tpu.vector_load %arg8[%get3A_1314] {strides = array<i32>} : memref<112xf32, #tpu.memory_space<vmem>>, vector<16xf32>,
    %exp3A_1316 = math.exp %get3A_1315 : vector<16xf32>
    %neg3A_1317 = arith.constant 0.000000e+00 : f32
    %neg3A_1318 = vector.broadcast %neg3A_1317 : f32 to vector<16xf32>
    %neg3A_1319 = arith.subf %neg3A_1318, %get3A_1315 : vector<16xf32>
    %exp3A_1320 = math.exp %neg3A_1319 : vector<16xf32>
    %broadcast_in_dim3A_1321 = arith.constant true
    %broadcast_in_dim3A_1322 = vector.broadcast %broadcast_in_dim3A_1321 : i1 to vector<16xi1>
    %masked_cumsum3A_1323 = tpu.scan <sum>, %exp3A_1316 masked %broadcast_in_dim3A_1322 : vector<16xf32>, vector<16xi1> -> vector<16xf32>
    %add3A_1324 = vector.broadcast %add3A_1308 : f32 to vector<16xf32>
    %add3A_1325 = arith.addf %masked_cumsum3A_1323, %add3A_1324 : vector<16xf32>
    %swap3A_1326 = arith.constant 64 : index
    %swap3A_1327 = tpu.vector_load %arg9[%swap3A_1326] {strides = array<i32>} : memref<112xf32, #tpu.memory_space<vmem>>, vector<16xf32>,
    tpu.vector_store %arg9[%swap3A_1326], %add3A_1325 {strides = array<i32>} : memref<112xf32, #tpu.memory_space<vmem>>, vector<16xf32>,
    %broadcast_in_dim3A_1328 = arith.constant true
    %broadcast_in_dim3A_1329 = vector.broadcast %broadcast_in_dim3A_1328 : i1 to vector<16xi1>
    %masked_cumsum3A_1330 = tpu.scan <sum>, %exp3A_1320 masked %broadcast_in_dim3A_1329 : vector<16xf32>, vector<16xi1> -> vector<16xf32>
    %add3A_1331 = vector.broadcast %add3A_1313 : f32 to vector<16xf32>
    %add3A_1332 = arith.addf %masked_cumsum3A_1330, %add3A_1331 : vector<16xf32>
    %swap3A_1333 = arith.constant 64 : index
    %swap3A_1334 = tpu.vector_load %arg10[%swap3A_1333] {strides = array<i32>} : memref<112xf32, #tpu.memory_space<vmem>>, vector<16xf32>,
    tpu.vector_store %arg10[%swap3A_1333], %add3A_1332 {strides = array<i32>} : memref<112xf32, #tpu.memory_space<vmem>>, vector<16xf32>,
    %reduce_sum3A_1335 = arith.constant true
    %reduce_sum3A_1336 = vector.broadcast %reduce_sum3A_1335 : i1 to vector<16xi1>
    %reduce_sum3A_1337 = tpu.scan <sum>, %exp3A_1316 masked %reduce_sum3A_1336 : vector<16xf32>, vector<16xi1> -> vector<16xf32>
    %reduce_sum3A_1338 = vector.extract %reduce_sum3A_1337[15] : f32 from vector<16xf32>
    %add3A_1339 = arith.addf %add3A_1308, %reduce_sum3A_1338 : f32
    %reduce_sum3A_1340 = arith.constant true
    %reduce_sum3A_1341 = vector.broadcast %reduce_sum3A_1340 : i1 to vector<16xi1>
    %reduce_sum3A_1342 = tpu.scan <sum>, %exp3A_1320 masked %reduce_sum3A_1341 : vector<16xf32>, vector<16xi1> -> vector<16xf32>
    %reduce_sum3A_1343 = vector.extract %reduce_sum3A_1342[15] : f32 from vector<16xf32>
    %add3A_1344 = arith.addf %add3A_1313, %reduce_sum3A_1343 : f32
    %get3A_1345 = arith.constant 80 : index
    %get3A_1346 = tpu.vector_load %arg8[%get3A_1345] {strides = array<i32>} : memref<112xf32, #tpu.memory_space<vmem>>, vector<16xf32>,
    %exp3A_1347 = math.exp %get3A_1346 : vector<16xf32>
    %neg3A_1348 = arith.constant 0.000000e+00 : f32
    %neg3A_1349 = vector.broadcast %neg3A_1348 : f32 to vector<16xf32>
    %neg3A_1350 = arith.subf %neg3A_1349, %get3A_1346 : vector<16xf32>
    %exp3A_1351 = math.exp %neg3A_1350 : vector<16xf32>
    %broadcast_in_dim3A_1352 = arith.constant true
    %broadcast_in_dim3A_1353 = vector.broadcast %broadcast_in_dim3A_1352 : i1 to vector<16xi1>
    %masked_cumsum3A_1354 = tpu.scan <sum>, %exp3A_1347 masked %broadcast_in_dim3A_1353 : vector<16xf32>, vector<16xi1> -> vector<16xf32>
    %add3A_1355 = vector.broadcast %add3A_1339 : f32 to vector<16xf32>
    %add3A_1356 = arith.addf %masked_cumsum3A_1354, %add3A_1355 : vector<16xf32>
    %swap3A_1357 = arith.constant 80 : index
    %swap3A_1358 = tpu.vector_load %arg9[%swap3A_1357] {strides = array<i32>} : memref<112xf32, #tpu.memory_space<vmem>>, vector<16xf32>,
    tpu.vector_store %arg9[%swap3A_1357], %add3A_1356 {strides = array<i32>} : memref<112xf32, #tpu.memory_space<vmem>>, vector<16xf32>,
    %broadcast_in_dim3A_1359 = arith.constant true
    %broadcast_in_dim3A_1360 = vector.broadcast %broadcast_in_dim3A_1359 : i1 to vector<16xi1>
    %masked_cumsum3A_1361 = tpu.scan <sum>, %exp3A_1351 masked %broadcast_in_dim3A_1360 : vector<16xf32>, vector<16xi1> -> vector<16xf32>
    %add3A_1362 = vector.broadcast %add3A_1344 : f32 to vector<16xf32>
    %add3A_1363 = arith.addf %masked_cumsum3A_1361, %add3A_1362 : vector<16xf32>
    %swap3A_1364 = arith.constant 80 : index
    %swap3A_1365 = tpu.vector_load %arg10[%swap3A_1364] {strides = array<i32>} : memref<112xf32, #tpu.memory_space<vmem>>, vector<16xf32>,
    tpu.vector_store %arg10[%swap3A_1364], %add3A_1363 {strides = array<i32>} : memref<112xf32, #tpu.memory_space<vmem>>, vector<16xf32>,
    %reduce_sum3A_1366 = arith.constant true
    %reduce_sum3A_1367 = vector.broadcast %reduce_sum3A_1366 : i1 to vector<16xi1>
    %reduce_sum3A_1368 = tpu.scan <sum>, %exp3A_1347 masked %reduce_sum3A_1367 : vector<16xf32>, vector<16xi1> -> vector<16xf32>
    %reduce_sum3A_1369 = vector.extract %reduce_sum3A_1368[15] : f32 from vector<16xf32>
    %add3A_1370 = arith.addf %add3A_1339, %reduce_sum3A_1369 : f32
    %reduce_sum3A_1371 = arith.constant true
    %reduce_sum3A_1372 = vector.broadcast %reduce_sum3A_1371 : i1 to vector<16xi1>
    %reduce_sum3A_1373 = tpu.scan <sum>, %exp3A_1351 masked %reduce_sum3A_1372 : vector<16xf32>, vector<16xi1> -> vector<16xf32>
    %reduce_sum3A_1374 = vector.extract %reduce_sum3A_1373[15] : f32 from vector<16xf32>
    %add3A_1375 = arith.addf %add3A_1344, %reduce_sum3A_1374 : f32
    %get3A_1376 = arith.constant 96 : index
    %get3A_1377 = tpu.vector_load %arg8[%get3A_1376] {strides = array<i32>} : memref<112xf32, #tpu.memory_space<vmem>>, vector<16xf32>,
    %exp3A_1378 = math.exp %get3A_1377 : vector<16xf32>
    %neg3A_1379 = arith.constant 0.000000e+00 : f32
    %neg3A_1380 = vector.broadcast %neg3A_1379 : f32 to vector<16xf32>
    %neg3A_1381 = arith.subf %neg3A_1380, %get3A_1377 : vector<16xf32>
    %exp3A_1382 = math.exp %neg3A_1381 : vector<16xf32>
    %broadcast_in_dim3A_1383 = arith.constant true
    %broadcast_in_dim3A_1384 = vector.broadcast %broadcast_in_dim3A_1383 : i1 to vector<16xi1>
    %masked_cumsum3A_1385 = tpu.scan <sum>, %exp3A_1378 masked %broadcast_in_dim3A_1384 : vector<16xf32>, vector<16xi1> -> vector<16xf32>
    %add3A_1386 = vector.broadcast %add3A_1370 : f32 to vector<16xf32>
    %add3A_1387 = arith.addf %masked_cumsum3A_1385, %add3A_1386 : vector<16xf32>
    %swap3A_1388 = arith.constant 96 : index
    %swap3A_1389 = tpu.vector_load %arg9[%swap3A_1388] {strides = array<i32>} : memref<112xf32, #tpu.memory_space<vmem>>, vector<16xf32>,
    tpu.vector_store %arg9[%swap3A_1388], %add3A_1387 {strides = array<i32>} : memref<112xf32, #tpu.memory_space<vmem>>, vector<16xf32>,
    %broadcast_in_dim3A_1390 = arith.constant true
    %broadcast_in_dim3A_1391 = vector.broadcast %broadcast_in_dim3A_1390 : i1 to vector<16xi1>
    %masked_cumsum3A_1392 = tpu.scan <sum>, %exp3A_1382 masked %broadcast_in_dim3A_1391 : vector<16xf32>, vector<16xi1> -> vector<16xf32>
    %add3A_1393 = vector.broadcast %add3A_1375 : f32 to vector<16xf32>
    %add3A_1394 = arith.addf %masked_cumsum3A_1392, %add3A_1393 : vector<16xf32>
    %swap3A_1395 = arith.constant 96 : index
    %swap3A_1396 = tpu.vector_load %arg10[%swap3A_1395] {strides = array<i32>} : memref<112xf32, #tpu.memory_space<vmem>>, vector<16xf32>,
    tpu.vector_store %arg10[%swap3A_1395], %add3A_1394 {strides = array<i32>} : memref<112xf32, #tpu.memory_space<vmem>>, vector<16xf32>,
    %broadcast_in_dim3A_1397 = arith.constant 50 : i32
    %broadcast_in_dim3A_1398 = vector.broadcast %broadcast_in_dim3A_1397 : i32 to vector<16xi32>
    %gather3A_1399 = tpu.vector_load_idx %arg9[%broadcast_in_dim3A_1398] : memref<112xf32, #tpu.memory_space<vmem>>[vector<16xi32>], vector<16xf32>,
    %broadcast_in_dim3A_1400 = arith.constant 99 : i32
    %broadcast_in_dim3A_1401 = vector.broadcast %broadcast_in_dim3A_1400 : i32 to vector<16xi32>
    %gather3A_1402 = tpu.vector_load_idx %arg10[%broadcast_in_dim3A_1401] : memref<112xf32, #tpu.memory_space<vmem>>[vector<16xi32>], vector<16xf32>,
    %iota3A_1403 = tpu.iota {dimensions = array<i32: 0>} : vector<16xi32>
    %add3A_1404 = arith.constant 0 : i32
    %add3A_1405 = vector.broadcast %add3A_1404 : i32 to vector<16xi32>
    %add3A_1406 = arith.addi %iota3A_1403, %add3A_1405 : vector<16xi32>
    %lt3A_1407 = arith.constant 50 : i32
    %lt3A_1408 = vector.broadcast %lt3A_1407 : i32 to vector<16xi32>
    %lt3A_1409 = arith.cmpi slt, %add3A_1406, %lt3A_1408 : vector<16xi32>
    %sub3A_1410 = arith.constant 1 : i32
    %sub3A_1411 = vector.broadcast %sub3A_1410 : i32 to vector<16xi32>
    %sub3A_1412 = arith.subi %add3A_1406, %sub3A_1411 : vector<16xi32>
    %max3A_1413 = arith.constant 0 : i32
    %max3A_1414 = vector.broadcast %max3A_1413 : i32 to vector<16xi32>
    %max3A_1415 = arith.maxsi %sub3A_1412, %max3A_1414 : vector<16xi32>
    %gather3A_1416 = tpu.vector_load_idx %arg9[%max3A_1415] : memref<112xf32, #tpu.memory_space<vmem>>[vector<16xi32>], vector<16xf32>,
    %gt3A_1417 = arith.constant 0 : i32
    %gt3A_1418 = vector.broadcast %gt3A_1417 : i32 to vector<16xi32>
    %gt3A_1419 = arith.cmpi sgt, %add3A_1406, %gt3A_1418 : vector<16xi32>
    %jit3A_1420 = arith.constant 0.000000e+00 : f32
    %broadcast_in_dim3A_1421 = vector.broadcast %jit3A_1420 : f32 to vector<16xf32>
    %select_n3A_1422 = arith.select %gt3A_1419, %gather3A_1416, %broadcast_in_dim3A_1421 : vector<16xi1>, vector<16xf32>
    %sub3A_1423 = arith.subf %gather3A_1399, %select_n3A_1422 : vector<16xf32>
    %add3A_1424 = arith.constant 48 : i32
    %add3A_1425 = vector.broadcast %add3A_1424 : i32 to vector<16xi32>
    %add3A_1426 = arith.addi %add3A_1406, %add3A_1425 : vector<16xi32>
    %gather3A_1427 = tpu.vector_load_idx %arg10[%add3A_1426] : memref<112xf32, #tpu.memory_space<vmem>>[vector<16xi32>], vector<16xf32>,
    %sub3A_1428 = arith.subf %gather3A_1402, %gather3A_1427 : vector<16xf32>
    %convert_element_type3A_1429 = arith.sitofp %add3A_1406 : vector<16xi32> to vector<16xf32>
    %sub3A_1430 = arith.constant 2.000000e+00 : f32
    %sub3A_1431 = vector.broadcast %sub3A_1430 : f32 to vector<16xf32>
    %sub3A_1432 = arith.subf %sub3A_1431, %convert_element_type3A_1429 : vector<16xf32>
    %max3A_1433 = arith.constant 0.000000e+00 : f32
    %max3A_1434 = vector.broadcast %max3A_1433 : f32 to vector<16xf32>
    %max3A_1435 = arith.maximumf %max3A_1434, %sub3A_1432 : vector<16xf32>
    %mul3A_1436 = arith.mulf %sub3A_1423, %sub3A_1428 : vector<16xf32>
    %sub3A_1437 = arith.subf %mul3A_1436, %max3A_1435 : vector<16xf32>
    %jit3A_1438 = arith.constant 1.000000e+00 : f32
    %broadcast_in_dim3A_1439 = vector.broadcast %jit3A_1438 : f32 to vector<16xf32>
    %select_n3A_1440 = arith.select %lt3A_1409, %sub3A_1437, %broadcast_in_dim3A_1439 : vector<16xi1>, vector<16xf32>
    %bitcast3A_1441 = vector.bitcast %select_n3A_1440 : vector<16xf32> to vector<16xi32>
    %shift_right_arithmetic3A_1442 = arith.constant 23 : i32
    %shift_right_arithmetic3A_1443 = vector.broadcast %shift_right_arithmetic3A_1442 : i32 to vector<16xi32>
    %shift_right_arithmetic3A_1444 = arith.shrsi %bitcast3A_1441, %shift_right_arithmetic3A_1443 : vector<16xi32>
    %sub3A_1445 = arith.constant 127 : i32
    %sub3A_1446 = vector.broadcast %sub3A_1445 : i32 to vector<16xi32>
    %sub3A_1447 = arith.subi %shift_right_arithmetic3A_1444, %sub3A_1446 : vector<16xi32>
    %and3A_1448 = arith.constant 8388607 : i32
    %and3A_1449 = vector.broadcast %and3A_1448 : i32 to vector<16xi32>
    %and3A_1450 = arith.andi %bitcast3A_1441, %and3A_1449 : vector<16xi32>
    %or3A_1451 = arith.constant 1065353216 : i32
    %or3A_1452 = vector.broadcast %or3A_1451 : i32 to vector<16xi32>
    %or3A_1453 = arith.ori %and3A_1450, %or3A_1452 : vector<16xi32>
    %bitcast3A_1454 = vector.bitcast %or3A_1453 : vector<16xi32> to vector<16xf32>
    %gt3A_1455 = arith.constant 1.41421354 : f32
    %gt3A_1456 = vector.broadcast %gt3A_1455 : f32 to vector<16xf32>
    %gt3A_1457 = arith.cmpf ogt, %bitcast3A_1454, %gt3A_1456 : vector<16xf32>
    %mul3A_1458 = arith.constant 5.000000e-01 : f32
    %mul3A_1459 = vector.broadcast %mul3A_1458 : f32 to vector<16xf32>
    %mul3A_1460 = arith.mulf %bitcast3A_1454, %mul3A_1459 : vector<16xf32>
    %select_n3A_1461 = arith.select %gt3A_1457, %mul3A_1460, %bitcast3A_1454 : vector<16xi1>, vector<16xf32>
    %add3A_1462 = arith.constant 1 : i32
    %add3A_1463 = vector.broadcast %add3A_1462 : i32 to vector<16xi32>
    %add3A_1464 = arith.addi %sub3A_1447, %add3A_1463 : vector<16xi32>
    %select_n3A_1465 = arith.select %gt3A_1457, %add3A_1464, %sub3A_1447 : vector<16xi1>, vector<16xi32>
    %sub3A_1466 = arith.constant 1.000000e+00 : f32
    %sub3A_1467 = vector.broadcast %sub3A_1466 : f32 to vector<16xf32>
    %sub3A_1468 = arith.subf %select_n3A_1461, %sub3A_1467 : vector<16xf32>
    %add3A_1469 = arith.constant 1.000000e+00 : f32
    %add3A_1470 = vector.broadcast %add3A_1469 : f32 to vector<16xf32>
    %add3A_1471 = arith.addf %select_n3A_1461, %add3A_1470 : vector<16xf32>
    %div3A_1472 = arith.divf %sub3A_1468, %add3A_1471 : vector<16xf32>
    %mul3A_1473 = arith.mulf %div3A_1472, %div3A_1472 : vector<16xf32>
    %mul3A_1474 = arith.constant 0.111111112 : f32
    %mul3A_1475 = vector.broadcast %mul3A_1474 : f32 to vector<16xf32>
    %mul3A_1476 = arith.mulf %mul3A_1473, %mul3A_1475 : vector<16xf32>
    %add3A_1477 = arith.constant 0.142857149 : f32
    %add3A_1478 = vector.broadcast %add3A_1477 : f32 to vector<16xf32>
    %add3A_1479 = arith.addf %add3A_1478, %mul3A_1476 : vector<16xf32>
    %mul3A_1480 = arith.mulf %mul3A_1473, %add3A_1479 : vector<16xf32>
    %add3A_1481 = arith.constant 2.000000e-01 : f32
    %add3A_1482 = vector.broadcast %add3A_1481 : f32 to vector<16xf32>
    %add3A_1483 = arith.addf %add3A_1482, %mul3A_1480 : vector<16xf32>
    %mul3A_1484 = arith.mulf %mul3A_1473, %add3A_1483 : vector<16xf32>
    %add3A_1485 = arith.constant 0.333333343 : f32
    %add3A_1486 = vector.broadcast %add3A_1485 : f32 to vector<16xf32>
    %add3A_1487 = arith.addf %add3A_1486, %mul3A_1484 : vector<16xf32>
    %mul3A_1488 = arith.mulf %mul3A_1473, %add3A_1487 : vector<16xf32>
    %add3A_1489 = arith.constant 1.000000e+00 : f32
    %add3A_1490 = vector.broadcast %add3A_1489 : f32 to vector<16xf32>
    %add3A_1491 = arith.addf %add3A_1490, %mul3A_1488 : vector<16xf32>
    %convert_element_type3A_1492 = arith.sitofp %select_n3A_1465 : vector<16xi32> to vector<16xf32>
    %mul3A_1493 = arith.constant 0.693147182 : f32
    %mul3A_1494 = vector.broadcast %mul3A_1493 : f32 to vector<16xf32>
    %mul3A_1495 = arith.mulf %convert_element_type3A_1492, %mul3A_1494 : vector<16xf32>
    %mul3A_1496 = arith.constant 2.000000e+00 : f32
    %mul3A_1497 = vector.broadcast %mul3A_1496 : f32 to vector<16xf32>
    %mul3A_1498 = arith.mulf %mul3A_1497, %div3A_1472 : vector<16xf32>
    %mul3A_1499 = arith.mulf %mul3A_1498, %add3A_1491 : vector<16xf32>
    %add3A_1500 = arith.addf %mul3A_1495, %mul3A_1499 : vector<16xf32>
    %jit3A_1501 = arith.constant 0.000000e+00 : f32
    %broadcast_in_dim3A_1502 = vector.broadcast %jit3A_1501 : f32 to vector<16xf32>
    %select_n3A_1503 = arith.select %lt3A_1409, %add3A_1500, %broadcast_in_dim3A_1502 : vector<16xi1>, vector<16xf32>
    %reduce_sum3A_1504 = arith.constant true
    %reduce_sum3A_1505 = vector.broadcast %reduce_sum3A_1504 : i1 to vector<16xi1>
    %reduce_sum3A_1506 = tpu.scan <sum>, %select_n3A_1503 masked %reduce_sum3A_1505 : vector<16xf32>, vector<16xi1> -> vector<16xf32>
    %reduce_sum3A_1507 = vector.extract %reduce_sum3A_1506[15] : f32 from vector<16xf32>
    %add3A_1508 = arith.constant 0.000000e+00 : f32
    %add3A_1509 = arith.addf %add3A_1508, %reduce_sum3A_1507 : f32
    %iota3A_1510 = tpu.iota {dimensions = array<i32: 0>} : vector<16xi32>
    %add3A_1511 = arith.constant 16 : i32
    %add3A_1512 = vector.broadcast %add3A_1511 : i32 to vector<16xi32>
    %add3A_1513 = arith.addi %iota3A_1510, %add3A_1512 : vector<16xi32>
    %lt3A_1514 = arith.constant 50 : i32
    %lt3A_1515 = vector.broadcast %lt3A_1514 : i32 to vector<16xi32>
    %lt3A_1516 = arith.cmpi slt, %add3A_1513, %lt3A_1515 : vector<16xi32>
    %sub3A_1517 = arith.constant 1 : i32
    %sub3A_1518 = vector.broadcast %sub3A_1517 : i32 to vector<16xi32>
    %sub3A_1519 = arith.subi %add3A_1513, %sub3A_1518 : vector<16xi32>
    %max3A_1520 = arith.constant 0 : i32
    %max3A_1521 = vector.broadcast %max3A_1520 : i32 to vector<16xi32>
    %max3A_1522 = arith.maxsi %sub3A_1519, %max3A_1521 : vector<16xi32>
    %gather3A_1523 = tpu.vector_load_idx %arg9[%max3A_1522] : memref<112xf32, #tpu.memory_space<vmem>>[vector<16xi32>], vector<16xf32>,
    %gt3A_1524 = arith.constant 0 : i32
    %gt3A_1525 = vector.broadcast %gt3A_1524 : i32 to vector<16xi32>
    %gt3A_1526 = arith.cmpi sgt, %add3A_1513, %gt3A_1525 : vector<16xi32>
    %jit3A_1527 = arith.constant 0.000000e+00 : f32
    %broadcast_in_dim3A_1528 = vector.broadcast %jit3A_1527 : f32 to vector<16xf32>
    %select_n3A_1529 = arith.select %gt3A_1526, %gather3A_1523, %broadcast_in_dim3A_1528 : vector<16xi1>, vector<16xf32>
    %sub3A_1530 = arith.subf %gather3A_1399, %select_n3A_1529 : vector<16xf32>
    %add3A_1531 = arith.constant 48 : i32
    %add3A_1532 = vector.broadcast %add3A_1531 : i32 to vector<16xi32>
    %add3A_1533 = arith.addi %add3A_1513, %add3A_1532 : vector<16xi32>
    %gather3A_1534 = tpu.vector_load_idx %arg10[%add3A_1533] : memref<112xf32, #tpu.memory_space<vmem>>[vector<16xi32>], vector<16xf32>,
    %sub3A_1535 = arith.subf %gather3A_1402, %gather3A_1534 : vector<16xf32>
    %convert_element_type3A_1536 = arith.sitofp %add3A_1513 : vector<16xi32> to vector<16xf32>
    %sub3A_1537 = arith.constant 2.000000e+00 : f32
    %sub3A_1538 = vector.broadcast %sub3A_1537 : f32 to vector<16xf32>
    %sub3A_1539 = arith.subf %sub3A_1538, %convert_element_type3A_1536 : vector<16xf32>
    %max3A_1540 = arith.constant 0.000000e+00 : f32
    %max3A_1541 = vector.broadcast %max3A_1540 : f32 to vector<16xf32>
    %max3A_1542 = arith.maximumf %max3A_1541, %sub3A_1539 : vector<16xf32>
    %mul3A_1543 = arith.mulf %sub3A_1530, %sub3A_1535 : vector<16xf32>
    %sub3A_1544 = arith.subf %mul3A_1543, %max3A_1542 : vector<16xf32>
    %jit3A_1545 = arith.constant 1.000000e+00 : f32
    %broadcast_in_dim3A_1546 = vector.broadcast %jit3A_1545 : f32 to vector<16xf32>
    %select_n3A_1547 = arith.select %lt3A_1516, %sub3A_1544, %broadcast_in_dim3A_1546 : vector<16xi1>, vector<16xf32>
    %bitcast3A_1548 = vector.bitcast %select_n3A_1547 : vector<16xf32> to vector<16xi32>
    %shift_right_arithmetic3A_1549 = arith.constant 23 : i32
    %shift_right_arithmetic3A_1550 = vector.broadcast %shift_right_arithmetic3A_1549 : i32 to vector<16xi32>
    %shift_right_arithmetic3A_1551 = arith.shrsi %bitcast3A_1548, %shift_right_arithmetic3A_1550 : vector<16xi32>
    %sub3A_1552 = arith.constant 127 : i32
    %sub3A_1553 = vector.broadcast %sub3A_1552 : i32 to vector<16xi32>
    %sub3A_1554 = arith.subi %shift_right_arithmetic3A_1551, %sub3A_1553 : vector<16xi32>
    %and3A_1555 = arith.constant 8388607 : i32
    %and3A_1556 = vector.broadcast %and3A_1555 : i32 to vector<16xi32>
    %and3A_1557 = arith.andi %bitcast3A_1548, %and3A_1556 : vector<16xi32>
    %or3A_1558 = arith.constant 1065353216 : i32
    %or3A_1559 = vector.broadcast %or3A_1558 : i32 to vector<16xi32>
    %or3A_1560 = arith.ori %and3A_1557, %or3A_1559 : vector<16xi32>
    %bitcast3A_1561 = vector.bitcast %or3A_1560 : vector<16xi32> to vector<16xf32>
    %gt3A_1562 = arith.constant 1.41421354 : f32
    %gt3A_1563 = vector.broadcast %gt3A_1562 : f32 to vector<16xf32>
    %gt3A_1564 = arith.cmpf ogt, %bitcast3A_1561, %gt3A_1563 : vector<16xf32>
    %mul3A_1565 = arith.constant 5.000000e-01 : f32
    %mul3A_1566 = vector.broadcast %mul3A_1565 : f32 to vector<16xf32>
    %mul3A_1567 = arith.mulf %bitcast3A_1561, %mul3A_1566 : vector<16xf32>
    %select_n3A_1568 = arith.select %gt3A_1564, %mul3A_1567, %bitcast3A_1561 : vector<16xi1>, vector<16xf32>
    %add3A_1569 = arith.constant 1 : i32
    %add3A_1570 = vector.broadcast %add3A_1569 : i32 to vector<16xi32>
    %add3A_1571 = arith.addi %sub3A_1554, %add3A_1570 : vector<16xi32>
    %select_n3A_1572 = arith.select %gt3A_1564, %add3A_1571, %sub3A_1554 : vector<16xi1>, vector<16xi32>
    %sub3A_1573 = arith.constant 1.000000e+00 : f32
    %sub3A_1574 = vector.broadcast %sub3A_1573 : f32 to vector<16xf32>
    %sub3A_1575 = arith.subf %select_n3A_1568, %sub3A_1574 : vector<16xf32>
    %add3A_1576 = arith.constant 1.000000e+00 : f32
    %add3A_1577 = vector.broadcast %add3A_1576 : f32 to vector<16xf32>
    %add3A_1578 = arith.addf %select_n3A_1568, %add3A_1577 : vector<16xf32>
    %div3A_1579 = arith.divf %sub3A_1575, %add3A_1578 : vector<16xf32>
    %mul3A_1580 = arith.mulf %div3A_1579, %div3A_1579 : vector<16xf32>
    %mul3A_1581 = arith.constant 0.111111112 : f32
    %mul3A_1582 = vector.broadcast %mul3A_1581 : f32 to vector<16xf32>
    %mul3A_1583 = arith.mulf %mul3A_1580, %mul3A_1582 : vector<16xf32>
    %add3A_1584 = arith.constant 0.142857149 : f32
    %add3A_1585 = vector.broadcast %add3A_1584 : f32 to vector<16xf32>
    %add3A_1586 = arith.addf %add3A_1585, %mul3A_1583 : vector<16xf32>
    %mul3A_1587 = arith.mulf %mul3A_1580, %add3A_1586 : vector<16xf32>
    %add3A_1588 = arith.constant 2.000000e-01 : f32
    %add3A_1589 = vector.broadcast %add3A_1588 : f32 to vector<16xf32>
    %add3A_1590 = arith.addf %add3A_1589, %mul3A_1587 : vector<16xf32>
    %mul3A_1591 = arith.mulf %mul3A_1580, %add3A_1590 : vector<16xf32>
    %add3A_1592 = arith.constant 0.333333343 : f32
    %add3A_1593 = vector.broadcast %add3A_1592 : f32 to vector<16xf32>
    %add3A_1594 = arith.addf %add3A_1593, %mul3A_1591 : vector<16xf32>
    %mul3A_1595 = arith.mulf %mul3A_1580, %add3A_1594 : vector<16xf32>
    %add3A_1596 = arith.constant 1.000000e+00 : f32
    %add3A_1597 = vector.broadcast %add3A_1596 : f32 to vector<16xf32>
    %add3A_1598 = arith.addf %add3A_1597, %mul3A_1595 : vector<16xf32>
    %convert_element_type3A_1599 = arith.sitofp %select_n3A_1572 : vector<16xi32> to vector<16xf32>
    %mul3A_1600 = arith.constant 0.693147182 : f32
    %mul3A_1601 = vector.broadcast %mul3A_1600 : f32 to vector<16xf32>
    %mul3A_1602 = arith.mulf %convert_element_type3A_1599, %mul3A_1601 : vector<16xf32>
    %mul3A_1603 = arith.constant 2.000000e+00 : f32
    %mul3A_1604 = vector.broadcast %mul3A_1603 : f32 to vector<16xf32>
    %mul3A_1605 = arith.mulf %mul3A_1604, %div3A_1579 : vector<16xf32>
    %mul3A_1606 = arith.mulf %mul3A_1605, %add3A_1598 : vector<16xf32>
    %add3A_1607 = arith.addf %mul3A_1602, %mul3A_1606 : vector<16xf32>
    %jit3A_1608 = arith.constant 0.000000e+00 : f32
    %broadcast_in_dim3A_1609 = vector.broadcast %jit3A_1608 : f32 to vector<16xf32>
    %select_n3A_1610 = arith.select %lt3A_1516, %add3A_1607, %broadcast_in_dim3A_1609 : vector<16xi1>, vector<16xf32>
    %reduce_sum3A_1611 = arith.constant true
    %reduce_sum3A_1612 = vector.broadcast %reduce_sum3A_1611 : i1 to vector<16xi1>
    %reduce_sum3A_1613 = tpu.scan <sum>, %select_n3A_1610 masked %reduce_sum3A_1612 : vector<16xf32>, vector<16xi1> -> vector<16xf32>
    %reduce_sum3A_1614 = vector.extract %reduce_sum3A_1613[15] : f32 from vector<16xf32>
    %add3A_1615 = arith.addf %add3A_1509, %reduce_sum3A_1614 : f32
    %iota3A_1616 = tpu.iota {dimensions = array<i32: 0>} : vector<16xi32>
    %add3A_1617 = arith.constant 32 : i32
    %add3A_1618 = vector.broadcast %add3A_1617 : i32 to vector<16xi32>
    %add3A_1619 = arith.addi %iota3A_1616, %add3A_1618 : vector<16xi32>
    %lt3A_1620 = arith.constant 50 : i32
    %lt3A_1621 = vector.broadcast %lt3A_1620 : i32 to vector<16xi32>
    %lt3A_1622 = arith.cmpi slt, %add3A_1619, %lt3A_1621 : vector<16xi32>
    %sub3A_1623 = arith.constant 1 : i32
    %sub3A_1624 = vector.broadcast %sub3A_1623 : i32 to vector<16xi32>
    %sub3A_1625 = arith.subi %add3A_1619, %sub3A_1624 : vector<16xi32>
    %max3A_1626 = arith.constant 0 : i32
    %max3A_1627 = vector.broadcast %max3A_1626 : i32 to vector<16xi32>
    %max3A_1628 = arith.maxsi %sub3A_1625, %max3A_1627 : vector<16xi32>
    %gather3A_1629 = tpu.vector_load_idx %arg9[%max3A_1628] : memref<112xf32, #tpu.memory_space<vmem>>[vector<16xi32>], vector<16xf32>,
    %gt3A_1630 = arith.constant 0 : i32
    %gt3A_1631 = vector.broadcast %gt3A_1630 : i32 to vector<16xi32>
    %gt3A_1632 = arith.cmpi sgt, %add3A_1619, %gt3A_1631 : vector<16xi32>
    %jit3A_1633 = arith.constant 0.000000e+00 : f32
    %broadcast_in_dim3A_1634 = vector.broadcast %jit3A_1633 : f32 to vector<16xf32>
    %select_n3A_1635 = arith.select %gt3A_1632, %gather3A_1629, %broadcast_in_dim3A_1634 : vector<16xi1>, vector<16xf32>
    %sub3A_1636 = arith.subf %gather3A_1399, %select_n3A_1635 : vector<16xf32>
    %add3A_1637 = arith.constant 48 : i32
    %add3A_1638 = vector.broadcast %add3A_1637 : i32 to vector<16xi32>
    %add3A_1639 = arith.addi %add3A_1619, %add3A_1638 : vector<16xi32>
    %gather3A_1640 = tpu.vector_load_idx %arg10[%add3A_1639] : memref<112xf32, #tpu.memory_space<vmem>>[vector<16xi32>], vector<16xf32>,
    %sub3A_1641 = arith.subf %gather3A_1402, %gather3A_1640 : vector<16xf32>
    %convert_element_type3A_1642 = arith.sitofp %add3A_1619 : vector<16xi32> to vector<16xf32>
    %sub3A_1643 = arith.constant 2.000000e+00 : f32
    %sub3A_1644 = vector.broadcast %sub3A_1643 : f32 to vector<16xf32>
    %sub3A_1645 = arith.subf %sub3A_1644, %convert_element_type3A_1642 : vector<16xf32>
    %max3A_1646 = arith.constant 0.000000e+00 : f32
    %max3A_1647 = vector.broadcast %max3A_1646 : f32 to vector<16xf32>
    %max3A_1648 = arith.maximumf %max3A_1647, %sub3A_1645 : vector<16xf32>
    %mul3A_1649 = arith.mulf %sub3A_1636, %sub3A_1641 : vector<16xf32>
    %sub3A_1650 = arith.subf %mul3A_1649, %max3A_1648 : vector<16xf32>
    %jit3A_1651 = arith.constant 1.000000e+00 : f32
    %broadcast_in_dim3A_1652 = vector.broadcast %jit3A_1651 : f32 to vector<16xf32>
    %select_n3A_1653 = arith.select %lt3A_1622, %sub3A_1650, %broadcast_in_dim3A_1652 : vector<16xi1>, vector<16xf32>
    %bitcast3A_1654 = vector.bitcast %select_n3A_1653 : vector<16xf32> to vector<16xi32>
    %shift_right_arithmetic3A_1655 = arith.constant 23 : i32
    %shift_right_arithmetic3A_1656 = vector.broadcast %shift_right_arithmetic3A_1655 : i32 to vector<16xi32>
    %shift_right_arithmetic3A_1657 = arith.shrsi %bitcast3A_1654, %shift_right_arithmetic3A_1656 : vector<16xi32>
    %sub3A_1658 = arith.constant 127 : i32
    %sub3A_1659 = vector.broadcast %sub3A_1658 : i32 to vector<16xi32>
    %sub3A_1660 = arith.subi %shift_right_arithmetic3A_1657, %sub3A_1659 : vector<16xi32>
    %and3A_1661 = arith.constant 8388607 : i32
    %and3A_1662 = vector.broadcast %and3A_1661 : i32 to vector<16xi32>
    %and3A_1663 = arith.andi %bitcast3A_1654, %and3A_1662 : vector<16xi32>
    %or3A_1664 = arith.constant 1065353216 : i32
    %or3A_1665 = vector.broadcast %or3A_1664 : i32 to vector<16xi32>
    %or3A_1666 = arith.ori %and3A_1663, %or3A_1665 : vector<16xi32>
    %bitcast3A_1667 = vector.bitcast %or3A_1666 : vector<16xi32> to vector<16xf32>
    %gt3A_1668 = arith.constant 1.41421354 : f32
    %gt3A_1669 = vector.broadcast %gt3A_1668 : f32 to vector<16xf32>
    %gt3A_1670 = arith.cmpf ogt, %bitcast3A_1667, %gt3A_1669 : vector<16xf32>
    %mul3A_1671 = arith.constant 5.000000e-01 : f32
    %mul3A_1672 = vector.broadcast %mul3A_1671 : f32 to vector<16xf32>
    %mul3A_1673 = arith.mulf %bitcast3A_1667, %mul3A_1672 : vector<16xf32>
    %select_n3A_1674 = arith.select %gt3A_1670, %mul3A_1673, %bitcast3A_1667 : vector<16xi1>, vector<16xf32>
    %add3A_1675 = arith.constant 1 : i32
    %add3A_1676 = vector.broadcast %add3A_1675 : i32 to vector<16xi32>
    %add3A_1677 = arith.addi %sub3A_1660, %add3A_1676 : vector<16xi32>
    %select_n3A_1678 = arith.select %gt3A_1670, %add3A_1677, %sub3A_1660 : vector<16xi1>, vector<16xi32>
    %sub3A_1679 = arith.constant 1.000000e+00 : f32
    %sub3A_1680 = vector.broadcast %sub3A_1679 : f32 to vector<16xf32>
    %sub3A_1681 = arith.subf %select_n3A_1674, %sub3A_1680 : vector<16xf32>
    %add3A_1682 = arith.constant 1.000000e+00 : f32
    %add3A_1683 = vector.broadcast %add3A_1682 : f32 to vector<16xf32>
    %add3A_1684 = arith.addf %select_n3A_1674, %add3A_1683 : vector<16xf32>
    %div3A_1685 = arith.divf %sub3A_1681, %add3A_1684 : vector<16xf32>
    %mul3A_1686 = arith.mulf %div3A_1685, %div3A_1685 : vector<16xf32>
    %mul3A_1687 = arith.constant 0.111111112 : f32
    %mul3A_1688 = vector.broadcast %mul3A_1687 : f32 to vector<16xf32>
    %mul3A_1689 = arith.mulf %mul3A_1686, %mul3A_1688 : vector<16xf32>
    %add3A_1690 = arith.constant 0.142857149 : f32
    %add3A_1691 = vector.broadcast %add3A_1690 : f32 to vector<16xf32>
    %add3A_1692 = arith.addf %add3A_1691, %mul3A_1689 : vector<16xf32>
    %mul3A_1693 = arith.mulf %mul3A_1686, %add3A_1692 : vector<16xf32>
    %add3A_1694 = arith.constant 2.000000e-01 : f32
    %add3A_1695 = vector.broadcast %add3A_1694 : f32 to vector<16xf32>
    %add3A_1696 = arith.addf %add3A_1695, %mul3A_1693 : vector<16xf32>
    %mul3A_1697 = arith.mulf %mul3A_1686, %add3A_1696 : vector<16xf32>
    %add3A_1698 = arith.constant 0.333333343 : f32
    %add3A_1699 = vector.broadcast %add3A_1698 : f32 to vector<16xf32>
    %add3A_1700 = arith.addf %add3A_1699, %mul3A_1697 : vector<16xf32>
    %mul3A_1701 = arith.mulf %mul3A_1686, %add3A_1700 : vector<16xf32>
    %add3A_1702 = arith.constant 1.000000e+00 : f32
    %add3A_1703 = vector.broadcast %add3A_1702 : f32 to vector<16xf32>
    %add3A_1704 = arith.addf %add3A_1703, %mul3A_1701 : vector<16xf32>
    %convert_element_type3A_1705 = arith.sitofp %select_n3A_1678 : vector<16xi32> to vector<16xf32>
    %mul3A_1706 = arith.constant 0.693147182 : f32
    %mul3A_1707 = vector.broadcast %mul3A_1706 : f32 to vector<16xf32>
    %mul3A_1708 = arith.mulf %convert_element_type3A_1705, %mul3A_1707 : vector<16xf32>
    %mul3A_1709 = arith.constant 2.000000e+00 : f32
    %mul3A_1710 = vector.broadcast %mul3A_1709 : f32 to vector<16xf32>
    %mul3A_1711 = arith.mulf %mul3A_1710, %div3A_1685 : vector<16xf32>
    %mul3A_1712 = arith.mulf %mul3A_1711, %add3A_1704 : vector<16xf32>
    %add3A_1713 = arith.addf %mul3A_1708, %mul3A_1712 : vector<16xf32>
    %jit3A_1714 = arith.constant 0.000000e+00 : f32
    %broadcast_in_dim3A_1715 = vector.broadcast %jit3A_1714 : f32 to vector<16xf32>
    %select_n3A_1716 = arith.select %lt3A_1622, %add3A_1713, %broadcast_in_dim3A_1715 : vector<16xi1>, vector<16xf32>
    %reduce_sum3A_1717 = arith.constant true
    %reduce_sum3A_1718 = vector.broadcast %reduce_sum3A_1717 : i1 to vector<16xi1>
    %reduce_sum3A_1719 = tpu.scan <sum>, %select_n3A_1716 masked %reduce_sum3A_1718 : vector<16xf32>, vector<16xi1> -> vector<16xf32>
    %reduce_sum3A_1720 = vector.extract %reduce_sum3A_1719[15] : f32 from vector<16xf32>
    %add3A_1721 = arith.addf %add3A_1615, %reduce_sum3A_1720 : f32
    %iota3A_1722 = tpu.iota {dimensions = array<i32: 0>} : vector<16xi32>
    %add3A_1723 = arith.constant 48 : i32
    %add3A_1724 = vector.broadcast %add3A_1723 : i32 to vector<16xi32>
    %add3A_1725 = arith.addi %iota3A_1722, %add3A_1724 : vector<16xi32>
    %lt3A_1726 = arith.constant 50 : i32
    %lt3A_1727 = vector.broadcast %lt3A_1726 : i32 to vector<16xi32>
    %lt3A_1728 = arith.cmpi slt, %add3A_1725, %lt3A_1727 : vector<16xi32>
    %sub3A_1729 = arith.constant 1 : i32
    %sub3A_1730 = vector.broadcast %sub3A_1729 : i32 to vector<16xi32>
    %sub3A_1731 = arith.subi %add3A_1725, %sub3A_1730 : vector<16xi32>
    %max3A_1732 = arith.constant 0 : i32
    %max3A_1733 = vector.broadcast %max3A_1732 : i32 to vector<16xi32>
    %max3A_1734 = arith.maxsi %sub3A_1731, %max3A_1733 : vector<16xi32>
    %gather3A_1735 = tpu.vector_load_idx %arg9[%max3A_1734] : memref<112xf32, #tpu.memory_space<vmem>>[vector<16xi32>], vector<16xf32>,
    %gt3A_1736 = arith.constant 0 : i32
    %gt3A_1737 = vector.broadcast %gt3A_1736 : i32 to vector<16xi32>
    %gt3A_1738 = arith.cmpi sgt, %add3A_1725, %gt3A_1737 : vector<16xi32>
    %jit3A_1739 = arith.constant 0.000000e+00 : f32
    %broadcast_in_dim3A_1740 = vector.broadcast %jit3A_1739 : f32 to vector<16xf32>
    %select_n3A_1741 = arith.select %gt3A_1738, %gather3A_1735, %broadcast_in_dim3A_1740 : vector<16xi1>, vector<16xf32>
    %sub3A_1742 = arith.subf %gather3A_1399, %select_n3A_1741 : vector<16xf32>
    %add3A_1743 = arith.constant 48 : i32
    %add3A_1744 = vector.broadcast %add3A_1743 : i32 to vector<16xi32>
    %add3A_1745 = arith.addi %add3A_1725, %add3A_1744 : vector<16xi32>
    %gather3A_1746 = tpu.vector_load_idx %arg10[%add3A_1745] : memref<112xf32, #tpu.memory_space<vmem>>[vector<16xi32>], vector<16xf32>,
    %sub3A_1747 = arith.subf %gather3A_1402, %gather3A_1746 : vector<16xf32>
    %convert_element_type3A_1748 = arith.sitofp %add3A_1725 : vector<16xi32> to vector<16xf32>
    %sub3A_1749 = arith.constant 2.000000e+00 : f32
    %sub3A_1750 = vector.broadcast %sub3A_1749 : f32 to vector<16xf32>
    %sub3A_1751 = arith.subf %sub3A_1750, %convert_element_type3A_1748 : vector<16xf32>
    %max3A_1752 = arith.constant 0.000000e+00 : f32
    %max3A_1753 = vector.broadcast %max3A_1752 : f32 to vector<16xf32>
    %max3A_1754 = arith.maximumf %max3A_1753, %sub3A_1751 : vector<16xf32>
    %mul3A_1755 = arith.mulf %sub3A_1742, %sub3A_1747 : vector<16xf32>
    %sub3A_1756 = arith.subf %mul3A_1755, %max3A_1754 : vector<16xf32>
    %jit3A_1757 = arith.constant 1.000000e+00 : f32
    %broadcast_in_dim3A_1758 = vector.broadcast %jit3A_1757 : f32 to vector<16xf32>
    %select_n3A_1759 = arith.select %lt3A_1728, %sub3A_1756, %broadcast_in_dim3A_1758 : vector<16xi1>, vector<16xf32>
    %bitcast3A_1760 = vector.bitcast %select_n3A_1759 : vector<16xf32> to vector<16xi32>
    %shift_right_arithmetic3A_1761 = arith.constant 23 : i32
    %shift_right_arithmetic3A_1762 = vector.broadcast %shift_right_arithmetic3A_1761 : i32 to vector<16xi32>
    %shift_right_arithmetic3A_1763 = arith.shrsi %bitcast3A_1760, %shift_right_arithmetic3A_1762 : vector<16xi32>
    %sub3A_1764 = arith.constant 127 : i32
    %sub3A_1765 = vector.broadcast %sub3A_1764 : i32 to vector<16xi32>
    %sub3A_1766 = arith.subi %shift_right_arithmetic3A_1763, %sub3A_1765 : vector<16xi32>
    %and3A_1767 = arith.constant 8388607 : i32
    %and3A_1768 = vector.broadcast %and3A_1767 : i32 to vector<16xi32>
    %and3A_1769 = arith.andi %bitcast3A_1760, %and3A_1768 : vector<16xi32>
    %or3A_1770 = arith.constant 1065353216 : i32
    %or3A_1771 = vector.broadcast %or3A_1770 : i32 to vector<16xi32>
    %or3A_1772 = arith.ori %and3A_1769, %or3A_1771 : vector<16xi32>
    %bitcast3A_1773 = vector.bitcast %or3A_1772 : vector<16xi32> to vector<16xf32>
    %gt3A_1774 = arith.constant 1.41421354 : f32
    %gt3A_1775 = vector.broadcast %gt3A_1774 : f32 to vector<16xf32>
    %gt3A_1776 = arith.cmpf ogt, %bitcast3A_1773, %gt3A_1775 : vector<16xf32>
    %mul3A_1777 = arith.constant 5.000000e-01 : f32
    %mul3A_1778 = vector.broadcast %mul3A_1777 : f32 to vector<16xf32>
    %mul3A_1779 = arith.mulf %bitcast3A_1773, %mul3A_1778 : vector<16xf32>
    %select_n3A_1780 = arith.select %gt3A_1776, %mul3A_1779, %bitcast3A_1773 : vector<16xi1>, vector<16xf32>
    %add3A_1781 = arith.constant 1 : i32
    %add3A_1782 = vector.broadcast %add3A_1781 : i32 to vector<16xi32>
    %add3A_1783 = arith.addi %sub3A_1766, %add3A_1782 : vector<16xi32>
    %select_n3A_1784 = arith.select %gt3A_1776, %add3A_1783, %sub3A_1766 : vector<16xi1>, vector<16xi32>
    %sub3A_1785 = arith.constant 1.000000e+00 : f32
    %sub3A_1786 = vector.broadcast %sub3A_1785 : f32 to vector<16xf32>
    %sub3A_1787 = arith.subf %select_n3A_1780, %sub3A_1786 : vector<16xf32>
    %add3A_1788 = arith.constant 1.000000e+00 : f32
    %add3A_1789 = vector.broadcast %add3A_1788 : f32 to vector<16xf32>
    %add3A_1790 = arith.addf %select_n3A_1780, %add3A_1789 : vector<16xf32>
    %div3A_1791 = arith.divf %sub3A_1787, %add3A_1790 : vector<16xf32>
    %mul3A_1792 = arith.mulf %div3A_1791, %div3A_1791 : vector<16xf32>
    %mul3A_1793 = arith.constant 0.111111112 : f32
    %mul3A_1794 = vector.broadcast %mul3A_1793 : f32 to vector<16xf32>
    %mul3A_1795 = arith.mulf %mul3A_1792, %mul3A_1794 : vector<16xf32>
    %add3A_1796 = arith.constant 0.142857149 : f32
    %add3A_1797 = vector.broadcast %add3A_1796 : f32 to vector<16xf32>
    %add3A_1798 = arith.addf %add3A_1797, %mul3A_1795 : vector<16xf32>
    %mul3A_1799 = arith.mulf %mul3A_1792, %add3A_1798 : vector<16xf32>
    %add3A_1800 = arith.constant 2.000000e-01 : f32
    %add3A_1801 = vector.broadcast %add3A_1800 : f32 to vector<16xf32>
    %add3A_1802 = arith.addf %add3A_1801, %mul3A_1799 : vector<16xf32>
    %mul3A_1803 = arith.mulf %mul3A_1792, %add3A_1802 : vector<16xf32>
    %add3A_1804 = arith.constant 0.333333343 : f32
    %add3A_1805 = vector.broadcast %add3A_1804 : f32 to vector<16xf32>
    %add3A_1806 = arith.addf %add3A_1805, %mul3A_1803 : vector<16xf32>
    %mul3A_1807 = arith.mulf %mul3A_1792, %add3A_1806 : vector<16xf32>
    %add3A_1808 = arith.constant 1.000000e+00 : f32
    %add3A_1809 = vector.broadcast %add3A_1808 : f32 to vector<16xf32>
    %add3A_1810 = arith.addf %add3A_1809, %mul3A_1807 : vector<16xf32>
    %convert_element_type3A_1811 = arith.sitofp %select_n3A_1784 : vector<16xi32> to vector<16xf32>
    %mul3A_1812 = arith.constant 0.693147182 : f32
    %mul3A_1813 = vector.broadcast %mul3A_1812 : f32 to vector<16xf32>
    %mul3A_1814 = arith.mulf %convert_element_type3A_1811, %mul3A_1813 : vector<16xf32>
    %mul3A_1815 = arith.constant 2.000000e+00 : f32
    %mul3A_1816 = vector.broadcast %mul3A_1815 : f32 to vector<16xf32>
    %mul3A_1817 = arith.mulf %mul3A_1816, %div3A_1791 : vector<16xf32>
    %mul3A_1818 = arith.mulf %mul3A_1817, %add3A_1810 : vector<16xf32>
    %add3A_1819 = arith.addf %mul3A_1814, %mul3A_1818 : vector<16xf32>
    %jit3A_1820 = arith.constant 0.000000e+00 : f32
    %broadcast_in_dim3A_1821 = vector.broadcast %jit3A_1820 : f32 to vector<16xf32>
    %select_n3A_1822 = arith.select %lt3A_1728, %add3A_1819, %broadcast_in_dim3A_1821 : vector<16xi1>, vector<16xf32>
    %reduce_sum3A_1823 = arith.constant true
    %reduce_sum3A_1824 = vector.broadcast %reduce_sum3A_1823 : i1 to vector<16xi1>
    %reduce_sum3A_1825 = tpu.scan <sum>, %select_n3A_1822 masked %reduce_sum3A_1824 : vector<16xf32>, vector<16xi1> -> vector<16xf32>
    %reduce_sum3A_1826 = vector.extract %reduce_sum3A_1825[15] : f32 from vector<16xf32>
    %add3A_1827 = arith.addf %add3A_1721, %reduce_sum3A_1826 : f32
    %lt3A_1828 = arith.constant 50 : i32
    %lt3A_1829 = vector.broadcast %lt3A_1828 : i32 to vector<16xi32>
    %lt3A_1830 = arith.cmpi slt, %scan3A_1184#0, %lt3A_1829 : vector<16xi32>
    %neg3A_1831 = arith.constant 0.000000e+00 : f32
    %neg3A_1832 = vector.broadcast %neg3A_1831 : f32 to vector<16xf32>
    %neg3A_1833 = arith.subf %neg3A_1832, %get3A_989 : vector<16xf32>
    %select_n3A_1834 = arith.select %lt3A_1830, %get3A_989, %neg3A_1833 : vector<16xi1>, vector<16xf32>
    %reduce_sum3A_1835 = arith.constant true
    %reduce_sum3A_1836 = vector.broadcast %reduce_sum3A_1835 : i1 to vector<16xi1>
    %reduce_sum3A_1837 = tpu.scan <sum>, %select_n3A_1834 masked %reduce_sum3A_1836 : vector<16xf32>, vector<16xi1> -> vector<16xf32>
    %reduce_sum3A_1838 = vector.extract %reduce_sum3A_1837[15] : f32 from vector<16xf32>
    %add3A_1839 = arith.constant 0.000000e+00 : f32
    %add3A_1840 = arith.addf %add3A_1839, %reduce_sum3A_1838 : f32
    %lt3A_1841 = arith.constant 50 : i32
    %lt3A_1842 = vector.broadcast %lt3A_1841 : i32 to vector<16xi32>
    %lt3A_1843 = arith.cmpi slt, %scan3A_1184#1, %lt3A_1842 : vector<16xi32>
    %neg3A_1844 = arith.constant 0.000000e+00 : f32
    %neg3A_1845 = vector.broadcast %neg3A_1844 : f32 to vector<16xf32>
    %neg3A_1846 = arith.subf %neg3A_1845, %get3A_991 : vector<16xf32>
    %select_n3A_1847 = arith.select %lt3A_1843, %get3A_991, %neg3A_1846 : vector<16xi1>, vector<16xf32>
    %reduce_sum3A_1848 = arith.constant true
    %reduce_sum3A_1849 = vector.broadcast %reduce_sum3A_1848 : i1 to vector<16xi1>
    %reduce_sum3A_1850 = tpu.scan <sum>, %select_n3A_1847 masked %reduce_sum3A_1849 : vector<16xf32>, vector<16xi1> -> vector<16xf32>
    %reduce_sum3A_1851 = vector.extract %reduce_sum3A_1850[15] : f32 from vector<16xf32>
    %add3A_1852 = arith.addf %add3A_1840, %reduce_sum3A_1851 : f32
    %lt3A_1853 = arith.constant 50 : i32
    %lt3A_1854 = vector.broadcast %lt3A_1853 : i32 to vector<16xi32>
    %lt3A_1855 = arith.cmpi slt, %scan3A_1184#2, %lt3A_1854 : vector<16xi32>
    %neg3A_1856 = arith.constant 0.000000e+00 : f32
    %neg3A_1857 = vector.broadcast %neg3A_1856 : f32 to vector<16xf32>
    %neg3A_1858 = arith.subf %neg3A_1857, %get3A_993 : vector<16xf32>
    %select_n3A_1859 = arith.select %lt3A_1855, %get3A_993, %neg3A_1858 : vector<16xi1>, vector<16xf32>
    %reduce_sum3A_1860 = arith.constant true
    %reduce_sum3A_1861 = vector.broadcast %reduce_sum3A_1860 : i1 to vector<16xi1>
    %reduce_sum3A_1862 = tpu.scan <sum>, %select_n3A_1859 masked %reduce_sum3A_1861 : vector<16xf32>, vector<16xi1> -> vector<16xf32>
    %reduce_sum3A_1863 = vector.extract %reduce_sum3A_1862[15] : f32 from vector<16xf32>
    %add3A_1864 = arith.addf %add3A_1852, %reduce_sum3A_1863 : f32
    %lt3A_1865 = arith.constant 50 : i32
    %lt3A_1866 = vector.broadcast %lt3A_1865 : i32 to vector<16xi32>
    %lt3A_1867 = arith.cmpi slt, %scan3A_1184#3, %lt3A_1866 : vector<16xi32>
    %neg3A_1868 = arith.constant 0.000000e+00 : f32
    %neg3A_1869 = vector.broadcast %neg3A_1868 : f32 to vector<16xf32>
    %neg3A_1870 = arith.subf %neg3A_1869, %get3A_995 : vector<16xf32>
    %select_n3A_1871 = arith.select %lt3A_1867, %get3A_995, %neg3A_1870 : vector<16xi1>, vector<16xf32>
    %reduce_sum3A_1872 = arith.constant true
    %reduce_sum3A_1873 = vector.broadcast %reduce_sum3A_1872 : i1 to vector<16xi1>
    %reduce_sum3A_1874 = tpu.scan <sum>, %select_n3A_1871 masked %reduce_sum3A_1873 : vector<16xf32>, vector<16xi1> -> vector<16xf32>
    %reduce_sum3A_1875 = vector.extract %reduce_sum3A_1874[15] : f32 from vector<16xf32>
    %add3A_1876 = arith.addf %add3A_1864, %reduce_sum3A_1875 : f32
    %lt3A_1877 = arith.constant 50 : i32
    %lt3A_1878 = vector.broadcast %lt3A_1877 : i32 to vector<16xi32>
    %lt3A_1879 = arith.cmpi slt, %scan3A_1184#4, %lt3A_1878 : vector<16xi32>
    %neg3A_1880 = arith.constant 0.000000e+00 : f32
    %neg3A_1881 = vector.broadcast %neg3A_1880 : f32 to vector<16xf32>
    %neg3A_1882 = arith.subf %neg3A_1881, %get3A_997 : vector<16xf32>
    %select_n3A_1883 = arith.select %lt3A_1879, %get3A_997, %neg3A_1882 : vector<16xi1>, vector<16xf32>
    %reduce_sum3A_1884 = arith.constant true
    %reduce_sum3A_1885 = vector.broadcast %reduce_sum3A_1884 : i1 to vector<16xi1>
    %reduce_sum3A_1886 = tpu.scan <sum>, %select_n3A_1883 masked %reduce_sum3A_1885 : vector<16xf32>, vector<16xi1> -> vector<16xf32>
    %reduce_sum3A_1887 = vector.extract %reduce_sum3A_1886[15] : f32 from vector<16xf32>
    %add3A_1888 = arith.addf %add3A_1876, %reduce_sum3A_1887 : f32
    %lt3A_1889 = arith.constant 50 : i32
    %lt3A_1890 = vector.broadcast %lt3A_1889 : i32 to vector<16xi32>
    %lt3A_1891 = arith.cmpi slt, %scan3A_1184#5, %lt3A_1890 : vector<16xi32>
    %neg3A_1892 = arith.constant 0.000000e+00 : f32
    %neg3A_1893 = vector.broadcast %neg3A_1892 : f32 to vector<16xf32>
    %neg3A_1894 = arith.subf %neg3A_1893, %get3A_999 : vector<16xf32>
    %select_n3A_1895 = arith.select %lt3A_1891, %get3A_999, %neg3A_1894 : vector<16xi1>, vector<16xf32>
    %reduce_sum3A_1896 = arith.constant true
    %reduce_sum3A_1897 = vector.broadcast %reduce_sum3A_1896 : i1 to vector<16xi1>
    %reduce_sum3A_1898 = tpu.scan <sum>, %select_n3A_1895 masked %reduce_sum3A_1897 : vector<16xf32>, vector<16xi1> -> vector<16xf32>
    %reduce_sum3A_1899 = vector.extract %reduce_sum3A_1898[15] : f32 from vector<16xf32>
    %add3A_1900 = arith.addf %add3A_1888, %reduce_sum3A_1899 : f32
    %lt3A_1901 = arith.constant 50 : i32
    %lt3A_1902 = vector.broadcast %lt3A_1901 : i32 to vector<16xi32>
    %lt3A_1903 = arith.cmpi slt, %scan3A_1184#6, %lt3A_1902 : vector<16xi32>
    %neg3A_1904 = arith.constant 0.000000e+00 : f32
    %neg3A_1905 = vector.broadcast %neg3A_1904 : f32 to vector<16xf32>
    %neg3A_1906 = arith.subf %neg3A_1905, %select_n3A_1025 : vector<16xf32>
    %select_n3A_1907 = arith.select %lt3A_1903, %select_n3A_1025, %neg3A_1906 : vector<16xi1>, vector<16xf32>
    %reduce_sum3A_1908 = arith.constant true
    %reduce_sum3A_1909 = vector.broadcast %reduce_sum3A_1908 : i1 to vector<16xi1>
    %reduce_sum3A_1910 = tpu.scan <sum>, %select_n3A_1907 masked %reduce_sum3A_1909 : vector<16xf32>, vector<16xi1> -> vector<16xf32>
    %reduce_sum3A_1911 = vector.extract %reduce_sum3A_1910[15] : f32 from vector<16xf32>
    %add3A_1912 = arith.addf %add3A_1900, %reduce_sum3A_1911 : f32
    %sub3A_1913 = arith.subf %add3A_1912, %add3A_1827 : f32
    %add3A_1914 = arith.addf %add3A_949, %sub3A_1913 : f32
    %iota3A_1915 = tpu.iota {dimensions = array<i32: 0>} : vector<16xi32>
    %eq3A_1916 = arith.constant 0 : i32
    %eq3A_1917 = vector.broadcast %eq3A_1916 : i32 to vector<16xi32>
    %eq3A_1918 = arith.cmpi eq, %iota3A_1915, %eq3A_1917 : vector<16xi32>
    %jit3A_1919 = arith.constant 0.000000e+00 : f32
    %broadcast_in_dim3A_1920 = vector.broadcast %add3A_1914 : f32 to vector<16xf32>
    %broadcast_in_dim3A_1921 = vector.broadcast %jit3A_1919 : f32 to vector<16xf32>
    %select_n3A_1922 = arith.select %eq3A_1918, %broadcast_in_dim3A_1920, %broadcast_in_dim3A_1921 : vector<16xi1>, vector<16xf32>
    %swap3A_1923 = arith.constant 0 : index
    %swap3A_1924 = tpu.vector_load %arg11[%swap3A_1923] {strides = array<i32>} : memref<16xf32, #tpu.memory_space<vmem>>, vector<16xf32>,
    tpu.vector_store %arg11[%swap3A_1923], %select_n3A_1922 {strides = array<i32>} : memref<16xf32, #tpu.memory_space<vmem>>, vector<16xf32>,
    %mul3A_1925 = arith.constant 16 : i32
    %mul3A_1926 = arith.muli %add3A, %mul3A_1925 : i32
    "tpu.region"() ({
      %run_scoped3A = tpu.sem_alloc : memref<!tpu.dma_semaphore, #tpu.memory_space<semaphore_mem>>
      %dma_start3A = tpu.memref_slice %arg4[%mul3A_1926] : memref<512xf32, #tpu.memory_space<hbm>> -> memref<16xf32, #tpu.memory_space<hbm>>
      %dma_start3A_1927 = tpu.memref_slice %arg4[%mul3A_1926] : memref<512xf32, #tpu.memory_space<hbm>> -> memref<16xf32, #tpu.memory_space<hbm>>
      tpu.enqueue_dma source(%arg11 : memref<16xf32, #tpu.memory_space<vmem>>) target(%dma_start3A_1927 : memref<16xf32, #tpu.memory_space<hbm>>) target_semaphore(%run_scoped3A : memref<!tpu.dma_semaphore, #tpu.memory_space<semaphore_mem>>)
      %dma_wait3A = tpu.memref_slice %arg4[%mul3A_1926] : memref<512xf32, #tpu.memory_space<hbm>> -> memref<16xf32, #tpu.memory_space<hbm>>
      %dma_wait3A_1928 = tpu.memref_slice %arg4[%mul3A_1926] : memref<512xf32, #tpu.memory_space<hbm>> -> memref<16xf32, #tpu.memory_space<hbm>>
      tpu.wait_dma2 semaphore(%run_scoped3A : memref<!tpu.dma_semaphore, #tpu.memory_space<semaphore_mem>>) src(%arg11 : memref<16xf32, #tpu.memory_space<vmem>>) dst(%dma_wait3A_1928 : memref<16xf32, #tpu.memory_space<hbm>>)
      tpu.yield
    }) : () -> ()
    return
  }
}

module attributes {stable_mosaic.version = 14 : i64} {
  func.func @_finish_body(%arg0: memref<8x64xf32, #tpu.memory_space<vmem>>, %arg1: memref<1x1xf32, #tpu.memory_space<vmem>>) attributes {dimension_semantics = [], scalar_prefetch = 0 : i64, scratch_operands = 0 : i64, tpu.core_type = #tpu.core_type<tc>} {
    %get3A = arith.constant 0 : index
    %get3A_0 = arith.constant 0 : index
    %get3A_1 = vector.load %arg0[%get3A, %get3A_0] : memref<8x64xf32, #tpu.memory_space<vmem>>, vector<8x64xf32>
    %reduce_sum3A = vector.shape_cast %get3A_1 : vector<8x64xf32> to vector<1x8x64xf32>
    %reduce_sum3A_2 = arith.constant dense<0.000000e+00> : vector<1xf32>
    %reduce_sum3A_3 = vector.multi_reduction <add>, %reduce_sum3A, %reduce_sum3A_2 [1, 2] : vector<1x8x64xf32> to vector<1xf32>
    %reduce_sum3A_4 = vector.shape_cast %reduce_sum3A_3 : vector<1xf32> to vector<1x1x1xf32>
    %reduce_sum3A_5 = vector.extract %reduce_sum3A_4[0, 0, 0] : f32 from vector<1x1x1xf32>
    %neg3A = arith.constant 0.000000e+00 : f32
    %neg3A_6 = arith.subf %neg3A, %reduce_sum3A_5 : f32
    %div3A = arith.constant 6.400000e+01 : f32
    %div3A_7 = arith.divf %neg3A_6, %div3A : f32
    %reshape3A = vector.broadcast %div3A_7 : f32 to vector<1x1xf32>
    %swap3A = arith.constant 0 : index
    %swap3A_8 = arith.constant 0 : index
    %swap3A_9 = vector.load %arg1[%swap3A, %swap3A_8] : memref<1x1xf32, #tpu.memory_space<vmem>>, vector<1x1xf32>
    tpu.vector_store %arg1[%swap3A, %swap3A_8], %reshape3A {strides = array<i32>} : memref<1x1xf32, #tpu.memory_space<vmem>>, vector<1x1xf32>,
    return
  }
}

</mosaic_0001>

<sc_bundles>
// kernel: kernel.4.cloned.1.call-start
scs
__scs_entry_jumppad:
0x0: {  	(pc) =	sbr.rel $0x88, $3  }
0x1: {  	(tag) =	ssettag $0x0;
	lr =	simm.s32 $0x1  }
0x2: {  	[smem:$0x3F9F] =	sst lr;
	_ =	strace $0xD0000000  }
0x3: {  	_ = 	snop  }
0x4: {  	_ = 	snop  }
0x5: {  	_ = 	snop  }
0x6: {  	_ = 	snop  }
0x7: {  	_ = 	snop  }
__scs_overlays_trampoline_lowered:
0x8: {  	[smem:$0x3FAE] =	sst s0  }
0x9: {  	[smem:$0x3FAF] =	sst s1  }
0xa: {  	[smem:$0x3FB0] =	sst s2  }
0xb: {  	[smem:$0x3FB1] =	sst s3  }
0xc: {  	[smem:$0x3FB2] =	sst s4  }
0xd: {  	[smem:$0x3FB3] =	sst s5  }
0xe: {  	[smem:$0x3FB4] =	sst s6  }
0xf: {  	[smem:$0x3FB5] =	sst s7  }
0x10: {  	[smem:$0x3FB6] =	sst s8  }
0x11: {  	[smem:$0x3FB7] =	sst s9;
	s0 =	simm.s32 @!p0 $0x0  }
0x12: {  	s1 =	sld [smem:$0x3F9D];
	s0 =	simm.s32 @p0 $0x1  }
0x13: {  	[smem:$0x3FB8] =	sst s0;
	s0 =	simm.s32 @!p1 $0x0  }
0x14: {  	s2 =	sld [smem:$0x3F9C];
	s0 =	simm.s32 @p1 $0x1  }
0x15: {  	[smem:$0x3FB9] =	sst s0;
	s0 =	simm.s32 @!p2 $0x0  }
0x16: {  	s3 =	sld [smem:$0x3FDB];
	s0 =	simm.s32 @p2 $0x1  }
0x17: {  	s4 =	simm.s32 $0x1BF5;
	[smem:$0x3FBB] =	sst s0  }
0x18: {  	s0 =	sld [smem:$0x3F9E];
	_ =	swait.ge [sflag:s4], $0x0  }
0x19: {  	s7 =	sld [smem:$0x3F9F]  }
0x1a: {  	s8 =	sadd.s32 $0xFFFFE003, lr  }
0x1b: {  	s9 =	sadd.s32 $0xFFFFFEF7, lr;
	s5 =	simm.s32 $0xFFFFFFFF;
	p2 =	slt.u32 s8, $0xFFFFF086  }
0x1c: {  	p1 =	slt.u32 s9, $0xF7A;
	s5 =	simm.s32 @!p2 $0x0  }
0x1d: {  	s5 =	simm.s32 @p1 $0x1;
	p0 =	seq.s32 s7, s2  }
0x1e: {  	s7 =	smul.u32 @!p0 $0xF7A, s2;
	p2 =	seq.s32 @!p0 s5, $0x0  }
0x1f: {  	s9 =	smul.u32 $0xF7A, s1;
	s8 =	simm.s32 @!p0 $0x1BF5;
	p2 =	por !p2, p0  }
0x20: {  	[sflag:s8] =	ssyncset.s32 @!p0 $0xFFFFF086;
	s6 =	sadd.s32 @!p0 s3, s7;
	s7 =	simm.s32 @!p0 $0x108  }
0x21: {  	s3 =	sadd.s32 s3, s9;
	s6 =	sadd.s32 @!p0 $0x88, s6;
	s7 =	simm.s32 @p2 $0x1082  }
0x22: {  	[simem:s7], [sflag:s8] =	dma.local @!p0 [hbm:s6], $0xF7A  }
0x23: {  	s9 =	sor.u32 $0xD0000000, s2;
	s6 =	simm.s32 $0x108;
	_ =	swait.ge @!p0 [sflag:s8], $0x0  }
0x24: {  	s3 =	sadd.s32 $0x88, s3;
	s6 =	simm.s32 @!p1 $0x1082;
	[sflag:s4] =	ssyncset.s32 $0xFFFFF086  }
0x25: {  	[simem:s6], [sflag:s4] =	dma.local [hbm:s3], $0xF7A  }
0x26: {  	[smem:$0x3F9F] =	sst s1;
	(tag) =	ssettag s2;
	_ =	strace s9  }
0x27: {  	s1 =	sld [smem:$0x3FAF]  }
0x28: {  	s2 =	sld [smem:$0x3FB0]  }
0x29: {  	s4 =	sld [smem:$0x3FB2]  }
0x2a: {  	p0 =	seq.s32 s5, $0x0;
	s5 =	sld [smem:$0x3FB3]  }
0x2b: {  	s6 =	sld [smem:$0x3FB4]  }
0x2c: {  	s7 =	sld [smem:$0x3FB5]  }
0x2d: {  	s3 =	simm.s32 $0x108;
	s8 =	sld [smem:$0x3FB6]  }
0x2e: {  	s3 =	simm.s32 @!p0 $0x1082;
	s9 =	sld [smem:$0x3FB7]  }
0x2f: {  	lr =	sadd.s32 s0, s3;
	s0 =	sld [smem:$0x3FAE]  }
0x30: {  	s3 =	sld [smem:$0x3FB1]  }
0x31: {  	[smem:$0x3FBA] =	sst s10  }
0x32: {  	s10 =	sld [smem:$0x3FB8];
	_ =	sdelay $0x3  }
0x33: {  	p0 =	seq.s32 s10, $0x1;
	s10 =	sld [smem:$0x3FBA];
	_ =	sdelay $0x3  }
0x34: {  	[smem:$0x3FBA] =	sst s10  }
0x35: {  	s10 =	sld [smem:$0x3FB9];
	_ =	sdelay $0x3  }
0x36: {  	p1 =	seq.s32 s10, $0x1;
	s10 =	sld [smem:$0x3FBA];
	_ =	sdelay $0x3  }
0x37: {  	[smem:$0x3FBA] =	sst s10  }
0x38: {  	s10 =	sld [smem:$0x3FBB]  }
0x39: {  	_ = 	snop;
	(pc) =	sbr.ind lr, $3  }
0x3a: {  	_ = 	snop  }
0x3b: {  	_ = 	snop  }
0x3c: {  	p2 =	seq.s32 s10, $0x1;
	s10 =	sld [smem:$0x3FBA]  }
0x3d: {  	_ =	shalt  }
0x3e: {  	_ =	shalt  }
0x3f: {  	_ =	shalt  }
0x40: {  	_ =	shalt  }
0x41: {  	_ =	shalt  }
0x42: {  	_ =	shalt  }
0x43: {  	_ =	shalt  }
0x44: {  	_ =	shalt  }
0x45: {  	_ =	shalt  }
0x46: {  	_ =	shalt  }
0x47: {  	_ =	shalt  }
0x48: {  	_ =	shalt  }
0x49: {  	_ =	shalt  }
0x4a: {  	_ =	shalt  }
0x4b: {  	_ =	shalt  }
0x4c: {  	_ =	shalt  }
0x4d: {  	_ =	shalt  }
0x4e: {  	_ =	shalt  }
0x4f: {  	_ =	shalt  }
0x50: {  	_ =	shalt  }
0x51: {  	_ =	shalt  }
0x52: {  	_ =	shalt  }
0x53: {  	_ =	shalt  }
0x54: {  	_ =	shalt  }
0x55: {  	_ =	shalt  }
0x56: {  	_ =	shalt  }
0x57: {  	_ =	shalt  }
0x58: {  	_ =	shalt  }
0x59: {  	_ =	shalt  }
0x5a: {  	_ =	shalt  }
0x5b: {  	_ =	shalt  }
0x5c: {  	_ =	shalt  }
0x5d: {  	_ =	shalt  }
0x5e: {  	_ =	shalt  }
0x5f: {  	_ =	shalt  }
0x60: {  	_ =	shalt  }
0x61: {  	_ =	shalt  }
0x62: {  	_ =	shalt  }
0x63: {  	_ =	shalt  }
0x64: {  	_ =	shalt  }
0x65: {  	_ =	shalt  }
0x66: {  	_ =	shalt  }
0x67: {  	_ =	shalt  }
0x68: {  	_ =	shalt  }
0x69: {  	_ =	shalt  }
0x6a: {  	_ =	shalt  }
0x6b: {  	_ =	shalt  }
0x6c: {  	_ =	shalt  }
0x6d: {  	_ =	shalt  }
0x6e: {  	_ =	shalt  }
0x6f: {  	_ =	shalt  }
0x70: {  	_ =	shalt  }
0x71: {  	_ =	shalt  }
0x72: {  	_ =	shalt  }
0x73: {  	_ =	shalt  }
0x74: {  	_ =	shalt  }
0x75: {  	_ =	shalt  }
0x76: {  	_ =	shalt  }
0x77: {  	_ =	shalt  }
0x78: {  	_ =	shalt  }
0x79: {  	_ =	shalt  }
0x7a: {  	_ =	shalt  }
0x7b: {  	_ =	shalt  }
0x7c: {  	_ =	shalt  }
0x7d: {  	_ =	shalt  }
0x7e: {  	_ =	shalt  }
0x7f: {  	_ =	shalt  }
0x80: {  	_ =	shalt  }
0x81: {  	_ =	shalt  }
0x82: {  	_ =	shalt  }
0x83: {  	_ =	shalt  }
0x84: {  	_ =	shalt  }
0x85: {  	_ =	shalt  }
0x86: {  	_ =	shalt  }
0x87: {  	_ =	shalt  }
.Lfunc_end0:
.L_simem_size_0:
called_computation_lowered:
.L_overlay_start_0:
0x88: {  	s2 =	sld [smem:$0x3FD9]  }
0x89: {  	s3 =	sld [smem:$0x3FFE];
	_ =	sdelay $0x1  }
0x8a: {  	s1 =	srdreg.scid  }
0x8b: {  	s0 =	sand.u32 $0x1, s1  }
0x8c: {  	s16 =	sshll.u32 s0, $0xA;
	s2 =	sadd.s32 s3, s2  }
0x8d: {  	s2 =	sadd.s32 s2, s16  }
0x8e: {  	[smem:$0x3FC6] =	sst s2  }
0x8f: {  	_ = 	snop  }
0x90: {  	(tm) =	ssettm $0x1  }
0x91: {  	s17 =	sld [smem:$0x3FFB];
	_ =	sdelay $0x3  }
0x92: {  	_ =	strace s17  }
0x93: {  	s2 =	sld [smem:$0x3FFC];
	_ =	sdelay $0x3  }
0x94: {  	_ =	strace s2  }
0x95: {  	s2 =	sld [smem:$0x3FFD];
	_ =	sdelay $0x3  }
0x96: {  	_ =	strace s2  }
0x97: {  	_ =	strace $0x8FFFFFFF  }
0x98: {  	s18 =	sld [smem:$0x3FDB];
	_ =	sdelay $0x1  }
0x99: {  	s19 =	simm.s32 $_scs_section_size  }
0x9a: {  	s4 =	simm.s32 $_size__tile_overlayer_lowered;
	s5 =	simm.s32 $_tile_overlayer_lowered  }
0x9b: {  	s22 =	simm.s32 $0x1BFF;
	s21 =	sshll.u32 s5, $0x1;
	s2 =	sadd.s32 s19, s18  }
0x9c: {  	s6 =	simm.s32 $0x0;
	s20 =	sshll.u32 s4, $0x1;
	s4 =	sadd.s32 s21, s2  }
0x9d: {  	[timem:s6], [sflag:s22] =	dma.local [hbm:s4], s20  }
0x9e: {  	_ =	swait.ge [sflag:s22], s20  }
0x9f: {  	s3 =	ssub.s32 $0x0, s20;
	[sflag:s22] =	ssyncset.done $0x0  }
0xa0: {  	[sflag:s22] =	ssyncadd.s32 s3;
	_ =	sdelay $0x1  }
0xa1: {  	s23 =	simm.s32 $0x1B8B  }
0xa2: {  	_ =	swait.ge [sflag:s23], $0x1  }
0xa3: {  	[sflag:s23] =	ssyncset.done $0x0  }
0xa4: {  	s25 =	simm.s32 $0x1B8E;
	s24 =	sld [smem:$0x3FFE];
	[sflag:s23] =	ssyncadd.s32 $0xFFFFFFFF  }
0xa5: {  	s26 =	simm.s32 $execute0_lowered;
	[smem:$0x3FD2] =	sst s25  }
0xa6: {  	s4 =	sshll.u32 s26, $0x1;
	_ =	strace $0x80000046;
	[dreg:$0x1] =	wrdreg $0xFFFFFFFF  }
0xa7: {  	s28 =	simm.s32 $_size_execute0_lowered;
	s2 =	sadd.s32 s2, s4;
	[dreg:$0x0] =	wrdreg $0x0  }
0xa8: {  	s4 =	sshll.u32 s28, $0x1;
	[dreg:$0x2] =	wrdreg s2  }
0xa9: {  	[dreg:$0x3] =	wrdreg s4  }
0xaa: {  	[dreg:$0x4] =	wrdreg $0xC0  }
0xab: {  	_ =	task [dreg:s6], $0x5FFFF  }
0xac: {  	[dreg:$0x1] =	wrdreg $0xFFFFFFFF  }
0xad: {  	[dreg:$0x0] =	wrdreg $0x60  }
0xae: {  	[dreg:$0x2] =	wrdreg s24  }
0xaf: {  	[dreg:$0x3] =	wrdreg $0x9  }
0xb0: {  	_ =	task.clear_ibuf [dreg:s6], $0x4FFFF;
	_ =	strace $0x90000046  }
0xb1: {  	s29 =	simm.s32 $0x9;
	_ =	strace $0x80000048  }
0xb2: {  	_ =	swait.ge [sflag:s29], $0x1  }
0xb3: {  	[sflag:s29] =	ssyncadd.s32 $0xFFFFFFFF  }
0xb4: {  	_ =	strace $0x90000048  }
0xb5: {  	_ =	sfence  }
0xb6: {  	s30 =	sld [smem:$0x0];
	_ =	sdelay $0x2  }
0xb7: {  	s31 =	sshll.u32 s1, $0xD;
	s1 =	sshrl.u32 s1, $0x2  }
0xb8: {  	s3 =	sand.u32 $0x4000, s31;
	s1 =	sadd.s32 s1, s30  }
0xb9: {  	s0 =	sor.u32 s3, s0;
	s1 =	sshll.u32 s1, $0x11  }
0xba: {  	s0 =	sor.u32 s1, s0  }
0xbb: {  	s0 =	sadd.s32 $0x8F2B, s0  }
0xbc: {  	[sflag:s0] =	ssyncadd.remote.s32 $0x1  }
0xbd: {  	_ =	sfence.sel $0xFFFF  }
0xbe: {  	[dreg:$0x0] =	wrdreg $0xFFFFFFFF;
	(pc) =	sbr.abs _section_cstart, $3  }
0xbf: {  	[dreg:$0x1] =	wrdreg $0xFFFFFFFF  }
0xc0: {  	_ =	task.clear_ibuf [dreg:s6], $0x2FFFF;
	_ =	strace $0x9FFFFFFF  }
0xc1: {  	(tm) =	ssettm $0x7FFFFFFF  }
tec
execute0_lowered:
.L_overlay_start_1:
0x0: {  	(tag) =	ssettag $0x1  }
0x1: {  	v0 =	vimm.s32 $0xF0E0D0C  }
0x2: {  	vm0 =	vcmask $0xF00;
	s1 =	srdreg.scid;
	s0 =	stileid.u32;
	v1 =	vimm.s32 $0xEDCBA987;
	v3 =	vimm.s32 $0x65432100  }
0x3: {  	s3 =	rddreg [dreg:$0x0];
	s2 =	simm.s32 $0x0;
	v2 =	vimm.s32 $0x0;
	v51 =	vimm.s32 $0x32;
	v52 =	vimm.s32 $0x63;
	s8 =	simm.s32 $0x200  }
0x4: {  	v14 =	vimm.f32 $-0.0e+00;
	s9 =	simm.s32 $0x280;
	s10 =	simm.s32 $0x300;
	s11 =	simm.s32 $0x380;
	v5 =	vunpack.c.l.s4.s8 v1;
	v1 =	vlaneseq.u32  }
0x5: {  	vm1 =	vcmask $0x300;
	s4 =	sand.u32 $0x1, s1;
	s5 =	sshll.u32 s0, $0x1;
	v7 =	vunpack.c.l.s4.s8 v3;
	[smem:$0x7FF] =	sst s2;
	v54 =	vadd.s32 $0xF, v1  }
0x6: {  	v0 =	vunpack.c.0.s8.s32 v0;
	s1 =	rddreg [dreg:$0x1];
	s5 =	sor.u32 s4, s5;
	_ =	strace $0x80000047;
	v55 =	vadd.s32 $0x1F, v1;
	v9 =	vunpack.c.0.s8.s32 v5;
	[tilespmem:$0x1FFD0] =	vst v54  }
0x7: {  	vm2 =	vcmask $0x704;
	s12 =	simm.s32 $0x400;
	s13 =	simm.s32 $0x1;
	v57 =	vadd.s32 $0x2F, v1;
	s6 =	smul.u32 $0x19, s5;
	v11 =	vunpack.c.0.s8.s32 v7;
	[tilespmem:$0x1FFE0] =	vst v55  }
0x8: {  	s14 =	simm.s32 $0x0;
	v15 =	vsel vm1, $0xC0000000, v14;
	s4 =	ssub.s32 $0x2, s4;
	v0 =	vnsel vm0, $0xF, v0;
	s5 =	sshll.u32 s5, $0x1;
	[tilespmem:$0x1FFF0] =	vst v57;
	v12 =	vand.u32 $0xF, v9  }
0x9: {  	v3 =	vor.u32 $0x10, v1;
	s7 =	sshrl.u32 s4, $0x1;
	s5 =	sadd.s32 s5, s3;
	[tilespmem:$0x1FFB0] =	vst v0;
	s6 =	sadd.s32 s6, s3;
	v9 =	vsel vm2, $0xBF800000, v15;
	v53 =	vcombine.low v11, v12  }
0xa: {  	v4 =	vor.u32 $0x20, v1;
	v6 =	vor.u32 $0x40, v1;
	v8 =	vor.u32 $0x60, v1;
	s7 =	ssub.s32 s4, s7;
	s5 =	sadd.s32 $0xA00, s5;
	s3 =	sadd.s32 $0x600, s6;
	[tilespmem:$0x1FFA0] =	vst v9  }
0xb: {  	vm0 =	vmmov $0xf;
	v5 =	vor.u32 $0x30, v1;
	v7 =	vor.u32 $0x50, v1;
	s4 =	sadd.s32 $0x200, s6;
	s6 =	smax.u32 s7, $0x1;
	s7 =	simm.s32 $0x100;
	[tilespmem:$0x1FFC0] =	vst v53  }
.LBB2_1:
0xc: {  	[tilespmem:s2], [sflag:$0x1] =	stream.linear.gather [hbm4b:s3+s2], $0xC8, $0x38;
	[tilespmem:$0x480] =	vst v63  }
0xd: {  	_ =	swait.ge [sflag:s13], $0xC8  }
0xe: {  	[sflag:s13] =	ssyncset.done $0x0  }
0xf: {  	[sflag:s13] =	ssyncadd.s32 $0xFFFFFF38  }
0x10: {  	[tilespmem:s7], [sflag:$0x1] =	stream.linear.gather [hbm4b:s4+s2], $0xC8, $0x38;
	[tilespmem:$0x480] =	vst v63  }
0x11: {  	_ =	swait.ge [sflag:s13], $0xC8  }
0x12: {  	[sflag:s13] =	ssyncset.done $0x0  }
0x13: {  	[sflag:s13] =	ssyncadd.s32 $0xFFFFFF38  }
0x14: {  	v17 =	vld [tilespmem:$0x0]  }
0x15: {  	v18 =	vld [tilespmem:$0x54]  }
0x16: {  	v19 =	vld [tilespmem:$0x10]  }
0x17: {  	v21 =	vld [tilespmem:$0x154]  }
0x18: {  	v22 =	vld [tilespmem:$0x30];
	_ =	sdelay $0x1  }
0x19: {  	v20 =	vld [tilespmem:$0x20];
	_ =	sdelay $0x1  }
0x1a: {  	vm2 =	veq.s32 v17, $0x80000000;
	v18 =	vperm.xlane v18, v0;
	v29 =	vperm.xlane v21, v0  }
0x1b: {  	v24 =	vld [tilespmem:$0x40];
	vm3 =	veq.s32 v22, $0x80000000;
	v17 =	vsel vm2, $0x0, v17;
	vm2 =	veq.s32 v19, $0x80000000  }
0x1c: {  	v22 =	vsel vm3, $0x0, v22;
	v23 =	vshra.s32 v17, $0x1F;
	v18 =	vnsel vm0, $0xFF61B1E6, v18  }
0x1d: {  	v19 =	vsel vm2, $0x0, v19;
	vm2 =	veq.s32 v20, $0x80000000;
	v25 =	vshra.s32 v22, $0x1F  }
0x1e: {  	v23 =	vand.u32 $0x7FFFFFFF, v23;
	v21 =	vshra.s32 v19, $0x1F;
	v20 =	vsel vm2, $0x0, v20  }
0x1f: {  	v30 =	vxor.u32 v17, v23;
	v17 =	vld [tilespmem:$0x50];
	v21 =	vand.u32 $0x7FFFFFFF, v21;
	v23 =	vshra.s32 v20, $0x1F  }
0x20: {  	vm2 =	veq.s32 v24, $0x80000000;
	v31 =	vxor.u32 v19, v21;
	v19 =	vand.u32 $0x7FFFFFFF, v23  }
0x21: {  	vm3 =	veq.s32 v18, $0x80000000;
	v32 =	vxor.u32 v20, v19;
	v19 =	vsel vm2, $0x0, v24  }
0x22: {  	v18 =	vsel vm3, $0x0, v18;
	v21 =	vand.u32 $0x7FFFFFFF, v25;
	v20 =	vshra.s32 v19, $0x1F  }
0x23: {  	v33 =	vxor.u32 v22, v21;
	v22 =	vshra.s32 v18, $0x1F;
	v20 =	vand.u32 $0x7FFFFFFF, v20  }
0x24: {  	s15 =	simm.s32 $0x0;
	vm2 =	veq.s32 v17, $0x80000000;
	v34 =	vxor.u32 v19, v20;
	v20 =	vand.u32 $0x7FFFFFFF, v22  }
0x25: {  	[tilespmem:$0x200] =	vst v30;
	v17 =	vsel vm2, $0x0, v17;
	v36 =	vxor.u32 v18, v20;
	v18 =	vmov s15  }
0x26: {  	[tilespmem:$0x210] =	vst v31;
	v21 =	vshra.s32 v17, $0x1F;
	vm4 =	vlt.u32 v18, v4;
	vm5 =	vlt.u32 v18, v5  }
0x27: {  	[tilespmem:$0x220] =	vst v32;
	vm6 =	vlt.u32 v18, v3;
	vm12 =	vlt.u32 v18, v1;
	vm8 =	vlt.u32 v18, v6  }
0x28: {  	[tilespmem:$0x230] =	vst v33;
	vm15 =	vlt.u32 v18, v7;
	v19 =	vand.u32 $0x7FFFFFFF, v21;
	v20 =	vsel vm4, $0xFFFFFFFF, v2  }
0x29: {  	[tilespmem:$0x240] =	vst v34;
	v21 =	vsel vm12, $0xFFFFFFFF, v2;
	v23 =	vsel vm8, $0xFFFFFFFF, v2;
	v24 =	vsel vm6, $0xFFFFFFFF, v2  }
0x2a: {  	[tilespmem:$0x260] =	vst v36;
	v35 =	vxor.u32 v17, v19;
	v17 =	vmov s13;
	v24 =	vadd.s32 v24, v31  }
0x2b: {  	v23 =	vadd.s32 v23, v34;
	v20 =	vadd.s32 v20, v32;
	vm3 =	vlt.u32 v17, v3;
	[tilespmem:$0x250] =	vst v35  }
0x2c: {  	vm2 =	vlt.u32 v17, v6;
	vm7 =	vlt.u32 v17, v1;
	vm13 =	vlt.u32 v17, v4;
	v37 =	vld.idx.msk [tilespmem:v18+s8+$0x0], $0xffff  }
0x2d: {  	vm14 =	vlt.u32 v17, v8;
	v19 =	vsel vm2, $0xFFFFFFFF, v2;
	vm2 =	vlt.u32 v17, v7  }
0x2e: {  	v22 =	vsel vm7, $0xFFFFFFFF, v2;
	v25 =	vsel vm3, $0xFFFFFFFF, v2;
	vm3 =	vlt.u32 v17, v5  }
0x2f: {  	v26 =	vsel vm3, $0xFFFFFFFF, v2;
	vm3 =	vlt.u32 v18, v8;
	v25 =	vadd.s32 v25, v31;
	v28 =	vld.idx.msk [tilespmem:v17+s8+$0x0], $0xffff  }
0x30: {  	v19 =	vadd.s32 v19, v34;
	v18 =	vsel vm15, $0xFFFFFFFF, v2;
	v38 =	vadd.s32 v26, v33  }
0x31: {  	v26 =	vsel vm13, $0xFFFFFFFF, v2;
	v18 =	vadd.s32 v18, v35;
	vm11 =	vgt.s32 v37, v23  }
0x32: {  	v17 =	vsel vm5, $0xFFFFFFFF, v2;
	vm12 =	vgt.s32 v37, v20;
	v20 =	vsel vm11, $0x1, v2  }
0x33: {  	v39 =	vadd.s32 v17, v33;
	v17 =	vadd.s32 v26, v32;
	v20 =	vadd.s32 v20, v2  }
0x34: {  	vm10 =	vgt.s32 v28, v19;
	v19 =	vadd.s32 v21, v30;
	v21 =	vsel vm14, $0xFFFFFFFF, v2  }
0x35: {  	vm9 =	vgt.s32 v28, v25;
	vm13 =	vgt.s32 v28, v17;
	v23 =	vadd.s32 v21, v36  }
0x36: {  	v21 =	vadd.s32 v22, v30;
	v22 =	vsel vm2, $0xFFFFFFFF, v2;
	vm2 =	vgt.s32 v37, v24  }
0x37: {  	v25 =	vsel vm9, $0x1, v2;
	v24 =	vsel vm12, $0x1, v2;
	v26 =	vsel vm10, $0x1, v2  }
0x38: {  	v27 =	vsel vm13, $0x1, v2;
	v17 =	vsel vm2, $0x1, v2;
	vm2 =	vgt.s32 v37, v18  }
0x39: {  	vm14 =	vgt.s32 v28, v21;
	v18 =	vadd.s32 v24, v2;
	v21 =	vadd.s32 v26, v20  }
0x3a: {  	v20 =	vadd.s32 v22, v35;
	v17 =	vadd.s32 v17, v2;
	v22 =	vsel vm2, $0x1, v2  }
0x3b: {  	vm2 =	vgt.s32 v37, v19;
	vm15 =	vgt.s32 v28, v20;
	v19 =	vsel vm3, $0xFFFFFFFF, v2  }
0x3c: {  	v40 =	vsel vm14, $0x1, v2;
	v27 =	vadd.s32 v27, v18;
	v20 =	vsel vm15, $0x1, v2  }
0x3d: {  	v9 =	vld [tilespmem:$0x150];
	v19 =	vadd.s32 v19, v36;
	v26 =	vadd.s32 v25, v17;
	v17 =	vadd.s32 v22, v2  }
0x3e: {  	v24 =	vld [tilespmem:$0x100];
	v41 =	vsel vm2, $0x1, v2;
	vm2 =	vgt.s32 v37, v39;
	vm3 =	vgt.s32 v37, v19  }
0x3f: {  	v25 =	vld [tilespmem:$0x110];
	v17 =	vadd.s32 v20, v17;
	v63 =	vadd.s32 v41, v2;
	v39 =	vsel vm2, $0x1, v2  }
0x40: {  	v22 =	vld [tilespmem:$0x130];
	vm2 =	vgt.s32 v28, v38;
	v19 =	vsel vm3, $0x1, v2;
	vm3 =	vgt.s32 v28, v23  }
0x41: {  	v20 =	vld [tilespmem:$0x140];
	v28 =	vadd.s32 v40, v63;
	v18 =	vadd.s32 v19, v2;
	v19 =	vsel vm3, $0x1, v2  }
0x42: {  	s15 =	simm.s32 $0x3;
	v23 =	vld [tilespmem:$0x120];
	v37 =	vadd.s32 v39, v2;
	v38 =	vsel vm2, $0x1, v2;
	v18 =	vadd.s32 v19, v18  }
.LBB2_2:
0x43: {  	s16 =	sadd.s32 $0xFFFFFFFF, s15;
	v39 =	vmov s15;
	p0 =	sne.s32 s15, $0x63;
	s15 =	sadd.s32 $0x2, s15;
	v37 =	vadd.s32 v38, v37  }
0x44: {  	v38 =	vmov s16;
	vm2 =	vlt.u32 v39, v3;
	vm3 =	vlt.u32 v39, v6  }
0x45: {  	vm4 =	vlt.u32 v38, v4;
	vm5 =	vlt.u32 v38, v5;
	v40 =	vsel vm3, $0xFFFFFFFF, v2  }
0x46: {  	vm6 =	vlt.u32 v38, v3;
	vm3 =	vlt.u32 v39, v7;
	v41 =	vsel vm4, $0xFFFFFFFF, v2  }
0x47: {  	vm7 =	vlt.u32 v39, v1;
	vm8 =	vlt.u32 v38, v6;
	vm4 =	vlt.u32 v38, v1  }
0x48: {  	v44 =	vsel vm7, $0xFFFFFFFF, v2;
	v45 =	vsel vm8, $0xFFFFFFFF, v2;
	v43 =	vsel vm4, $0xFFFFFFFF, v2;
	v42 =	vld.idx.msk [tilespmem:v39+s8+$0x0], $0xffff  }
0x49: {  	v48 =	vsel vm2, $0xFFFFFFFF, v2;
	vm2 =	vlt.u32 v39, v5;
	v47 =	vsel vm6, $0xFFFFFFFF, v2;
	v46 =	vld.idx.msk [tilespmem:v38+s8+$0x0], $0xffff  }
0x4a: {  	v49 =	vsel vm2, $0xFFFFFFFF, v2;
	vm6 =	vlt.u32 v39, v8;
	vm4 =	vlt.u32 v39, v4  }
0x4b: {  	vm2 =	vlt.u32 v38, v8;
	v49 =	vadd.s32 v49, v33;
	v39 =	vsel vm5, $0xFFFFFFFF, v2  }
0x4c: {  	v48 =	vadd.s32 v48, v31;
	v47 =	vadd.s32 v47, v31;
	v50 =	vsel vm4, $0xFFFFFFFF, v2  }
0x4d: {  	v40 =	vadd.s32 v40, v34;
	v45 =	vadd.s32 v45, v34;
	vm4 =	vlt.u32 v38, v7  }
0x4e: {  	v38 =	vsel vm4, $0xFFFFFFFF, v2;
	vm5 =	vgt.s32 v42, v48;
	vm7 =	vgt.s32 v42, v40  }
0x4f: {  	v41 =	vadd.s32 v41, v32;
	v39 =	vadd.s32 v39, v33;
	v40 =	vadd.s32 v43, v30  }
0x50: {  	v43 =	vadd.s32 v50, v32;
	vm4 =	vgt.s32 v46, v45;
	v45 =	vsel vm6, $0xFFFFFFFF, v2  }
0x51: {  	vm6 =	vgt.s32 v46, v41;
	v41 =	vsel vm4, $0x1, v2;
	v45 =	vadd.s32 v45, v36  }
0x52: {  	v44 =	vadd.s32 v44, v30;
	v21 =	vadd.s32 v41, v21;
	v41 =	vsel vm3, $0xFFFFFFFF, v2  }
0x53: {  	vm4 =	vgt.s32 v42, v43;
	vm3 =	vgt.s32 v46, v47;
	v47 =	vsel vm5, $0x1, v2  }
0x54: {  	v38 =	vadd.s32 v38, v35;
	v48 =	vsel vm6, $0x1, v2;
	v43 =	vsel vm3, $0x1, v2  }
0x55: {  	vm3 =	vgt.s32 v46, v38;
	v26 =	vadd.s32 v43, v26;
	v43 =	vsel vm7, $0x1, v2  }
0x56: {  	vm5 =	vgt.s32 v42, v44;
	v27 =	vadd.s32 v48, v27;
	v38 =	vsel vm4, $0x1, v2  }
0x57: {  	v41 =	vadd.s32 v41, v35;
	v21 =	vadd.s32 v43, v21;
	v43 =	vsel vm3, $0x1, v2  }
0x58: {  	vm4 =	vgt.s32 v42, v41;
	vm3 =	vgt.s32 v46, v40;
	v40 =	vsel vm2, $0xFFFFFFFF, v2  }
0x59: {  	v41 =	vsel vm5, $0x1, v2;
	v44 =	vsel vm4, $0x1, v2;
	v40 =	vadd.s32 v40, v36  }
0x5a: {  	v26 =	vadd.s32 v47, v26;
	v17 =	vadd.s32 v43, v17;
	vm2 =	vgt.s32 v46, v40  }
.Ltmp0:
0x5b: {  	v17 =	vadd.s32 v44, v17;
	v40 =	vsel vm2, $0x1, v2;
	vm2 =	vgt.s32 v42, v45;
	(pc) =	sbr.rel @p0 .LBB2_2-.Ltmp0, $4  }
0x5c: {  	v27 =	vadd.s32 v38, v27;
	v18 =	vadd.s32 v40, v18;
	v38 =	vsel vm2, $0x1, v2  }
0x5d: {  	v40 =	vsel vm3, $0x1, v2;
	vm2 =	vgt.s32 v46, v39;
	v18 =	vadd.s32 v38, v18  }
0x5e: {  	v28 =	vadd.s32 v40, v28;
	v38 =	vsel vm2, $0x1, v2;
	vm2 =	vgt.s32 v42, v49  }
0x5f: {  	v28 =	vadd.s32 v41, v28;
	v37 =	vadd.s32 v38, v37;
	v38 =	vsel vm2, $0x1, v2  }
0x60: {  	_ =	sdelay $0x1  }
0x61: {  	v10 =	vadd.s32 v38, v37;
	_ =	sdelay $0x1  }
0x62: {  	[tilespmem:v28+s9+$0x0] =	vst.idx.msk $0xffff, v24  }
0x63: {  	[tilespmem:v26+s9+$0x0] =	vst.idx.msk $0xffff, v25  }
0x64: {  	[tilespmem:v27+s9+$0x0] =	vst.idx.msk $0xffff, v23  }
0x65: {  	[tilespmem:v10+s9+$0x0] =	vst.idx.msk $0xffff, v22  }
0x66: {  	[tilespmem:v21+s9+$0x0] =	vst.idx.msk $0xffff, v20  }
0x67: {  	v35 =	vnsel vm0, $0x0, v29;
	[tilespmem:v17+s9+$0x0] =	vst.idx.msk $0xffff, v9  }
0x68: {  	[tilespmem:v18+s9+$0x0] =	vst.idx.msk $0xffff, v35  }
0x69: {  	v29 =	vld [tilespmem:$0x280];
	_ =	sdelay $0x1  }
0x6a: {  	v30 =	vld [tilespmem:$0x290];
	_ =	sdelay $0x1  }
0x6b: {  	v31 =	vld [tilespmem:$0x2A0]  }
0x6c: {  	v32 =	vmul.f32 $1.442695020e+00, v29;
	v29 =	vsub.f32 $0.0e+00, v29  }
0x6d: {  	v33 =	vld [tilespmem:$0x2B0]  }
0x6e: {  	v60 =	vsub.f32 $0.0e+00, v30;
	v29 =	vmul.f32 $1.442695020e+00, v29  }
0x6f: {  	v34 =	vld [tilespmem:$0x2C0];
	v30 =	vmul.f32 $1.442695020e+00, v30;
	(erf) = vpow2.f32 v32  }
0x70: {  	v61 =	vsub.f32 $0.0e+00, v31;
	(erf) = vpow2.f32 v29;
	v29 =	vmul.f32 $1.442695020e+00, v60  }
0x71: {  	(erf) = vpow2.f32 v30;
	v30 =	vmul.f32 $1.442695020e+00, v31  }
0x72: {  	v31 =	vsub.f32 $0.0e+00, v33;
	(erf) = vpow2.f32 v29;
	v29 =	vmul.f32 $1.442695020e+00, v61  }
0x73: {  	v62 =	vld [tilespmem:$0x2D0];
	(erf) = vpow2.f32 v30;
	v30 =	vmul.f32 $1.442695020e+00, v33  }
0x74: {  	(erf) = vpow2.f32 v29;
	v29 =	vmul.f32 $1.442695020e+00, v31;
	v31 =	vsub.f32 $0.0e+00, v34;
	_ =	sdelay $0x1  }
0x75: {  	(erf) = vpow2.f32 v30;
	v30 =	vmul.f32 $1.442695020e+00, v34  }
0x76: {  	(erf) = vpow2.f32 v29;
	v29 =	vmul.f32 $1.442695020e+00, v31  }
0x77: {  	v31 =	vpop (erf);
	(erf) = vpow2.f32 v30;
	v30 =	vsub.f32 $0.0e+00, v62  }
0x78: {  	(erf) = vpow2.f32 v29;
	v29 =	vmul.f32 $1.442695020e+00, v62  }
0x79: {  	(xrf2) =	vadd.scan.msk.f32 $0xffff, v31;
	v30 =	vmul.f32 $1.442695020e+00, v30  }
0x7a: {  	v31 =	vpop (erf)  }
0x7b: {  	v63 =	vpop (erf);
	(xrf2) =	vadd.scan.msk.f32 $0xffff, v31;
	(erf) = vpow2.f32 v29  }
0x7c: {  	v29 =	vpop (erf)  }
0x7d: {  	(xrf2) =	vadd.scan.msk.f32 $0xffff, v63;
	(erf) = vpow2.f32 v30;
	v30 =	vpop (erf)  }
0x7e: {  	(xrf2) =	vadd.scan.msk.f32 $0xffff, v29;
	v31 =	vpop (erf)  }
0x7f: {  	(xrf2) =	vadd.scan.msk.f32 $0xffff, v30;
	v29 =	vpop (erf)  }
0x80: {  	(xrf2) =	vadd.scan.msk.f32 $0xffff, v31;
	v30 =	vpop (erf)  }
0x81: {  	(xrf2) =	vadd.scan.msk.f32 $0xffff, v29;
	v31 =	vpop (erf)  }
0x82: {  	(xrf2) =	vadd.scan.msk.f32 $0xffff, v30;
	v29 =	vpop (erf)  }
0x83: {  	v30, _, _ =	vpop (xrf2);
	(xrf2) =	vadd.scan.msk.f32 $0xffff, v31  }
0x84: {  	(xrf2) =	vadd.scan.msk.f32 $0xffff, v29;
	v29 =	vpop (erf)  }
0x85: {  	v12, _, _ =	vpop (xrf2)  }
0x86: {  	(v2sf) =	vpush v30, $0xF;
	v31 =	vpop (erf);
	(xrf2) =	vadd.scan.msk.f32 $0xffff, v29;
	v29 =	vld [tilespmem:$0x2E0]  }
0x87: {  	(v2sf) =	vpush v12, $0xF;
	(xrf2) =	vadd.scan.msk.f32 $0xffff, v31;
	v31, _, _ =	vpop (xrf2)  }
0x88: {  	(v2sf) =	vpush v31, $0xF;
	v13, _, _ =	vpop (xrf2)  }
0x89: {  	v14, _, _ =	vpop (xrf2);
	(v2sf) =	vpush v13, $0xF  }
0x8a: {  	v36, _, _ =	vpop (xrf2);
	(v2sf) =	vpush v14, $0xF  }
0x8b: {  	v47 =	vsub.f32 $0.0e+00, v29;
	v29 =	vmul.f32 $1.442695020e+00, v29;
	v48, _, _ =	vpop (xrf2);
	(v2sf) =	vpush v36, $0xF  }
0x8c: {  	(v2sf) =	vpush v48, $0xF  }
0x8d: {  	v39, _, _ =	vpop (xrf2)  }
0x8e: {  	v37 =	vmul.f32 $1.442695020e+00, v47;
	(erf) = vpow2.f32 v29;
	v41, _, _ =	vpop (xrf2);
	(v2sf) =	vpush v39, $0xF  }
0x8f: {  	v29, _, _ =	vpop (xrf2);
	(v2sf) =	vpush v41, $0xF  }
0x90: {  	(erf) = vpow2.f32 v37;
	(v2sf) =	vpush v29, $0xF;
	v49, _, _ =	vpop (xrf2)  }
0x91: {  	(v2sf) =	vpush v49, $0xF  }
0x92: {  	v42, _, _ =	vpop (xrf2)  }
0x93: {  	(v2sf) =	vpush v42, $0xF;
	_ =	sdelay $0x1  }
0x94: {  	s15 =	spop (v2sf)  }
0x95: {  	s16 =	spop (v2sf);
	s15 =	sadd.f32 $0.0e+00, s15  }
0x96: {  	v30 =	vadd.f32 $0.0e+00, v30;
	v43 =	vpop (erf);
	s16 =	sadd.f32 $0.0e+00, s16;
	s17 =	spop (v2sf)  }
0x97: {  	(xrf2) =	vadd.scan.msk.f32 $0xffff, v43;
	v31 =	vadd.f32 s15, v31;
	s15 =	sadd.f32 s17, s15;
	s20 =	spop (v2sf)  }
0x98: {  	[tilespmem:$0x300] =	vst v30;
	v44 =	vpop (erf);
	v30 =	vadd.f32 s16, v13;
	s16 =	sadd.f32 s20, s16;
	s21 =	spop (v2sf)  }
0x99: {  	(xrf2) =	vadd.scan.msk.f32 $0xffff, v44;
	v50 =	vadd.f32 s15, v14;
	s15 =	sadd.f32 s21, s15;
	s22 =	spop (v2sf)  }
0x9a: {  	[tilespmem:$0x310] =	vst v31;
	v31 =	vadd.f32 s16, v36;
	s16 =	sadd.f32 s22, s16;
	s23 =	spop (v2sf)  }
0x9b: {  	[tilespmem:$0x390] =	vst v30;
	v30 =	vadd.f32 s15, v48;
	s15 =	sadd.f32 s23, s15  }
0x9c: {  	s24 =	spop (v2sf)  }
0x9d: {  	v56 =	vadd.f32 s16, v39;
	s16 =	sadd.f32 s24, s16;
	s25 =	spop (v2sf);
	[tilespmem:$0x3A0] =	vst v31;
	v31 =	vadd.f32 s15, v41  }
0x9e: {  	s15 =	sadd.f32 s25, s15;
	s26 =	spop (v2sf)  }
0x9f: {  	[tilespmem:$0x330] =	vst v30;
	v29 =	vadd.f32 s16, v29;
	s16 =	sadd.f32 s26, s16;
	s28 =	spop (v2sf)  }
0xa0: {  	[tilespmem:$0x340] =	vst v31;
	v30 =	vadd.f32 s15, v49;
	s15 =	sadd.f32 s28, s15  }
0xa1: {  	s29 =	spop (v2sf);
	[tilespmem:$0x3C0] =	vst v29;
	v29 =	vadd.f32 s16, v42;
	v31, _, _ =	vpop (xrf2)  }
0xa2: {  	s16 =	sadd.f32 s29, s16;
	[tilespmem:$0x350] =	vst v30;
	v30 =	vadd.f32 s15, v31  }
0xa3: {  	v31, _, _ =	vpop (xrf2);
	[tilespmem:$0x3D0] =	vst v29  }
0xa4: {  	v29 =	vadd.f32 s16, v31;
	[tilespmem:$0x360] =	vst v30;
	v30 =	vld [tilespmem:$0x64];
	_ =	sdelay $0x1  }
0xa5: {  	[tilespmem:$0x3E0] =	vst v29;
	v29 =	vld [tilespmem:$0xB8]  }
0xa6: {  	v58 =	vld [tilespmem:$0x84]  }
0xa7: {  	v31 =	vld [tilespmem:$0x74]  }
0xa8: {  	v59 =	vld [tilespmem:$0x94];
	v32 =	vadd.f32 $0.0e+00, v12;
	vm2 =	veq.s32 v30, $0x80000000  }
0xa9: {  	v14 =	vld [tilespmem:$0xB4];
	v30 =	vsel vm2, $0x0, v30  }
0xaa: {  	[tilespmem:$0x380] =	vst v32;
	v13 =	vld [tilespmem:$0xA4];
	v29 =	vperm.xlane v29, v0;
	v12 =	vshra.s32 v30, $0x1F  }
0xab: {  	vm3 =	veq.s32 v58, $0x80000000;
	v61 =	vimm.s32 $0x0;
	[tilespmem:$0x320] =	vst v50;
	v34 =	vand.u32 $0x7FFFFFFF, v12  }
0xac: {  	[tilespmem:$0x3B0] =	vst v56;
	vm2 =	veq.s32 v31, $0x80000000;
	v29 =	vnsel vm0, $0xFF61B1E6, v29;
	v48 =	vxor.u32 v30, v34  }
0xad: {  	v43 =	vld.idx.msk [tilespmem:v51+s10+$0x0], $0xffff;
	v30 =	vsel vm2, $0x0, v31;
	v31 =	vsel vm3, $0x0, v58;
	vm2 =	veq.s32 v59, $0x80000000  }
0xae: {  	v44 =	vld.idx.msk [tilespmem:v52+s11+$0x0], $0xffff;
	vm3 =	veq.s32 v14, $0x80000000;
	v40 =	vshra.s32 v30, $0x1F;
	v41 =	vshra.s32 v31, $0x1F  }
0xaf: {  	v45 =	vld.idx.msk [tilespmem:v53+s10+$0x0], $0xffff;
	v33 =	vsel vm2, $0x0, v59;
	vm2 =	veq.s32 v13, $0x80000000;
	v32 =	vand.u32 $0x7FFFFFFF, v40  }
0xb0: {  	v47 =	vld.idx.msk [tilespmem:v54+s10+$0x0], $0xffff;
	v34 =	vand.u32 $0x7FFFFFFF, v41;
	v42 =	vshra.s32 v33, $0x1F;
	v54 =	vxor.u32 v30, v32  }
0xb1: {  	v49 =	vld.idx.msk [tilespmem:v55+s10+$0x0], $0xffff;
	v55 =	vxor.u32 v31, v34;
	v30 =	vand.u32 $0x7FFFFFFF, v42;
	v31 =	vsel vm3, $0x0, v14  }
0xb2: {  	v46 =	vld.idx.msk [tilespmem:v5+s11+$0x0], $0xffff;
	v56 =	vxor.u32 v33, v30;
	v30 =	vsel vm2, $0x0, v13;
	vm2 =	veq.s32 v29, $0x80000000  }
0xb3: {  	v50 =	vld.idx.msk [tilespmem:v6+s11+$0x0], $0xffff;
	v59 =	vshra.s32 v31, $0x1F;
	v58 =	vshra.s32 v30, $0x1F;
	v29 =	vsel vm2, $0x0, v29  }
0xb4: {  	v51 =	vld.idx.msk [tilespmem:v7+s11+$0x0], $0xffff;
	v33 =	vand.u32 $0x7FFFFFFF, v59;
	v32 =	vand.u32 $0x7FFFFFFF, v58;
	v60 =	vshra.s32 v29, $0x1F  }
0xb5: {  	s30 =	simm.s32 $0x1;
	s31 =	simm.s32 $0x0;
	v52 =	vld.idx.msk [tilespmem:v57+s10+$0x0], $0xffff;
	v58 =	vxor.u32 v31, v33;
	v57 =	vxor.u32 v30, v32;
	v30 =	vand.u32 $0x7FFFFFFF, v60  }
0xb6: {  	v53 =	vld.idx.msk [tilespmem:v8+s11+$0x0], $0xffff;
	v60 =	vxor.u32 v29, v30;
	v29 =	vmov s30;
	v30 =	vmov s31  }
0xb7: {  	[tilespmem:$0x200] =	vst v48;
	vm3 =	vlt.u32 v29, v3;
	vm2 =	vlt.u32 v29, v6;
	vm4 =	vlt.u32 v30, v4  }
0xb8: {  	[tilespmem:$0x210] =	vst v54;
	vm5 =	vlt.u32 v30, v5;
	vm6 =	vlt.u32 v30, v3;
	vm15 =	vlt.u32 v30, v1  }
0xb9: {  	[tilespmem:$0x220] =	vst v55;
	vm7 =	vlt.u32 v29, v1;
	vm8 =	vlt.u32 v30, v6;
	vm12 =	vlt.u32 v29, v4  }
0xba: {  	[tilespmem:$0x230] =	vst v56;
	vm13 =	vlt.u32 v29, v8;
	vm14 =	vlt.u32 v30, v7;
	v31 =	vsel vm2, $0xFFFFFFFF, v2  }
0xbb: {  	[tilespmem:$0x250] =	vst v58;
	v32 =	vsel vm4, $0xFFFFFFFF, v2;
	vm2 =	vlt.u32 v29, v7;
	v33 =	vsel vm15, $0xFFFFFFFF, v2  }
0xbc: {  	[tilespmem:$0x240] =	vst v57;
	v36 =	vsel vm7, $0xFFFFFFFF, v2;
	v62 =	vsel vm8, $0xFFFFFFFF, v2;
	v63 =	vsel vm6, $0xFFFFFFFF, v2  }
0xbd: {  	[tilespmem:$0x260] =	vst v60;
	v12 =	vsel vm3, $0xFFFFFFFF, v2;
	vm3 =	vlt.u32 v29, v5;
	v14 =	vsel vm12, $0xFFFFFFFF, v2  }
0xbe: {  	v40 =	vsel vm13, $0xFFFFFFFF, v2;
	v13 =	vsel vm3, $0xFFFFFFFF, v2;
	vm3 =	vlt.u32 v30, v8;
	v34 =	vld.idx.msk [tilespmem:v29+s8+$0x0], $0xffff  }
0xbf: {  	v38 =	vadd.s32 v63, v54;
	v39 =	vadd.s32 v12, v54;
	v37 =	vadd.s32 v62, v57;
	v42 =	vld.idx.msk [tilespmem:v30+s8+$0x0], $0xffff  }
0xc0: {  	v31 =	vadd.s32 v31, v57;
	v32 =	vadd.s32 v32, v55;
	v63 =	vadd.s32 v36, v48  }
0xc1: {  	v12 =	vsel vm2, $0xFFFFFFFF, v2;
	v59 =	vadd.s32 v13, v56;
	v29 =	vsel vm5, $0xFFFFFFFF, v2  }
0xc2: {  	v30 =	vsel vm14, $0xFFFFFFFF, v2;
	v62 =	vadd.s32 v29, v56;
	v29 =	vadd.s32 v14, v55  }
0xc3: {  	v30 =	vadd.s32 v30, v58;
	vm15 =	vgt.s32 v34, v39;
	vm9 =	vgt.s32 v34, v31  }
0xc4: {  	v31 =	vadd.s32 v33, v48;
	vm10 =	vgt.s32 v42, v37;
	vm11 =	vgt.s32 v42, v32  }
0xc5: {  	[tilespmem:$0x1FF90] =	vst v9;
	v9 =	vld [tilespmem:$0x1B8];
	v37 =	vadd.s32 v40, v60;
	vm2 =	vgt.s32 v42, v38;
	vm12 =	vgt.s32 v34, v29  }
0xc6: {  	vm13 =	vgt.s32 v34, v63;
	v40 =	vadd.s32 v12, v58;
	v41 =	vsel vm10, $0x1, v2  }
0xc7: {  	v38 =	vsel vm15, $0x1, v2;
	v29 =	vsel vm2, $0x1, v2;
	v13 =	vsel vm11, $0x1, v2  }
0xc8: {  	v14 =	vsel vm9, $0x1, v2;
	vm2 =	vgt.s32 v42, v30;
	v63 =	vsel vm12, $0x1, v2  }
0xc9: {  	vm14 =	vgt.s32 v42, v31;
	v31 =	vsel vm3, $0xFFFFFFFF, v2;
	vm3 =	vgt.s32 v34, v37  }
0xca: {  	vm15 =	vgt.s32 v34, v59;
	v59 =	vperm.xlane v9, v0;
	v32 =	vadd.s32 v41, v61  }
0xcb: {  	v29 =	vadd.s32 v29, v61;
	v30 =	vadd.s32 v13, v61;
	v12 =	vsel vm2, $0x1, v2  }
0xcc: {  	vm2 =	vgt.s32 v34, v40;
	v31 =	vadd.s32 v31, v60;
	v32 =	vadd.s32 v14, v32  }
0xcd: {  	v36 =	vld [tilespmem:$0x174];
	v13 =	vsel vm2, $0x1, v2;
	v39 =	vadd.s32 v38, v29;
	v29 =	vadd.s32 v12, v61  }
0xce: {  	v33 =	vld [tilespmem:$0x164];
	vm2 =	vgt.s32 v42, v31;
	v31 =	vsel vm13, $0x1, v2;
	v41 =	vadd.s32 v63, v30  }
0xcf: {  	v37 =	vld [tilespmem:$0x184];
	v63 =	vsel vm3, $0x1, v2;
	v29 =	vadd.s32 v13, v29;
	v14 =	vsel vm2, $0x1, v2  }
0xd0: {  	v34 =	vld [tilespmem:$0x1A4];
	vm2 =	vgt.s32 v42, v62;
	v62 =	vsel vm14, $0x1, v2;
	v30 =	vadd.s32 v14, v61  }
0xd1: {  	v38 =	vld [tilespmem:$0x194];
	v42 =	vadd.s32 v62, v61;
	v62 =	vsel vm2, $0x1, v2;
	v30 =	vadd.s32 v63, v30  }
0xd2: {  	[tilespmem:$0x1FF80] =	vst v10;
	s15 =	simm.s32 $0x3;
	v42 =	vadd.s32 v31, v42;
	v31 =	vld [tilespmem:$0x1B4];
	v61 =	vadd.s32 v62, v61;
	v62 =	vsel vm15, $0x1, v2  }
.LBB2_4:
0xd3: {  	s16 =	sadd.s32 $0xFFFFFFFF, s15;
	v9 =	vmov s15;
	p0 =	sne.s32 s15, $0x63;
	s15 =	sadd.s32 $0x2, s15;
	v61 =	vadd.s32 v62, v61  }
0xd4: {  	v62 =	vmov s16;
	vm2 =	vlt.u32 v9, v3;
	vm3 =	vlt.u32 v9, v6  }
0xd5: {  	vm4 =	vlt.u32 v62, v4;
	vm5 =	vlt.u32 v62, v5;
	v63 =	vsel vm3, $0xFFFFFFFF, v2  }
0xd6: {  	vm6 =	vlt.u32 v62, v3;
	vm3 =	vlt.u32 v9, v7;
	v10 =	vsel vm4, $0xFFFFFFFF, v2  }
0xd7: {  	vm7 =	vlt.u32 v9, v1;
	vm8 =	vlt.u32 v62, v6;
	vm4 =	vlt.u32 v62, v1  }
0xd8: {  	v13 =	vsel vm7, $0xFFFFFFFF, v2;
	v14 =	vsel vm8, $0xFFFFFFFF, v2;
	v12 =	vsel vm4, $0xFFFFFFFF, v2;
	v11 =	vld.idx.msk [tilespmem:v9+s8+$0x0], $0xffff  }
0xd9: {  	v16 =	vsel vm2, $0xFFFFFFFF, v2;
	vm2 =	vlt.u32 v9, v5;
	v0 =	vsel vm6, $0xFFFFFFFF, v2;
	v15 =	vld.idx.msk [tilespmem:v62+s8+$0x0], $0xffff  }
0xda: {  	v40 =	vsel vm2, $0xFFFFFFFF, v2;
	vm6 =	vlt.u32 v9, v8;
	vm4 =	vlt.u32 v9, v4  }
0xdb: {  	vm2 =	vlt.u32 v62, v8;
	v40 =	vadd.s32 v40, v56;
	v9 =	vsel vm5, $0xFFFFFFFF, v2  }
0xdc: {  	v16 =	vadd.s32 v16, v54;
	v0 =	vadd.s32 v0, v54;
	v19 =	vsel vm4, $0xFFFFFFFF, v2  }
0xdd: {  	v63 =	vadd.s32 v63, v57;
	v14 =	vadd.s32 v14, v57;
	vm4 =	vlt.u32 v62, v7  }
0xde: {  	vm5 =	vgt.s32 v11, v16;
	vm7 =	vgt.s32 v11, v63;
	v16 =	vsel vm4, $0xFFFFFFFF, v2  }
0xdf: {  	v10 =	vadd.s32 v10, v55;
	v12 =	vadd.s32 v12, v48;
	v9 =	vadd.s32 v9, v56  }
0xe0: {  	v19 =	vadd.s32 v19, v55;
	vm4 =	vgt.s32 v15, v14;
	v14 =	vsel vm6, $0xFFFFFFFF, v2  }
0xe1: {  	vm6 =	vgt.s32 v15, v10;
	v10 =	vsel vm4, $0x1, v2;
	v14 =	vadd.s32 v14, v60  }
0xe2: {  	v13 =	vadd.s32 v13, v48;
	v62 =	vsel vm3, $0xFFFFFFFF, v2;
	v10 =	vadd.s32 v10, v32  }
0xe3: {  	vm3 =	vgt.s32 v15, v0;
	v0 =	vsel vm5, $0x1, v2;
	vm4 =	vgt.s32 v11, v19  }
0xe4: {  	v16 =	vadd.s32 v16, v58;
	v19 =	vsel vm3, $0x1, v2;
	v32 =	vsel vm6, $0x1, v2  }
0xe5: {  	vm3 =	vgt.s32 v15, v16;
	v19 =	vadd.s32 v19, v39;
	v39 =	vsel vm7, $0x1, v2  }
0xe6: {  	vm5 =	vgt.s32 v11, v13;
	v16 =	vsel vm4, $0x1, v2;
	v13 =	vadd.s32 v32, v41  }
0xe7: {  	v32 =	vadd.s32 v39, v10;
	v10 =	vadd.s32 v62, v58;
	v41 =	vsel vm3, $0x1, v2  }
0xe8: {  	vm3 =	vgt.s32 v15, v12;
	vm4 =	vgt.s32 v11, v10;
	v10 =	vsel vm2, $0xFFFFFFFF, v2  }
0xe9: {  	v12 =	vsel vm5, $0x1, v2;
	v62 =	vsel vm4, $0x1, v2;
	v10 =	vadd.s32 v10, v60  }
0xea: {  	v39 =	vadd.s32 v0, v19;
	v0 =	vadd.s32 v41, v29;
	vm2 =	vgt.s32 v15, v10  }
.Ltmp1:
0xeb: {  	v29 =	vadd.s32 v62, v0;
	v0 =	vsel vm2, $0x1, v2;
	vm2 =	vgt.s32 v11, v14;
	(pc) =	sbr.rel @p0 .LBB2_4-.Ltmp1, $4  }
0xec: {  	v41 =	vadd.s32 v16, v13;
	v0 =	vadd.s32 v0, v30;
	v10 =	vsel vm2, $0x1, v2  }
0xed: {  	v13 =	vsel vm3, $0x1, v2;
	vm2 =	vgt.s32 v15, v9;
	v30 =	vadd.s32 v10, v0  }
0xee: {  	v0 =	vadd.s32 v13, v42;
	v9 =	vsel vm2, $0x1, v2;
	vm2 =	vgt.s32 v11, v40  }
0xef: {  	v42 =	vadd.s32 v12, v0;
	v61 =	vadd.s32 v9, v61;
	v62 =	vsel vm2, $0x1, v2  }
0xf0: {  	vm3 =	veq.s32 v1, $0x0  }
0xf1: {  	v55 =	vld [tilespmem:$0x1FFA0];
	v0 =	vsel vm3, $0x0, v45  }
0xf2: {  	v9 =	vsub.f32 v44, v46;
	v0 =	vsub.f32 v43, v0;
	_ =	sdelay $0x1  }
0xf3: {  	v0 =	vmul.f32 v9, v0;
	_ =	sdelay $0x1  }
0xf4: {  	v0 =	vadd.f32 v55, v0  }
0xf5: {  	v10 =	vsub.f32 v43, v47;
	v11 =	vsub.f32 v44, v50  }
0xf6: {  	v12 =	vsub.f32 v43, v49;
	v9 =	vand.u32 $0x7FFFFF, v0  }
0xf7: {  	v13 =	vsub.f32 v44, v51;
	v10 =	vmul.f32 v11, v10;
	v9 =	vor.u32 $0x3F800000, v9  }
0xf8: {  	v15 =	vsub.f32 v43, v52;
	v16 =	vsub.f32 v44, v53;
	v11 =	vmul.f32 $5.000000000e-01, v9  }
0xf9: {  	v12 =	vmul.f32 v13, v12;
	v14 =	vand.u32 $0x7FFFFF, v10;
	vm7 =	vgt.f32 v9, $1.414213540e+00  }
0xfa: {  	v15 =	vmul.f32 v16, v15;
	v9 =	vsel vm7, v11, v9;
	v11 =	vor.u32 $0x3F800000, v14  }
0xfb: {  	vm2 =	vmmov $0x3;
	v45 =	vand.u32 $0x7FFFFF, v12;
	v14 =	vmul.f32 $5.000000000e-01, v11  }
0xfc: {  	v15 =	vnsel vm2, $0x3F800000, v15;
	v46 =	vor.u32 $0x3F800000, v45;
	vm4 =	vgt.f32 v11, $1.414213540e+00  }
0xfd: {  	v40 =	vand.u32 $0x7FFFFF, v15;
	v44 =	vadd.f32 $1.000000000e+00, v9;
	v11 =	vsel vm4, v14, v11  }
0xfe: {  	v19 =	vmul.f32 $5.000000000e-01, v46;
	v48 =	vor.u32 $0x3F800000, v40;
	v47 =	vadd.f32 $1.000000000e+00, v11  }
0xff: {  	vm6 =	vgt.f32 v46, $1.414213540e+00;
	v49 =	vmul.f32 $5.000000000e-01, v48;
	(erf) = vrcp.f32 v44  }
0x100: {  	vm5 =	vgt.f32 v48, $1.414213540e+00;
	v14 =	vsel vm6, v19, v46;
	(erf) = vrcp.f32 v47  }
0x101: {  	v13 =	vsel vm5, v49, v48;
	v19 =	vadd.f32 $1.000000000e+00, v14  }
0x102: {  	v16 =	vadd.f32 $1.000000000e+00, v13  }
0x103: {  	(erf) = vrcp.f32 v19  }
0x104: {  	(erf) = vrcp.f32 v16;
	_ =	sdelay $0x2  }
0x105: {  	v9 =	vadd.f32 $-1.000000000e+00, v9  }
0x106: {  	v11 =	vadd.f32 $-1.000000000e+00, v11;
	v50 =	vpop (erf)  }
0x107: {  	v9 =	vmul.f32 v50, v9;
	v51 =	vpop (erf)  }
0x108: {  	v11 =	vmul.f32 v51, v11  }
0x109: {  	v10 =	vshra.s32 v10, $0x17;
	v14 =	vadd.f32 $-1.000000000e+00, v14;
	v16 =	vmul.f32 v9, v9  }
0x10a: {  	v12 =	vshra.s32 v12, $0x17;
	v13 =	vadd.f32 $-1.000000000e+00, v13;
	v52 =	vpop (erf);
	v19 =	vmul.f32 v11, v11  }
0x10b: {  	v15 =	vshra.s32 v15, $0x17;
	v14 =	vmul.f32 v52, v14;
	v53 =	vmul.f32 $1.111111120e-01, v16;
	v56 =	vpop (erf)  }
0x10c: {  	v0 =	vshra.s32 v0, $0x17;
	v13 =	vmul.f32 v56, v13;
	v54 =	vmul.f32 $1.111111120e-01, v19  }
0x10d: {  	v50 =	vimm.s32 $0xFFFFFF81;
	v57 =	vmul.f32 v14, v14;
	v40 =	vadd.f32 $1.428571490e-01, v53  }
0x10e: {  	v9 =	vadd.f32 v9, v9;
	v60 =	vmul.f32 v13, v13;
	v43 =	vadd.f32 $1.428571490e-01, v54  }
0x10f: {  	v52 =	vsel vm7, $0xFFFFFF82, v50;
	v58 =	vmul.f32 $1.111111120e-01, v57;
	v40 =	vmul.f32 v40, v16  }
0x110: {  	v0 =	vadd.s32 v0, v52;
	v63 =	vmul.f32 $1.111111120e-01, v60;
	v43 =	vmul.f32 v43, v19  }
0x111: {  	v0 =	vcvt.s32.f32 v0;
	v44 =	vadd.f32 $1.428571490e-01, v58;
	v40 =	vadd.f32 $2.000000030e-01, v40  }
0x112: {  	v47 =	vadd.f32 $1.428571490e-01, v63;
	v48 =	vadd.f32 $2.000000030e-01, v43;
	v43 =	vadd.s32 v62, v61  }
0x113: {  	v11 =	vadd.f32 v11, v11;
	v44 =	vmul.f32 v44, v57;
	v40 =	vmul.f32 v40, v16  }
0x114: {  	[tilespmem:v42+s9+$0x0] =	vst.idx.msk $0xffff, v33;
	v14 =	vadd.f32 v14, v14;
	v0 =	vmul.f32 $6.931471820e-01, v0;
	v47 =	vmul.f32 v47, v60  }
0x115: {  	[tilespmem:v39+s9+$0x0] =	vst.idx.msk $0xffff, v36;
	v62 =	vsel vm6, $0xFFFFFF82, v50;
	v44 =	vadd.f32 $2.000000030e-01, v44;
	v40 =	vadd.f32 $3.333333430e-01, v40  }
0x116: {  	[tilespmem:v41+s9+$0x0] =	vst.idx.msk $0xffff, v37;
	v12 =	vadd.s32 v12, v62;
	v48 =	vmul.f32 v48, v19;
	v47 =	vadd.f32 $2.000000030e-01, v47  }
0x117: {  	v13 =	vadd.f32 v13, v13;
	v12 =	vcvt.s32.f32 v12;
	v44 =	vmul.f32 v44, v57;
	[tilespmem:v43+s9+$0x0] =	vst.idx.msk $0xffff, v38  }
0x118: {  	v16 =	vmul.f32 v40, v16;
	v48 =	vadd.f32 $3.333333430e-01, v48;
	v47 =	vmul.f32 v47, v60;
	[tilespmem:v32+s9+$0x0] =	vst.idx.msk $0xffff, v34  }
0x119: {  	v12 =	vmul.f32 $6.931471820e-01, v12;
	v53 =	vadd.f32 $3.333333430e-01, v44;
	v44 =	vnsel vm0, $0x0, v59;
	[tilespmem:v29+s9+$0x0] =	vst.idx.msk $0xffff, v31  }
0x11a: {  	v16 =	vadd.f32 $1.000000000e+00, v16;
	v59 =	vsel vm4, $0xFFFFFF82, v50;
	v19 =	vmul.f32 v48, v19;
	[tilespmem:v30+s9+$0x0] =	vst.idx.msk $0xffff, v44  }
0x11b: {  	v54 =	vadd.f32 $3.333333430e-01, v47;
	v10 =	vadd.s32 v10, v59;
	v40 =	vmul.f32 v53, v57;
	v57 =	vld [tilespmem:$0x280]  }
0x11c: {  	v48 =	vsel vm5, $0xFFFFFF82, v50;
	v9 =	vmul.f32 v16, v9;
	v10 =	vcvt.s32.f32 v10  }
0x11d: {  	v15 =	vadd.s32 v15, v48;
	v56 =	vadd.f32 $1.000000000e+00, v19;
	v45 =	vmul.f32 v54, v60;
	v61 =	vld [tilespmem:$0x290]  }
0x11e: {  	v15 =	vcvt.s32.f32 v15;
	v40 =	vadd.f32 $1.000000000e+00, v40;
	v10 =	vmul.f32 $6.931471820e-01, v10  }
0x11f: {  	v63 =	vld [tilespmem:$0x2A0];
	v0 =	vadd.f32 v9, v0;
	v11 =	vmul.f32 v56, v11;
	v58 =	vadd.f32 $1.000000000e+00, v45  }
0x120: {  	v15 =	vmul.f32 $6.931471820e-01, v15;
	v14 =	vmul.f32 v40, v14;
	v19 =	vsub.f32 $0.0e+00, v57  }
0x121: {  	v13 =	vmul.f32 v58, v13;
	v60 =	vmul.f32 $1.442695020e+00, v57  }
0x122: {  	(xrf2) =	vadd.scan.msk.f32 $0xffff, v0;
	v10 =	vadd.f32 v11, v10;
	v40 =	vsub.f32 $0.0e+00, v61;
	v19 =	vmul.f32 $1.442695020e+00, v19  }
0x123: {  	v0 =	vadd.f32 v14, v12;
	v49 =	vmul.f32 $1.442695020e+00, v61;
	(erf) = vpow2.f32 v60  }
0x124: {  	v52 =	vsub.f32 $0.0e+00, v63;
	(xrf2) =	vadd.scan.msk.f32 $0xffff, v10;
	v51 =	vmul.f32 $1.442695020e+00, v40;
	(erf) = vpow2.f32 v19  }
0x125: {  	v16 =	vmul.f32 $1.442695020e+00, v63;
	v53 =	vadd.f32 v13, v15;
	(erf) = vpow2.f32 v49  }
0x126: {  	v11 =	vld [tilespmem:$0x2B0];
	v9 =	vmul.f32 $1.442695020e+00, v52;
	(erf) = vpow2.f32 v51  }
0x127: {  	(xrf2) =	vadd.scan.msk.f32 $0xffff, v0;
	v0 =	vnsel vm2, $0x0, v53;
	(erf) = vpow2.f32 v16  }
0x128: {  	v59 =	vld [tilespmem:$0x1FF80];
	(xrf2) =	vadd.scan.msk.f32 $0xffff, v0;
	(erf) = vpow2.f32 v9;
	v9 =	vsub.f32 $0.0e+00, v24  }
0x129: {  	vm14 =	vlt.s32 v28, $0x32;
	v54 =	vld [tilespmem:$0x2C0];
	v10 =	vsub.f32 $0.0e+00, v25  }
0x12a: {  	vm15 =	vlt.s32 v26, $0x32;
	v0 =	vsel vm14, v24, v9  }
0x12b: {  	v63 =	vld [tilespmem:$0x1FF90];
	v56 =	vsub.f32 $0.0e+00, v11;
	(xrf2) =	vadd.scan.msk.f32 $0xffff, v0;
	v0 =	vsel vm15, v25, v10  }
0x12c: {  	vm8 =	vlt.s32 v27, $0x32;
	vm10 =	vlt.s32 v21, $0x32;
	v25, _, _ =	vpop (xrf2);
	(xrf2) =	vadd.scan.msk.f32 $0xffff, v0;
	v0 =	vmul.f32 $1.442695020e+00, v11  }
0x12d: {  	vm9 =	vlt.s32 v59, $0x32;
	v13 =	vmul.f32 $1.442695020e+00, v56;
	v10 =	vsub.f32 $0.0e+00, v23;
	v9 =	vpop (erf)  }
0x12e: {  	v58 =	vsub.f32 $0.0e+00, v22;
	v28, _, _ =	vpop (xrf2);
	(erf) = vpow2.f32 v0;
	v0 =	vmul.f32 $1.442695020e+00, v54  }
0x12f: {  	v61 =	vsub.f32 $0.0e+00, v20;
	v57 =	vpop (erf);
	v10 =	vsel vm8, v23, v10;
	(erf) = vpow2.f32 v13  }
0x130: {  	v15 =	vsel vm9, v22, v58;
	v11 =	vpop (erf);
	(xrf2) =	vadd.scan.msk.f32 $0xffff, v10;
	v10 =	vsub.f32 $0.0e+00, v63;
	(erf) = vpow2.f32 v0;
	v0 =	vld [tilespmem:$0x2D0]  }
0x131: {  	vm11 =	vlt.s32 v17, $0x32;
	v27 =	vsub.f32 $0.0e+00, v35;
	v26 =	vsel vm10, v20, v61;
	v40, _, _ =	vpop (xrf2);
	(xrf2) =	vadd.scan.msk.f32 $0xffff, v15  }
0x132: {  	vm12 =	vlt.s32 v18, $0x32;
	v45, _, _ =	vpop (xrf2);
	(xrf2) =	vadd.scan.msk.f32 $0xffff, v26;
	v10 =	vsel vm11, v63, v10  }
0x133: {  	v12 =	vsub.f32 $0.0e+00, v54;
	v60 =	vpop (erf);
	(xrf2) =	vadd.scan.msk.f32 $0xffff, v10;
	v10 =	vsel vm12, v35, v27  }
0x134: {  	v62 =	vpop (erf);
	(xrf2) =	vadd.scan.msk.f32 $0xffff, v10  }
0x135: {  	v24 =	vpop (erf);
	(xrf2) =	vadd.scan.msk.f32 $0xffff, v9;
	v9 =	vmul.f32 $1.442695020e+00, v12;
	v46 =	vsub.f32 $0.0e+00, v0  }
0x136: {  	v10, _, _ =	vpop (xrf2);
	v0 =	vmul.f32 $1.442695020e+00, v0  }
0x137: {  	v48 =	vpop (erf);
	(erf) = vpow2.f32 v9;
	v9 =	vmul.f32 $1.442695020e+00, v46  }
0x138: {  	v47, _, _ =	vpop (xrf2)  }
0x139: {  	(v2sf) =	vpush v25, $0xF;
	v49 =	vpop (erf);
	(erf) = vpow2.f32 v0  }
0x13a: {  	(v2sf) =	vpush v28, $0xF;
	(xrf2) =	vadd.scan.msk.f32 $0xffff, v57;
	v0 =	vpop (erf);
	(erf) = vpow2.f32 v9  }
0x13b: {  	(v2sf) =	vpush v40, $0xF;
	v9, _, _ =	vpop (xrf2);
	(xrf2) =	vadd.scan.msk.f32 $0xffff, v11  }
0x13c: {  	(v2sf) =	vpush v45, $0xF;
	v11, _, _ =	vpop (xrf2);
	(xrf2) =	vadd.scan.msk.f32 $0xffff, v60  }
0x13d: {  	(v2sf) =	vpush v10, $0xF;
	v10, _, _ =	vpop (xrf2);
	(xrf2) =	vadd.scan.msk.f32 $0xffff, v62  }
0x13e: {  	(v2sf) =	vpush v47, $0xF;
	v51, _, _ =	vpop (xrf2);
	(xrf2) =	vadd.scan.msk.f32 $0xffff, v24  }
0x13f: {  	(v2sf) =	vpush v9, $0xF;
	v9, _, _ =	vpop (xrf2);
	(xrf2) =	vadd.scan.msk.f32 $0xffff, v48  }
0x140: {  	(v2sf) =	vpush v11, $0xF;
	v11, _, _ =	vpop (xrf2);
	(xrf2) =	vadd.scan.msk.f32 $0xffff, v49  }
0x141: {  	(v2sf) =	vpush v10, $0xF;
	v10 =	vpop (erf);
	(xrf2) =	vadd.scan.msk.f32 $0xffff, v0  }
0x142: {  	(v2sf) =	vpush v51, $0xF;
	v0 =	vpop (erf)  }
0x143: {  	(v2sf) =	vpush v9, $0xF;
	(xrf2) =	vadd.scan.msk.f32 $0xffff, v10;
	v9 =	vpop (erf)  }
0x144: {  	(v2sf) =	vpush v11, $0xF;
	v10, _, _ =	vpop (xrf2);
	(xrf2) =	vadd.scan.msk.f32 $0xffff, v0  }
0x145: {  	v0 =	vld [tilespmem:$0x2E0];
	(v2sf) =	vpush v10, $0xF;
	(xrf2) =	vadd.scan.msk.f32 $0xffff, v9;
	v9, _, _ =	vpop (xrf2)  }
0x146: {  	v52, _, _ =	vpop (xrf2);
	(v2sf) =	vpush v9, $0xF  }
0x147: {  	v53, _, _ =	vpop (xrf2);
	(v2sf) =	vpush v52, $0xF  }
0x148: {  	s17 =	spop (v2sf);
	v54, _, _ =	vpop (xrf2);
	(v2sf) =	vpush v53, $0xF  }
0x149: {  	s18 =	spop (v2sf);
	(v2sf) =	vpush v54, $0xF;
	v57, _, _ =	vpop (xrf2)  }
0x14a: {  	s16 =	spop (v2sf);
	v56 =	vsub.f32 $0.0e+00, v0;
	v0 =	vmul.f32 $1.442695020e+00, v0;
	v58, _, _ =	vpop (xrf2);
	(v2sf) =	vpush v57, $0xF  }
0x14b: {  	s15 =	spop (v2sf);
	(v2sf) =	vpush v58, $0xF;
	v59, _, _ =	vpop (xrf2)  }
0x14c: {  	s22 =	spop (v2sf);
	v15 =	vmul.f32 $1.442695020e+00, v56;
	(v2sf) =	vpush v59, $0xF  }
0x14d: {  	s25 =	spop (v2sf);
	(erf) = vpow2.f32 v0  }
0x14e: {  	s23 =	spop (v2sf);
	v0, _, _ =	vpop (xrf2);
	(erf) = vpow2.f32 v15  }
0x14f: {  	s24 =	spop (v2sf);
	(v2sf) =	vpush v0, $0xF;
	v60, _, _ =	vpop (xrf2)  }
0x150: {  	s21 =	spop (v2sf);
	v61, _, _ =	vpop (xrf2);
	(v2sf) =	vpush v60, $0xF  }
0x151: {  	s20 =	spop (v2sf);
	(v2sf) =	vpush v61, $0xF  }
0x152: {  	s19 =	spop (v2sf)  }
0x153: {  	s26 =	spop (v2sf)  }
0x154: {  	s26 =	sadd.f32 $0.0e+00, s26;
	s28 =	spop (v2sf)  }
0x155: {  	v10 =	vadd.f32 $0.0e+00, v10;
	s28 =	sadd.f32 $0.0e+00, s28;
	s29 =	spop (v2sf)  }
0x156: {  	v62 =	vpop (erf);
	v9 =	vadd.f32 s26, v9;
	s26 =	sadd.f32 s29, s26;
	s31 =	spop (v2sf)  }
0x157: {  	[tilespmem:$0x380] =	vst v10;
	(xrf2) =	vadd.scan.msk.f32 $0xffff, v62;
	v63 =	vpop (erf);
	v10 =	vadd.f32 s28, v52;
	s28 =	sadd.f32 s31, s28;
	s30 =	spop (v2sf)  }
0x158: {  	[tilespmem:$0x310] =	vst v9;
	(xrf2) =	vadd.scan.msk.f32 $0xffff, v63;
	v9 =	vadd.f32 s26, v53;
	s26 =	sadd.f32 s30, s26;
	s31 =	spop (v2sf)  }
0x159: {  	[tilespmem:$0x390] =	vst v10;
	v10 =	vadd.f32 s28, v54;
	s28 =	sadd.f32 s31, s28;
	s30 =	spop (v2sf)  }
0x15a: {  	[tilespmem:$0x320] =	vst v9;
	v9 =	vadd.f32 s26, v57;
	s26 =	sadd.f32 s30, s26;
	s31 =	spop (v2sf)  }
0x15b: {  	[tilespmem:$0x3A0] =	vst v10;
	v10 =	vadd.f32 s28, v58;
	s28 =	sadd.f32 s31, s28;
	s30 =	spop (v2sf)  }
0x15c: {  	[tilespmem:$0x330] =	vst v9;
	v9 =	vadd.f32 s26, v59;
	s26 =	sadd.f32 s30, s26  }
0x15d: {  	v11 =	vadd.f32 $0.0e+00, v11;
	v0 =	vadd.f32 s28, v0  }
0x15e: {  	s31 =	spop (v2sf);
	[tilespmem:$0x340] =	vst v9;
	v9 =	vadd.f32 s26, v60  }
0x15f: {  	[tilespmem:$0x300] =	vst v11;
	s28 =	sadd.f32 s31, s28;
	s30 =	spop (v2sf)  }
0x160: {  	v53 =	vld [tilespmem:$0x1FFC0];
	[tilespmem:$0x3B0] =	vst v10;
	s26 =	sadd.f32 s30, s26;
	s31 =	spop (v2sf)  }
0x161: {  	v51 =	vimm.s32 $0x32;
	v10 =	vadd.f32 s28, v61;
	s28 =	sadd.f32 s31, s28;
	[tilespmem:$0x3C0] =	vst v0;
	v0, _, _ =	vpop (xrf2)  }
0x162: {  	v52 =	vimm.s32 $0x63;
	[tilespmem:$0x350] =	vst v9;
	v0 =	vadd.f32 s26, v0;
	v9, _, _ =	vpop (xrf2)  }
0x163: {  	[tilespmem:$0x3D0] =	vst v10;
	v9 =	vadd.f32 s28, v9  }
0x164: {  	[tilespmem:$0x360] =	vst v0  }
0x165: {  	[tilespmem:$0x3E0] =	vst v9  }
0x166: {  	v0 =	vld.idx.msk [tilespmem:v51+s10+$0x0], $0xffff  }
0x167: {  	v9 =	vld.idx.msk [tilespmem:v52+s11+$0x0], $0xffff  }
0x168: {  	v10 =	vld.idx.msk [tilespmem:v53+s10+$0x0], $0xffff  }
0x169: {  	v11 =	vld.idx.msk [tilespmem:v5+s11+$0x0], $0xffff;
	_ =	sdelay $0x2  }
0x16a: {  	v54 =	vld [tilespmem:$0x1FFD0]  }
0x16b: {  	v10 =	vsel vm3, $0x0, v10  }
0x16c: {  	v11 =	vsub.f32 v9, v11;
	v10 =	vsub.f32 v0, v10;
	_ =	sdelay $0x1  }
0x16d: {  	v57 =	vld [tilespmem:$0x1FFF0];
	v10 =	vmul.f32 v11, v10;
	_ =	sdelay $0x1  }
0x16e: {  	v10 =	vadd.f32 v55, v10;
	v55 =	vld [tilespmem:$0x1FFE0];
	_ =	sdelay $0x1  }
0x16f: {  	v21 =	vld.idx.msk [tilespmem:v54+s10+$0x0], $0xffff  }
0x170: {  	v11 =	vld.idx.msk [tilespmem:v6+s11+$0x0], $0xffff;
	_ =	sdelay $0x1  }
0x171: {  	v24 =	vld.idx.msk [tilespmem:v7+s11+$0x0], $0xffff  }
0x172: {  	v25 =	vld.idx.msk [tilespmem:v57+s10+$0x0], $0xffff  }
0x173: {  	v27 =	vld.idx.msk [tilespmem:v8+s11+$0x0], $0xffff  }
0x174: {  	v12 =	vsub.f32 v0, v21;
	v23 =	vand.u32 $0x7FFFFF, v10;
	v11 =	vsub.f32 v9, v11;
	v22 =	vld.idx.msk [tilespmem:v55+s10+$0x0], $0xffff  }
0x175: {  	v14 =	vor.u32 $0x3F800000, v23  }
0x176: {  	v26 =	vmul.f32 $5.000000000e-01, v14;
	v11 =	vmul.f32 v11, v12  }
0x177: {  	v15 =	vsub.f32 v9, v24;
	vm13 =	vgt.f32 v14, $1.414213540e+00  }
0x178: {  	v9 =	vsub.f32 v9, v27;
	v28 =	vsel vm13, v26, v14;
	v35 =	vand.u32 $0x7FFFFF, v11  }
0x179: {  	v14 =	vor.u32 $0x3F800000, v35;
	v13 =	vsub.f32 v0, v22;
	v0 =	vsub.f32 v0, v25  }
0x17a: {  	v17 =	vadd.f32 $1.000000000e+00, v28;
	v40 =	vmul.f32 $5.000000000e-01, v14  }
0x17b: {  	v13 =	vmul.f32 v15, v13;
	v0 =	vmul.f32 v9, v0  }
0x17c: {  	(erf) = vrcp.f32 v17;
	vm14 =	vgt.f32 v14, $1.414213540e+00  }
0x17d: {  	v9 =	vsel vm14, v40, v14;
	v45 =	vand.u32 $0x7FFFFF, v13;
	v0 =	vnsel vm2, $0x3F800000, v0  }
0x17e: {  	v15 =	vadd.f32 $1.000000000e+00, v9;
	v46 =	vor.u32 $0x3F800000, v45;
	v47 =	vand.u32 $0x7FFFFF, v0  }
0x17f: {  	v16 =	vmul.f32 $5.000000000e-01, v46;
	v48 =	vor.u32 $0x3F800000, v47  }
0x180: {  	(erf) = vrcp.f32 v15;
	vm3 =	vgt.f32 v46, $1.414213540e+00;
	v17 =	vmul.f32 $5.000000000e-01, v48  }
0x181: {  	vm15 =	vgt.f32 v48, $1.414213540e+00;
	v14 =	vsel vm3, v16, v46  }
0x182: {  	v16 =	vadd.f32 $1.000000000e+00, v14;
	v15 =	vsel vm15, v17, v48  }
0x183: {  	v17 =	vadd.f32 $1.000000000e+00, v15  }
0x184: {  	(erf) = vrcp.f32 v16  }
0x185: {  	v49 =	vpop (erf);
	(erf) = vrcp.f32 v17  }
0x186: {  	v12 =	vadd.f32 $-1.000000000e+00, v28;
	_ =	sdelay $0x1  }
0x187: {  	v9 =	vadd.f32 $-1.000000000e+00, v9;
	v12 =	vmul.f32 v49, v12  }
0x188: {  	v56 =	vpop (erf)  }
0x189: {  	v16 =	vmul.f32 v12, v12;
	v9 =	vmul.f32 v56, v9;
	_ =	sdelay $0x1  }
0x18a: {  	v58 =	vmul.f32 $1.111111120e-01, v16;
	v61 =	vmul.f32 v9, v9  }
0x18b: {  	v14 =	vadd.f32 $-1.000000000e+00, v14;
	v15 =	vadd.f32 $-1.000000000e+00, v15;
	v60 =	vpop (erf)  }
0x18c: {  	v59 =	vadd.f32 $1.428571490e-01, v58;
	v62 =	vmul.f32 $1.111111120e-01, v61;
	v27 =	vpop (erf)  }
0x18d: {  	v10 =	vshra.s32 v10, $0x17;
	v14 =	vmul.f32 v60, v14;
	v15 =	vmul.f32 v27, v15  }
0x18e: {  	v40 =	vsel vm13, $0xFFFFFF82, v50;
	v17 =	vmul.f32 v59, v16;
	v18 =	vadd.f32 $1.428571490e-01, v62  }
0x18f: {  	v10 =	vadd.s32 v10, v40;
	v63 =	vmul.f32 v14, v14;
	v35 =	vmul.f32 v15, v15  }
0x190: {  	v11 =	vshra.s32 v11, $0x17;
	v10 =	vcvt.s32.f32 v10;
	v18 =	vmul.f32 v18, v61  }
0x191: {  	v17 =	vadd.f32 $2.000000030e-01, v17;
	v28 =	vmul.f32 $1.111111120e-01, v63;
	v45 =	vmul.f32 $1.111111120e-01, v35  }
0x192: {  	v13 =	vshra.s32 v13, $0x17;
	v46 =	vsel vm14, $0xFFFFFF82, v50;
	v18 =	vadd.f32 $2.000000030e-01, v18  }
0x193: {  	v17 =	vmul.f32 v17, v16;
	v21 =	vadd.f32 $1.428571490e-01, v28;
	v48 =	vadd.f32 $1.428571490e-01, v45  }
0x194: {  	v0 =	vshra.s32 v0, $0x17;
	v11 =	vadd.s32 v11, v46;
	v18 =	vmul.f32 v18, v61  }
0x195: {  	v17 =	vadd.f32 $3.333333430e-01, v17;
	v47 =	vmul.f32 v21, v63;
	v21 =	vmul.f32 v48, v35  }
0x196: {  	v10 =	vmul.f32 $6.931471820e-01, v10;
	v11 =	vcvt.s32.f32 v11;
	v18 =	vadd.f32 $3.333333430e-01, v18  }
0x197: {  	v16 =	vmul.f32 v17, v16;
	v17 =	vadd.f32 $2.000000030e-01, v47;
	v49 =	vadd.f32 $2.000000030e-01, v21  }
0x198: {  	v12 =	vadd.f32 v12, v12;
	v59 =	vsel vm3, $0xFFFFFF82, v50;
	v18 =	vmul.f32 v18, v61  }
0x199: {  	v13 =	vadd.s32 v13, v59;
	v17 =	vmul.f32 v17, v63;
	v58 =	vmul.f32 v49, v35  }
0x19a: {  	v9 =	vadd.f32 v9, v9;
	v13 =	vcvt.s32.f32 v13;
	v56 =	vadd.f32 $1.000000000e+00, v18  }
0x19b: {  	v11 =	vmul.f32 $6.931471820e-01, v11;
	v17 =	vadd.f32 $3.333333430e-01, v17;
	v18 =	vadd.f32 $3.333333430e-01, v58  }
0x19c: {  	v13 =	vmul.f32 $6.931471820e-01, v13;
	v16 =	vadd.f32 $1.000000000e+00, v16;
	v61 =	vsel vm15, $0xFFFFFF82, v50  }
0x19d: {  	v0 =	vadd.s32 v0, v61;
	v17 =	vmul.f32 v17, v63;
	v18 =	vmul.f32 v18, v35  }
0x19e: {  	v14 =	vadd.f32 v14, v14;
	v15 =	vadd.f32 v15, v15;
	v0 =	vcvt.s32.f32 v0  }
0x19f: {  	v12 =	vmul.f32 v16, v12;
	v60 =	vadd.f32 $1.000000000e+00, v17;
	v62 =	vadd.f32 $1.000000000e+00, v18  }
0x1a0: {  	v9 =	vmul.f32 v56, v9;
	v0 =	vmul.f32 $6.931471820e-01, v0  }
0x1a1: {  	v10 =	vadd.f32 v12, v10;
	v14 =	vmul.f32 v60, v14;
	v63 =	vmul.f32 v62, v15  }
0x1a2: {  	v9 =	vadd.f32 v9, v11  }
0x1a3: {  	(xrf2) =	vadd.scan.msk.f32 $0xffff, v10;
	v10 =	vadd.f32 v14, v13;
	v0 =	vadd.f32 v63, v0  }
0x1a4: {  	(xrf2) =	vadd.scan.msk.f32 $0xffff, v9;
	v9 =	vsub.f32 $0.0e+00, v33  }
0x1a5: {  	(xrf2) =	vadd.scan.msk.f32 $0xffff, v10;
	v0 =	vnsel vm2, $0x0, v0;
	vm2 =	vlt.s32 v42, $0x32  }
0x1a6: {  	(xrf2) =	vadd.scan.msk.f32 $0xffff, v0;
	v0 =	vsel vm2, v33, v9;
	v9 =	vsub.f32 $0.0e+00, v36  }
0x1a7: {  	vm2 =	vlt.s32 v39, $0x32  }
0x1a8: {  	(xrf2) =	vadd.scan.msk.f32 $0xffff, v0;
	v0 =	vsel vm2, v36, v9;
	v9 =	vsub.f32 $0.0e+00, v37  }
0x1a9: {  	vm2 =	vlt.s32 v41, $0x32  }
0x1aa: {  	(xrf2) =	vadd.scan.msk.f32 $0xffff, v0;
	v0 =	vsel vm2, v37, v9;
	v9 =	vsub.f32 $0.0e+00, v38  }
0x1ab: {  	vm2 =	vlt.s32 v43, $0x32  }
0x1ac: {  	(xrf2) =	vadd.scan.msk.f32 $0xffff, v0;
	v0 =	vsel vm2, v38, v9;
	v9 =	vsub.f32 $0.0e+00, v34  }
0x1ad: {  	vm2 =	vlt.s32 v32, $0x32  }
0x1ae: {  	v10, _, _ =	vpop (xrf2);
	(xrf2) =	vadd.scan.msk.f32 $0xffff, v0;
	v9 =	vsel vm2, v34, v9  }
0x1af: {  	(v2sf) =	vpush v10, $0xF;
	v10 =	vsub.f32 $0.0e+00, v31;
	v0, _, _ =	vpop (xrf2)  }
0x1b0: {  	vm2 =	vlt.s32 v29, $0x32;
	(xrf2) =	vadd.scan.msk.f32 $0xffff, v9;
	(v2sf) =	vpush v0, $0xF;
	v0, _, _ =	vpop (xrf2)  }
0x1b1: {  	v9, _, _ =	vpop (xrf2);
	(v2sf) =	vpush v0, $0xF;
	v0 =	vsel vm2, v31, v10;
	v10 =	vsub.f32 $0.0e+00, v44  }
0x1b2: {  	vm2 =	vlt.s32 v30, $0x32;
	(v2sf) =	vpush v9, $0xF;
	v9, _, _ =	vpop (xrf2);
	(xrf2) =	vadd.scan.msk.f32 $0xffff, v0  }
0x1b3: {  	(v2sf) =	vpush v9, $0xF;
	v0 =	vsel vm2, v44, v10  }
0x1b4: {  	v9, _, _ =	vpop (xrf2);
	(xrf2) =	vadd.scan.msk.f32 $0xffff, v0  }
0x1b5: {  	(v2sf) =	vpush v9, $0xF  }
0x1b6: {  	v0, _, _ =	vpop (xrf2)  }
0x1b7: {  	(v2sf) =	vpush v0, $0xF  }
0x1b8: {  	s22 =	sadd.f32 $0.0e+00, s22;
	v0, _, _ =	vpop (xrf2)  }
0x1b9: {  	(v2sf) =	vpush v0, $0xF  }
0x1ba: {  	s22 =	sadd.f32 s25, s22;
	v0, _, _ =	vpop (xrf2)  }
0x1bb: {  	s17 =	sadd.f32 $0.0e+00, s17;
	(v2sf) =	vpush v0, $0xF  }
0x1bc: {  	s22 =	sadd.f32 s23, s22;
	v0, _, _ =	vpop (xrf2)  }
0x1bd: {  	s17 =	sadd.f32 s18, s17;
	(v2sf) =	vpush v0, $0xF  }
0x1be: {  	s26 =	sadd.f32 s24, s22;
	s28 =	spop (v2sf);
	v0, _, _ =	vpop (xrf2)  }
0x1bf: {  	s16 =	sadd.f32 s16, s17;
	s29 =	spop (v2sf);
	(v2sf) =	vpush v0, $0xF  }
0x1c0: {  	s18 =	sadd.f32 s21, s26;
	s30 =	spop (v2sf)  }
0x1c1: {  	s15 =	sadd.f32 s15, s16;
	s31 =	spop (v2sf)  }
0x1c2: {  	s18 =	sadd.f32 s20, s18;
	s23 =	spop (v2sf)  }
0x1c3: {  	s20 =	sadd.f32 $0.0e+00, s23  }
0x1c4: {  	s18 =	sadd.f32 s19, s18;
	s24 =	spop (v2sf)  }
0x1c5: {  	s19 =	sadd.f32 s24, s20  }
0x1c6: {  	s15 =	ssub.f32 s18, s15;
	s25 =	spop (v2sf)  }
0x1c7: {  	s18 =	sadd.f32 s25, s19  }
0x1c8: {  	s28 =	sadd.f32 $0.0e+00, s28;
	s26 =	spop (v2sf)  }
0x1c9: {  	s18 =	sadd.f32 s26, s18  }
0x1ca: {  	s17 =	sadd.f32 s29, s28;
	s29 =	spop (v2sf)  }
0x1cb: {  	s18 =	sadd.f32 s29, s18  }
0x1cc: {  	s17 =	sadd.f32 s30, s17;
	s30 =	spop (v2sf)  }
0x1cd: {  	s18 =	sadd.f32 s30, s18  }
0x1ce: {  	s16 =	sadd.f32 s31, s17;
	s31 =	spop (v2sf)  }
0x1cf: {  	s17 =	sadd.f32 s31, s18  }
0x1d0: {  	s15 =	sadd.f32 $0.0e+00, s15  }
0x1d1: {  	s16 =	ssub.f32 s17, s16;
	_ =	sdelay $0x1  }
0x1d2: {  	s15 =	sadd.f32 s16, s15;
	_ =	sdelay $0x1  }
0x1d3: {  	s14 =	sadd.s32 $0x1, s14;
	v0 =	vmov s15  }
0x1d4: {  	p0 =	sne.s32 s14, s6;
	v0 =	vnsel vm1, $0x0, v0  }
.Ltmp2:
0x1d5: {  	[tilespmem:$0x400] =	vst v0;
	(pc) =	sbr.rel @p0 .LBB2_1-.Ltmp2, $4  }
0x1d6: {  	[hbm4b:s5+s2] =	stream.linear.scatter [tilespmem:s12], [sflag:$0x1], $0x10, $0x38;
	[tilespmem:$0x480] =	vst v63  }
0x1d7: {  	_ =	swait.ge [sflag:s13], $0x10  }
0x1d8: {  	[sflag:s13] =	ssyncset.done $0x0  }
0x1d9: {  	v0 =	vld [tilespmem:$0x1FFB0];
	[sflag:s13] =	ssyncadd.s32 $0xFFFFFFF0  }
0x1da: {  	_ =	sfence.sel $0x180000  }
0x1db: {  	[bflag:$0x0] =	sbarrier.arrive $0xFFFF  }
0x1dc: {  	p0 =	sne.s32 s0, $0x0;
	_ =	strace $0x90000047  }
0x1dd: {  	s0 =	sadd.s32 @!p0 $0x100000, s1;
	[bflag:$0x2] =	sbarrier.arrive $0xFFFF  }
0x1de: {  	[sflag:s0] =	ssyncadd.tile.s32 @!p0 $0x1;
	_ =	shalt  }
.Lfunc_end2:
_tile_overlayer_lowered:
.L_overlay_start_2:
0x1df: {  	(tag) =	ssettag $0x2  }
0x1e0: {  	s0 =	rddreg [dreg:$0x0];
	s2 =	stileid.u32  }
0x1e1: {  	s1 =	rddreg [dreg:$0x1];
	p0 =	sne.s32 s2, $0x0  }
0x1e2: {  	s3 =	rddreg [dreg:$0x2];
	[bflag:$0x3] =	sbarrier.arrive $0xFFFF;
	s2 =	simm.s32 @!p0 $0x1C01  }
0x1e3: {  	[timem:s3], [sflag:s2] =	dma.local @!p0 [hbm:s0], s1  }
0x1e4: {  	s0 =	simm.s32 @!p0 $0x1  }
0x1e5: {  	_ =	swait.ge @!p0 [sflag:s0], s1  }
0x1e6: {  	s1 =	ssub.s32 @!p0 $0x0, s1;
	[sflag:s0] =	ssyncset.done @!p0 $0x0  }
0x1e7: {  	[sflag:s0] =	ssyncadd.s32 @!p0 s1  }
0x1e8: {  	[bflag:$0x3] =	sbarrier.arrive $0xFFFF  }
0x1e9: {  	_ =	shalt  }

</sc_bundles>
